<compile_context>
chip_gen: v7x
topology: tpu7x:2x2x1
jax: 0.10.2.dev20260603
libtpu: 0.0.44.dev20260713+nightly
codegen_flags: <defaults>
</compile_context>

<pallas_src>
import jax
import jax.numpy as jnp
from jax import lax
from jax.experimental import pallas as pl
from jax.experimental.pallas import tpu as pltpu
from jax.experimental.pallas import tpu_sc as plsc

N = 10000
E = 320000
D = 128
DH = D // 2
NC = 2
NS = 16
NW = NC * NS
E2 = 327680
EPT = E2 // NS
K = 128
NCHUNK = EPT // K
NPAIR = NCHUNK // 2
NP = N + 16
RPT = 624
TAIL = NP - NS * RPT
TOFF = NS * RPT


def _make_agg(with_deg):
    mesh = plsc.VectorSubcoreMesh(core_axis_name="c", subcore_axis_name="s",
                                  num_cores=NC, num_subcores=NS)
    out_type = [jax.ShapeDtypeStruct((NC * NP, DH), jnp.bfloat16)]
    if with_deg:
        out_type.append(jax.ShapeDtypeStruct((NW, NP), jnp.float32))
    NB = 8
    scratch = [
        pltpu.VMEM((NCHUNK, K), jnp.int32),
        pltpu.VMEM((NCHUNK, K), jnp.int32),
        pltpu.VMEM_SHARED((NP, DH), jnp.bfloat16),
    ]
    scratch += [pltpu.VMEM((K, DH), jnp.bfloat16) for _ in range(NB)]
    scratch += [pltpu.SemaphoreType.DMA for _ in range(NB)]
    scratch += [pltpu.SemaphoreType.DMA for _ in range(NB)]
    if with_deg:
        scratch += [pltpu.VMEM((NP,), jnp.float32)]

    def body(*refs):
        if with_deg:
            (table, srcq, dstq, z2d, z1d, acc_out, deg_out,
             src_v, dst_v, acc_sh, *rest) = refs
            deg_v = rest[-1]
            rest = rest[:-1]
        else:
            (table, srcq, dstq, z2d, acc_out,
             src_v, dst_v, acc_sh, *rest) = refs
        rows = rest[:NB]
        sem_g = rest[NB:2 * NB]
        sem_s = rest[2 * NB:3 * NB]
        c = lax.axis_index("c")
        s = lax.axis_index("s")
        wid = c * NS + s

        pltpu.sync_copy(z2d, acc_sh.at[pl.ds(s * RPT, RPT)])

        @pl.when(s == 0)
        def _zero_tail():
            pltpu.sync_copy(z2d.at[pl.ds(0, TAIL)], acc_sh.at[pl.ds(TOFF, TAIL)])

        pltpu.sync_copy(srcq.at[c, s], src_v)
        pltpu.sync_copy(dstq.at[s], dst_v)
        if with_deg:
            pltpu.sync_copy(z1d, deg_v)
        ones = jnp.full((16,), 1.0, jnp.float32)

        def gath(j, b):
            return pltpu.make_async_copy(table.at[src_v.at[j]], rows[b], sem_g[b])

        def scat_start(j, b):
            pltpu.async_copy(rows[b], acc_sh.at[dst_v.at[j]], sem_s[b], add=True)

        def scat_wait(j, b):
            pltpu.make_async_copy(rows[b], acc_sh.at[dst_v.at[j]], sem_s[b]).wait()

        def count_deg(j):
            if with_deg:
                for t in range(K // 16):
                    idx = dst_v[j, pl.ds(t * 16, 16)]
                    plsc.addupdate_scatter(deg_v, [idx], ones)

        for b in range(NB):
            gath(b, b).start()
        plsc.subcore_barrier()

        NQ = NCHUNK // NB

        def quad(q, carry):
            j0 = NB * q
            for b in range(NB):
                gath(j0 + b, b).wait()
                count_deg(j0 + b)
                scat_start(j0 + b, b)

            @pl.when(q + 1 < NQ)
            def _():
                for b in range(NB):
                    scat_wait(j0 + b, b)
                    gath(j0 + NB + b, b).start()
            return carry
        lax.fori_loop(0, NQ, quad, 0)
        for b in range(NB):
            scat_wait(NCHUNK - NB + b, b)

        if with_deg:
            pltpu.sync_copy(deg_v, deg_out.at[wid])

        plsc.subcore_barrier()
        pltpu.sync_copy(acc_sh.at[pl.ds(s * RPT, RPT)],
                        acc_out.at[pl.ds(c * NP + s * RPT, RPT)])

        @pl.when(s == 0)
        def _write_tail():
            pltpu.sync_copy(acc_sh.at[pl.ds(TOFF, TAIL)],
                            acc_out.at[pl.ds(c * NP + TOFF, TAIL)])

    return pl.kernel(body, out_type=tuple(out_type), mesh=mesh,
                     scratch_types=tuple(scratch),
                     compiler_params=pltpu.CompilerParams(needs_layout_passes=False,
                                                          use_tc_tiling_on_sc=False))


_agg_cache = {}


def _agg_deg(*args):
    if True not in _agg_cache:
        _agg_cache[True] = _make_agg(True)
    return _agg_cache[True](*args)


def _agg(*args):
    if False not in _agg_cache:
        _agg_cache[False] = _make_agg(False)
    return _agg_cache[False](*args)

BLK = 1000


def _tc1_body(x_ref, acc_ref, degp_ref, ws_ref, wn_ref, b_ref,
              h_ref, hs_ref, dinv_ref):
    deg = 0.5 * jnp.sum(degp_ref[...], axis=1)
    dinv = 1.0 / jnp.maximum(deg, 1.0)
    agg = jnp.concatenate([acc_ref[0], acc_ref[1]], axis=1).astype(jnp.float32)
    hn = agg * dinv[:, None]
    h = (jnp.dot(x_ref[...], ws_ref[...], preferred_element_type=jnp.float32)
         + jnp.dot(hn, wn_ref[...], preferred_element_type=jnp.float32)
         + b_ref[...])
    h = jnp.maximum(h, 0.0)
    h_ref[...] = h
    hb = h.astype(jnp.bfloat16)
    hs_ref[0] = hb[:, :DH]
    hs_ref[1] = hb[:, DH:]
    dinv_ref[...] = dinv[:, None]


def _tc2_body(h_ref, acc_ref, dinv_ref, ws_ref, wn_ref, b_ref, out_ref):
    agg = jnp.concatenate([acc_ref[0], acc_ref[1]], axis=1).astype(jnp.float32)
    hn = agg * dinv_ref[...]
    out_ref[...] = (jnp.dot(h_ref[...], ws_ref[...], preferred_element_type=jnp.float32)
                    + jnp.dot(hn, wn_ref[...], preferred_element_type=jnp.float32)
                    + b_ref[...])


def _tc1(x, acc, degp_t, ws, wn, b):
    grid = (N // BLK,)
    return pl.pallas_call(
        _tc1_body,
        grid=grid,
        in_specs=[
            pl.BlockSpec((BLK, D), lambda i: (i, 0)),
            pl.BlockSpec((NC, BLK, DH), lambda i: (0, i, 0)),
            pl.BlockSpec((BLK, NW), lambda i: (i, 0)),
            pl.BlockSpec((D, D), lambda i: (0, 0)),
            pl.BlockSpec((D, D), lambda i: (0, 0)),
            pl.BlockSpec((1, D), lambda i: (0, 0)),
        ],
        out_specs=[
            pl.BlockSpec((BLK, D), lambda i: (i, 0)),
            pl.BlockSpec((NC, BLK, DH), lambda i: (0, i, 0)),
            pl.BlockSpec((BLK, 1), lambda i: (i, 0)),
        ],
        out_shape=[
            jax.ShapeDtypeStruct((N, D), jnp.float32),
            jax.ShapeDtypeStruct((NC, N, DH), jnp.bfloat16),
            jax.ShapeDtypeStruct((N, 1), jnp.float32),
        ],
    )(x, acc, degp_t, ws, wn, b)


def _tc2(h, acc, dinv, ws, wn, b):
    grid = (N // BLK,)
    return pl.pallas_call(
        _tc2_body,
        grid=grid,
        in_specs=[
            pl.BlockSpec((BLK, D), lambda i: (i, 0)),
            pl.BlockSpec((NC, BLK, DH), lambda i: (0, i, 0)),
            pl.BlockSpec((BLK, 1), lambda i: (i, 0)),
            pl.BlockSpec((D, D), lambda i: (0, 0)),
            pl.BlockSpec((D, D), lambda i: (0, 0)),
            pl.BlockSpec((1, D), lambda i: (0, 0)),
        ],
        out_specs=pl.BlockSpec((BLK, D), lambda i: (i, 0)),
        out_shape=jax.ShapeDtypeStruct((N, D), jnp.float32),
    )(h, acc, dinv, ws, wn, b)


def kernel(x, edge_index, W_self1, W_neigh1, b1, W_self2, W_neigh2, b2):
    src = edge_index[0].astype(jnp.int32)
    dst = edge_index[1].astype(jnp.int32)
    pad = E2 - E
    srcp = jnp.concatenate([src, jnp.zeros((pad,), jnp.int32)]).reshape(NS, NCHUNK, K)
    pad_dst = N + (jnp.arange(pad, dtype=jnp.int32) % 16)
    dstq = jnp.concatenate([dst, pad_dst]).reshape(NS, NCHUNK, K)
    srcq = jnp.stack([srcp, srcp + N])
    z2d = jnp.zeros((RPT, DH), jnp.bfloat16)
    z1d = jnp.zeros((NP,), jnp.float32)

    x2 = jnp.concatenate([x[:, :DH], x[:, DH:]], axis=0).astype(jnp.bfloat16)
    acc1, degp = _agg_deg(x2, srcq, dstq, z2d, z1d)
    h1, h1s, dinv = _tc1(x, acc1.reshape(NC, NP, DH), degp.T,
                         W_self1.T, W_neigh1.T, b1.reshape(1, D))
    acc2, = _agg(h1s.reshape(NC * N, DH), srcq, dstq, z2d)
    out = _tc2(h1, acc2.reshape(NC, NP, DH), dinv,
               W_self2.T, W_neigh2.T, b2.reshape(1, D))
    return out

# --- scband reference (transcript-rebuilt; emitter-appended) ---
"""Pipeline reference for scband-sage-884763263550 (READ-ONLY COPY).

The authoritative reference and input builder live on the scoring server;
editing this copy changes nothing except your own understanding.
"""

import jax, jax.numpy as jnp
import numpy as np

N_NODES = 10000
N_EDGES = 320000
D_IN = 128
D_HID = 128
D_OUT = 128


def setup_inputs(seed: int = 0) -> dict:
    key = jax.random.key(seed)
    ks = jax.random.split(key, 10)
    x = jax.random.normal(ks[0], (N_NODES, D_IN), dtype=jnp.float32)
    edge_index = jax.random.randint(ks[1], (2, N_EDGES), 0, N_NODES, dtype=jnp.int64)
    s1 = 1.0 / np.sqrt(D_IN)
    s2 = 1.0 / np.sqrt(D_HID)
    W_self1 = jax.random.uniform(ks[2], (D_HID, D_IN), jnp.float32, -s1, s1)
    W_neigh1 = jax.random.uniform(ks[3], (D_HID, D_IN), jnp.float32, -s1, s1)
    b1 = jnp.zeros((D_HID,), jnp.float32)
    W_self2 = jax.random.uniform(ks[4], (D_OUT, D_HID), jnp.float32, -s2, s2)
    W_neigh2 = jax.random.uniform(ks[5], (D_OUT, D_HID), jnp.float32, -s2, s2)
    b2 = jnp.zeros((D_OUT,), jnp.float32)
    return {"x": x, "edge_index": edge_index,
            "W_self1": W_self1, "W_neigh1": W_neigh1, "b1": b1,
            "W_self2": W_self2, "W_neigh2": W_neigh2, "b2": b2}


def _sage_conv(x, edge_index, W_self, W_neigh, b):
    # DGL SAGEConv with aggregator_type='mean':
    #   h_neigh[i] = mean_{j: (j->i) in E} x[j]
    #   out = fc_self(x) + fc_neigh(h_neigh) + bias
    src = edge_index[0]
    dst = edge_index[1]
    msgs = jnp.take(x, src, axis=0)                      # gather  [E, d]
    agg = jax.ops.segment_sum(msgs, dst, num_segments=N_NODES)  # scatter-add
    deg = jax.ops.segment_sum(jnp.ones((src.shape[0],), x.dtype), dst,
                              num_segments=N_NODES)
    h_neigh = agg / jnp.clip(deg, 1.0, None)[:, None]
    return x @ W_self.T + h_neigh @ W_neigh.T + b


def reference(x, edge_index, W_self1, W_neigh1, b1, W_self2, W_neigh2, b2):
    h = _sage_conv(x, edge_index, W_self1, W_neigh1, b1)
    h = jax.nn.relu(h)
    h = _sage_conv(h, edge_index, W_self2, W_neigh2, b2)
    return h

if __name__ == "__main__":
    import jax
    _d = setup_inputs()
    print(jax.jit(kernel)(*tuple(_d.values())))

</pallas_src>

<mosaic_0001>
#map = affine_map<(d0, d1) -> (0, 0)>
#map1 = affine_map<(d0, d1) -> (0, 0, 0, 0)>
#map2 = affine_map<(d0, d1) -> (0, 0, 0)>
module attributes {stable_mosaic.version = 14 : i64} {
  func.func @body(%arg0: i32, %arg1: i32, %arg2: memref<20000x64xbf16, #tpu.memory_space<hbm>>, %arg3: memref<2x16x160x128xi32, #tpu.memory_space<hbm>>, %arg4: memref<16x160x128xi32, #tpu.memory_space<hbm>>, %arg5: memref<624x64xbf16, #tpu.memory_space<hbm>>, %arg6: memref<20032x64xbf16, #tpu.memory_space<hbm>>, %arg7: memref<160x128xi32, #tpu.memory_space<vmem>>, %arg8: memref<160x128xi32, #tpu.memory_space<vmem>>, %arg9: memref<10016x64xbf16, #tpu.memory_space<vmem_shared>>, %arg10: memref<128x64xbf16, #tpu.memory_space<vmem>>, %arg11: memref<128x64xbf16, #tpu.memory_space<vmem>>, %arg12: memref<128x64xbf16, #tpu.memory_space<vmem>>, %arg13: memref<128x64xbf16, #tpu.memory_space<vmem>>, %arg14: memref<128x64xbf16, #tpu.memory_space<vmem>>, %arg15: memref<128x64xbf16, #tpu.memory_space<vmem>>, %arg16: memref<128x64xbf16, #tpu.memory_space<vmem>>, %arg17: memref<128x64xbf16, #tpu.memory_space<vmem>>, %arg18: memref<!tpu.dma_semaphore, #tpu.memory_space<semaphore_mem>>, %arg19: memref<!tpu.dma_semaphore, #tpu.memory_space<semaphore_mem>>, %arg20: memref<!tpu.dma_semaphore, #tpu.memory_space<semaphore_mem>>, %arg21: memref<!tpu.dma_semaphore, #tpu.memory_space<semaphore_mem>>, %arg22: memref<!tpu.dma_semaphore, #tpu.memory_space<semaphore_mem>>, %arg23: memref<!tpu.dma_semaphore, #tpu.memory_space<semaphore_mem>>, %arg24: memref<!tpu.dma_semaphore, #tpu.memory_space<semaphore_mem>>, %arg25: memref<!tpu.dma_semaphore, #tpu.memory_space<semaphore_mem>>, %arg26: memref<!tpu.dma_semaphore, #tpu.memory_space<semaphore_mem>>, %arg27: memref<!tpu.dma_semaphore, #tpu.memory_space<semaphore_mem>>, %arg28: memref<!tpu.dma_semaphore, #tpu.memory_space<semaphore_mem>>, %arg29: memref<!tpu.dma_semaphore, #tpu.memory_space<semaphore_mem>>, %arg30: memref<!tpu.dma_semaphore, #tpu.memory_space<semaphore_mem>>, %arg31: memref<!tpu.dma_semaphore, #tpu.memory_space<semaphore_mem>>, %arg32: memref<!tpu.dma_semaphore, #tpu.memory_space<semaphore_mem>>, %arg33: memref<!tpu.dma_semaphore, #tpu.memory_space<semaphore_mem>>) attributes {dimension_semantics = [#tpu.dimension_semantics<core_parallel>, #tpu.dimension_semantics<subcore_parallel>], iteration_bounds = array<i64: 2, 16>, scalar_prefetch = 0 : i64, scratch_operands = 27 : i64, tpu.core_type = #tpu.core_type<sc_vector_subcore>, window_params = [{transform_indices = #map}, {transform_indices = #map1}, {transform_indices = #map2}, {transform_indices = #map}, {transform_indices = #map}]} {
    %mul3A = arith.constant 16 : i32
    %mul3A_0 = arith.muli %arg0, %mul3A : i32
    %add3A = arith.addi %mul3A_0, %arg1 : i32
    %mul3A_1 = arith.constant 624 : i32
    %mul3A_2 = arith.muli %arg1, %mul3A_1 : i32
    "tpu.region"() ({
      %run_scoped3A = tpu.sem_alloc : memref<!tpu.dma_semaphore, #tpu.memory_space<semaphore_mem>>
      %dma_start3A_134 = arith.constant 0 : i32
      %dma_start3A_135 = tpu.memref_slice %arg9[%mul3A_2, %dma_start3A_134] : memref<10016x64xbf16, #tpu.memory_space<vmem_shared>> -> memref<624x64xbf16, #tpu.memory_space<vmem_shared>>
      tpu.enqueue_dma source(%arg5 : memref<624x64xbf16, #tpu.memory_space<hbm>>) target(%dma_start3A_135 : memref<624x64xbf16, #tpu.memory_space<vmem_shared>>) target_semaphore(%run_scoped3A : memref<!tpu.dma_semaphore, #tpu.memory_space<semaphore_mem>>)
      %dma_wait3A_136 = arith.constant 0 : i32
      %dma_wait3A_137 = tpu.memref_slice %arg9[%mul3A_2, %dma_wait3A_136] : memref<10016x64xbf16, #tpu.memory_space<vmem_shared>> -> memref<624x64xbf16, #tpu.memory_space<vmem_shared>>
      tpu.wait_dma2 semaphore(%run_scoped3A : memref<!tpu.dma_semaphore, #tpu.memory_space<semaphore_mem>>) src(%arg5 : memref<624x64xbf16, #tpu.memory_space<hbm>>) dst(%dma_wait3A_137 : memref<624x64xbf16, #tpu.memory_space<vmem_shared>>)
      tpu.yield
    }) : () -> ()
    %eq3A = arith.constant 0 : i32
    %eq3A_3 = arith.cmpi eq, %arg1, %eq3A : i32
    %convert_element_type3A = arith.extui %eq3A_3 : i1 to i32
    %cond3A = arith.constant 0 : i32
    %cond3A_4 = arith.cmpi ne, %convert_element_type3A, %cond3A : i32
    scf.if %cond3A_4 {
      "tpu.region"() ({
        %run_scoped3A = tpu.sem_alloc : memref<!tpu.dma_semaphore, #tpu.memory_space<semaphore_mem>>
        %dma_start3A_134 = arith.constant 9984 : i32
        %dma_start3A_135 = arith.constant 0 : i32
        %dma_start3A_136 = tpu.memref_slice %arg9[%dma_start3A_134, %dma_start3A_135] : memref<10016x64xbf16, #tpu.memory_space<vmem_shared>> -> memref<32x64xbf16, #tpu.memory_space<vmem_shared>>
        %dma_start3A_137 = arith.constant 0 : i32
        %dma_start3A_138 = arith.constant 0 : i32
        %dma_start3A_139 = tpu.memref_slice %arg5[%dma_start3A_137, %dma_start3A_138] : memref<624x64xbf16, #tpu.memory_space<hbm>> -> memref<32x64xbf16, #tpu.memory_space<hbm>>
        tpu.enqueue_dma source(%dma_start3A_139 : memref<32x64xbf16, #tpu.memory_space<hbm>>) target(%dma_start3A_136 : memref<32x64xbf16, #tpu.memory_space<vmem_shared>>) target_semaphore(%run_scoped3A : memref<!tpu.dma_semaphore, #tpu.memory_space<semaphore_mem>>)
        %dma_wait3A_140 = arith.constant 9984 : i32
        %dma_wait3A_141 = arith.constant 0 : i32
        %dma_wait3A_142 = tpu.memref_slice %arg9[%dma_wait3A_140, %dma_wait3A_141] : memref<10016x64xbf16, #tpu.memory_space<vmem_shared>> -> memref<32x64xbf16, #tpu.memory_space<vmem_shared>>
        %dma_wait3A_143 = arith.constant 0 : i32
        %dma_wait3A_144 = arith.constant 0 : i32
        %dma_wait3A_145 = tpu.memref_slice %arg5[%dma_wait3A_143, %dma_wait3A_144] : memref<624x64xbf16, #tpu.memory_space<hbm>> -> memref<32x64xbf16, #tpu.memory_space<hbm>>
        tpu.wait_dma2 semaphore(%run_scoped3A : memref<!tpu.dma_semaphore, #tpu.memory_space<semaphore_mem>>) src(%dma_wait3A_145 : memref<32x64xbf16, #tpu.memory_space<hbm>>) dst(%dma_wait3A_142 : memref<32x64xbf16, #tpu.memory_space<vmem_shared>>)
        tpu.yield
      }) : () -> ()
    } else {
    }
    "tpu.region"() ({
      %run_scoped3A = tpu.sem_alloc : memref<!tpu.dma_semaphore, #tpu.memory_space<semaphore_mem>>
      %dma_start3A_134 = arith.constant 0 : i32
      %dma_start3A_135 = arith.constant 0 : i32
      %dma_start3A_136 = tpu.memref_slice %arg3[%arg0, %arg1, %dma_start3A_134, %dma_start3A_135] : memref<2x16x160x128xi32, #tpu.memory_space<hbm>> -> memref<1x1x160x128xi32, #tpu.memory_space<hbm>>
      %dma_start3A_137 = tpu.memref_squeeze %dma_start3A_136 : memref<1x1x160x128xi32, #tpu.memory_space<hbm>> -> memref<160x128xi32, #tpu.memory_space<hbm>>
      %dma_start3A_138 = arith.constant 0 : i32
      %dma_start3A_139 = arith.constant 0 : i32
      %dma_start3A_140 = tpu.memref_slice %arg3[%arg0, %arg1, %dma_start3A_138, %dma_start3A_139] : memref<2x16x160x128xi32, #tpu.memory_space<hbm>> -> memref<1x1x160x128xi32, #tpu.memory_space<hbm>>
      %dma_start3A_141 = tpu.memref_squeeze %dma_start3A_140 : memref<1x1x160x128xi32, #tpu.memory_space<hbm>> -> memref<160x128xi32, #tpu.memory_space<hbm>>
      tpu.enqueue_dma source(%dma_start3A_141 : memref<160x128xi32, #tpu.memory_space<hbm>>) target(%arg7 : memref<160x128xi32, #tpu.memory_space<vmem>>) target_semaphore(%run_scoped3A : memref<!tpu.dma_semaphore, #tpu.memory_space<semaphore_mem>>)
      %dma_wait3A_142 = arith.constant 0 : i32
      %dma_wait3A_143 = arith.constant 0 : i32
      %dma_wait3A_144 = tpu.memref_slice %arg3[%arg0, %arg1, %dma_wait3A_142, %dma_wait3A_143] : memref<2x16x160x128xi32, #tpu.memory_space<hbm>> -> memref<1x1x160x128xi32, #tpu.memory_space<hbm>>
      %dma_wait3A_145 = tpu.memref_squeeze %dma_wait3A_144 : memref<1x1x160x128xi32, #tpu.memory_space<hbm>> -> memref<160x128xi32, #tpu.memory_space<hbm>>
      %dma_wait3A_146 = arith.constant 0 : i32
      %dma_wait3A_147 = arith.constant 0 : i32
      %dma_wait3A_148 = tpu.memref_slice %arg3[%arg0, %arg1, %dma_wait3A_146, %dma_wait3A_147] : memref<2x16x160x128xi32, #tpu.memory_space<hbm>> -> memref<1x1x160x128xi32, #tpu.memory_space<hbm>>
      %dma_wait3A_149 = tpu.memref_squeeze %dma_wait3A_148 : memref<1x1x160x128xi32, #tpu.memory_space<hbm>> -> memref<160x128xi32, #tpu.memory_space<hbm>>
      tpu.wait_dma2 semaphore(%run_scoped3A : memref<!tpu.dma_semaphore, #tpu.memory_space<semaphore_mem>>) src(%dma_wait3A_149 : memref<160x128xi32, #tpu.memory_space<hbm>>) dst(%arg7 : memref<160x128xi32, #tpu.memory_space<vmem>>)
      tpu.yield
    }) : () -> ()
    "tpu.region"() ({
      %run_scoped3A = tpu.sem_alloc : memref<!tpu.dma_semaphore, #tpu.memory_space<semaphore_mem>>
      %dma_start3A_134 = arith.constant 0 : i32
      %dma_start3A_135 = arith.constant 0 : i32
      %dma_start3A_136 = tpu.memref_slice %arg4[%arg1, %dma_start3A_134, %dma_start3A_135] : memref<16x160x128xi32, #tpu.memory_space<hbm>> -> memref<1x160x128xi32, #tpu.memory_space<hbm>>
      %dma_start3A_137 = tpu.memref_squeeze %dma_start3A_136 : memref<1x160x128xi32, #tpu.memory_space<hbm>> -> memref<160x128xi32, #tpu.memory_space<hbm>>
      %dma_start3A_138 = arith.constant 0 : i32
      %dma_start3A_139 = arith.constant 0 : i32
      %dma_start3A_140 = tpu.memref_slice %arg4[%arg1, %dma_start3A_138, %dma_start3A_139] : memref<16x160x128xi32, #tpu.memory_space<hbm>> -> memref<1x160x128xi32, #tpu.memory_space<hbm>>
      %dma_start3A_141 = tpu.memref_squeeze %dma_start3A_140 : memref<1x160x128xi32, #tpu.memory_space<hbm>> -> memref<160x128xi32, #tpu.memory_space<hbm>>
      tpu.enqueue_dma source(%dma_start3A_141 : memref<160x128xi32, #tpu.memory_space<hbm>>) target(%arg8 : memref<160x128xi32, #tpu.memory_space<vmem>>) target_semaphore(%run_scoped3A : memref<!tpu.dma_semaphore, #tpu.memory_space<semaphore_mem>>)
      %dma_wait3A_142 = arith.constant 0 : i32
      %dma_wait3A_143 = arith.constant 0 : i32
      %dma_wait3A_144 = tpu.memref_slice %arg4[%arg1, %dma_wait3A_142, %dma_wait3A_143] : memref<16x160x128xi32, #tpu.memory_space<hbm>> -> memref<1x160x128xi32, #tpu.memory_space<hbm>>
      %dma_wait3A_145 = tpu.memref_squeeze %dma_wait3A_144 : memref<1x160x128xi32, #tpu.memory_space<hbm>> -> memref<160x128xi32, #tpu.memory_space<hbm>>
      %dma_wait3A_146 = arith.constant 0 : i32
      %dma_wait3A_147 = arith.constant 0 : i32
      %dma_wait3A_148 = tpu.memref_slice %arg4[%arg1, %dma_wait3A_146, %dma_wait3A_147] : memref<16x160x128xi32, #tpu.memory_space<hbm>> -> memref<1x160x128xi32, #tpu.memory_space<hbm>>
      %dma_wait3A_149 = tpu.memref_squeeze %dma_wait3A_148 : memref<1x160x128xi32, #tpu.memory_space<hbm>> -> memref<160x128xi32, #tpu.memory_space<hbm>>
      tpu.wait_dma2 semaphore(%run_scoped3A : memref<!tpu.dma_semaphore, #tpu.memory_space<semaphore_mem>>) src(%dma_wait3A_149 : memref<160x128xi32, #tpu.memory_space<hbm>>) dst(%arg8 : memref<160x128xi32, #tpu.memory_space<vmem>>)
      tpu.yield
    }) : () -> ()
    %broadcast_in_dim3A = arith.constant 1.000000e+00 : f32
    %broadcast_in_dim3A_5 = vector.broadcast %broadcast_in_dim3A : f32 to vector<16xf32>
    %dma_start3A = arith.constant 0 : i32
    %dma_start3A_6 = arith.constant 0 : i32
    %dma_start3A_7 = tpu.memref_slice %arg7[%dma_start3A, %dma_start3A_6] : memref<160x128xi32, #tpu.memory_space<vmem>> -> memref<1x128xi32, #tpu.memory_space<vmem>>
    %dma_start3A_8 = tpu.memref_squeeze %dma_start3A_7 : memref<1x128xi32, #tpu.memory_space<vmem>> -> memref<128xi32, #tpu.memory_space<vmem>>
    %dma_start3A_9 = arith.constant 0 : i32
    %dma_start3A_10 = arith.constant 0 : i32
    %dma_start3A_11 = tpu.memref_slice %arg2[%dma_start3A_9, %dma_start3A_10] : memref<20000x64xbf16, #tpu.memory_space<hbm>> -> memref<20000x64xbf16, #tpu.memory_space<hbm>>
    tpu.enqueue_indirect_dma source(%dma_start3A_11 : memref<20000x64xbf16, #tpu.memory_space<hbm>>) target(%arg10 : memref<128x64xbf16, #tpu.memory_space<vmem>>) offsets(%dma_start3A_8 : memref<128xi32, #tpu.memory_space<vmem>>) semaphore(%arg18 : memref<!tpu.dma_semaphore, #tpu.memory_space<semaphore_mem>>)
    %dma_start3A_12 = arith.constant 1 : i32
    %dma_start3A_13 = arith.constant 0 : i32
    %dma_start3A_14 = tpu.memref_slice %arg7[%dma_start3A_12, %dma_start3A_13] : memref<160x128xi32, #tpu.memory_space<vmem>> -> memref<1x128xi32, #tpu.memory_space<vmem>>
    %dma_start3A_15 = tpu.memref_squeeze %dma_start3A_14 : memref<1x128xi32, #tpu.memory_space<vmem>> -> memref<128xi32, #tpu.memory_space<vmem>>
    %dma_start3A_16 = arith.constant 0 : i32
    %dma_start3A_17 = arith.constant 0 : i32
    %dma_start3A_18 = tpu.memref_slice %arg2[%dma_start3A_16, %dma_start3A_17] : memref<20000x64xbf16, #tpu.memory_space<hbm>> -> memref<20000x64xbf16, #tpu.memory_space<hbm>>
    tpu.enqueue_indirect_dma source(%dma_start3A_18 : memref<20000x64xbf16, #tpu.memory_space<hbm>>) target(%arg11 : memref<128x64xbf16, #tpu.memory_space<vmem>>) offsets(%dma_start3A_15 : memref<128xi32, #tpu.memory_space<vmem>>) semaphore(%arg19 : memref<!tpu.dma_semaphore, #tpu.memory_space<semaphore_mem>>)
    %dma_start3A_19 = arith.constant 2 : i32
    %dma_start3A_20 = arith.constant 0 : i32
    %dma_start3A_21 = tpu.memref_slice %arg7[%dma_start3A_19, %dma_start3A_20] : memref<160x128xi32, #tpu.memory_space<vmem>> -> memref<1x128xi32, #tpu.memory_space<vmem>>
    %dma_start3A_22 = tpu.memref_squeeze %dma_start3A_21 : memref<1x128xi32, #tpu.memory_space<vmem>> -> memref<128xi32, #tpu.memory_space<vmem>>
    %dma_start3A_23 = arith.constant 0 : i32
    %dma_start3A_24 = arith.constant 0 : i32
    %dma_start3A_25 = tpu.memref_slice %arg2[%dma_start3A_23, %dma_start3A_24] : memref<20000x64xbf16, #tpu.memory_space<hbm>> -> memref<20000x64xbf16, #tpu.memory_space<hbm>>
    tpu.enqueue_indirect_dma source(%dma_start3A_25 : memref<20000x64xbf16, #tpu.memory_space<hbm>>) target(%arg12 : memref<128x64xbf16, #tpu.memory_space<vmem>>) offsets(%dma_start3A_22 : memref<128xi32, #tpu.memory_space<vmem>>) semaphore(%arg20 : memref<!tpu.dma_semaphore, #tpu.memory_space<semaphore_mem>>)
    %dma_start3A_26 = arith.constant 3 : i32
    %dma_start3A_27 = arith.constant 0 : i32
    %dma_start3A_28 = tpu.memref_slice %arg7[%dma_start3A_26, %dma_start3A_27] : memref<160x128xi32, #tpu.memory_space<vmem>> -> memref<1x128xi32, #tpu.memory_space<vmem>>
    %dma_start3A_29 = tpu.memref_squeeze %dma_start3A_28 : memref<1x128xi32, #tpu.memory_space<vmem>> -> memref<128xi32, #tpu.memory_space<vmem>>
    %dma_start3A_30 = arith.constant 0 : i32
    %dma_start3A_31 = arith.constant 0 : i32
    %dma_start3A_32 = tpu.memref_slice %arg2[%dma_start3A_30, %dma_start3A_31] : memref<20000x64xbf16, #tpu.memory_space<hbm>> -> memref<20000x64xbf16, #tpu.memory_space<hbm>>
    tpu.enqueue_indirect_dma source(%dma_start3A_32 : memref<20000x64xbf16, #tpu.memory_space<hbm>>) target(%arg13 : memref<128x64xbf16, #tpu.memory_space<vmem>>) offsets(%dma_start3A_29 : memref<128xi32, #tpu.memory_space<vmem>>) semaphore(%arg21 : memref<!tpu.dma_semaphore, #tpu.memory_space<semaphore_mem>>)
    %dma_start3A_33 = arith.constant 4 : i32
    %dma_start3A_34 = arith.constant 0 : i32
    %dma_start3A_35 = tpu.memref_slice %arg7[%dma_start3A_33, %dma_start3A_34] : memref<160x128xi32, #tpu.memory_space<vmem>> -> memref<1x128xi32, #tpu.memory_space<vmem>>
    %dma_start3A_36 = tpu.memref_squeeze %dma_start3A_35 : memref<1x128xi32, #tpu.memory_space<vmem>> -> memref<128xi32, #tpu.memory_space<vmem>>
    %dma_start3A_37 = arith.constant 0 : i32
    %dma_start3A_38 = arith.constant 0 : i32
    %dma_start3A_39 = tpu.memref_slice %arg2[%dma_start3A_37, %dma_start3A_38] : memref<20000x64xbf16, #tpu.memory_space<hbm>> -> memref<20000x64xbf16, #tpu.memory_space<hbm>>
    tpu.enqueue_indirect_dma source(%dma_start3A_39 : memref<20000x64xbf16, #tpu.memory_space<hbm>>) target(%arg14 : memref<128x64xbf16, #tpu.memory_space<vmem>>) offsets(%dma_start3A_36 : memref<128xi32, #tpu.memory_space<vmem>>) semaphore(%arg22 : memref<!tpu.dma_semaphore, #tpu.memory_space<semaphore_mem>>)
    %dma_start3A_40 = arith.constant 5 : i32
    %dma_start3A_41 = arith.constant 0 : i32
    %dma_start3A_42 = tpu.memref_slice %arg7[%dma_start3A_40, %dma_start3A_41] : memref<160x128xi32, #tpu.memory_space<vmem>> -> memref<1x128xi32, #tpu.memory_space<vmem>>
    %dma_start3A_43 = tpu.memref_squeeze %dma_start3A_42 : memref<1x128xi32, #tpu.memory_space<vmem>> -> memref<128xi32, #tpu.memory_space<vmem>>
    %dma_start3A_44 = arith.constant 0 : i32
    %dma_start3A_45 = arith.constant 0 : i32
    %dma_start3A_46 = tpu.memref_slice %arg2[%dma_start3A_44, %dma_start3A_45] : memref<20000x64xbf16, #tpu.memory_space<hbm>> -> memref<20000x64xbf16, #tpu.memory_space<hbm>>
    tpu.enqueue_indirect_dma source(%dma_start3A_46 : memref<20000x64xbf16, #tpu.memory_space<hbm>>) target(%arg15 : memref<128x64xbf16, #tpu.memory_space<vmem>>) offsets(%dma_start3A_43 : memref<128xi32, #tpu.memory_space<vmem>>) semaphore(%arg23 : memref<!tpu.dma_semaphore, #tpu.memory_space<semaphore_mem>>)
    %dma_start3A_47 = arith.constant 6 : i32
    %dma_start3A_48 = arith.constant 0 : i32
    %dma_start3A_49 = tpu.memref_slice %arg7[%dma_start3A_47, %dma_start3A_48] : memref<160x128xi32, #tpu.memory_space<vmem>> -> memref<1x128xi32, #tpu.memory_space<vmem>>
    %dma_start3A_50 = tpu.memref_squeeze %dma_start3A_49 : memref<1x128xi32, #tpu.memory_space<vmem>> -> memref<128xi32, #tpu.memory_space<vmem>>
    %dma_start3A_51 = arith.constant 0 : i32
    %dma_start3A_52 = arith.constant 0 : i32
    %dma_start3A_53 = tpu.memref_slice %arg2[%dma_start3A_51, %dma_start3A_52] : memref<20000x64xbf16, #tpu.memory_space<hbm>> -> memref<20000x64xbf16, #tpu.memory_space<hbm>>
    tpu.enqueue_indirect_dma source(%dma_start3A_53 : memref<20000x64xbf16, #tpu.memory_space<hbm>>) target(%arg16 : memref<128x64xbf16, #tpu.memory_space<vmem>>) offsets(%dma_start3A_50 : memref<128xi32, #tpu.memory_space<vmem>>) semaphore(%arg24 : memref<!tpu.dma_semaphore, #tpu.memory_space<semaphore_mem>>)
    %dma_start3A_54 = arith.constant 7 : i32
    %dma_start3A_55 = arith.constant 0 : i32
    %dma_start3A_56 = tpu.memref_slice %arg7[%dma_start3A_54, %dma_start3A_55] : memref<160x128xi32, #tpu.memory_space<vmem>> -> memref<1x128xi32, #tpu.memory_space<vmem>>
    %dma_start3A_57 = tpu.memref_squeeze %dma_start3A_56 : memref<1x128xi32, #tpu.memory_space<vmem>> -> memref<128xi32, #tpu.memory_space<vmem>>
    %dma_start3A_58 = arith.constant 0 : i32
    %dma_start3A_59 = arith.constant 0 : i32
    %dma_start3A_60 = tpu.memref_slice %arg2[%dma_start3A_58, %dma_start3A_59] : memref<20000x64xbf16, #tpu.memory_space<hbm>> -> memref<20000x64xbf16, #tpu.memory_space<hbm>>
    tpu.enqueue_indirect_dma source(%dma_start3A_60 : memref<20000x64xbf16, #tpu.memory_space<hbm>>) target(%arg17 : memref<128x64xbf16, #tpu.memory_space<vmem>>) offsets(%dma_start3A_57 : memref<128xi32, #tpu.memory_space<vmem>>) semaphore(%arg25 : memref<!tpu.dma_semaphore, #tpu.memory_space<semaphore_mem>>)
    %barrier3A = arith.constant 0 : index
    tpu.barrier barrier_id(%barrier3A)
    %scan3A = arith.constant 0 : i32
    %scan3A_61 = arith.constant 0 : i32
    %scan3A_62 = arith.constant 20 : i32
    %scan3A_63 = arith.addi %scan3A_61, %scan3A_62 : i32
    %scan3A_64 = arith.constant 1 : i32
    scf.for %scan3A_134 = %scan3A_61 to %scan3A_63 step %scan3A_64  : i32 {
      %mul3A_135 = arith.constant 8 : i32
      %mul3A_136 = arith.muli %mul3A_135, %scan3A_134 : i32
      %add3A_137 = arith.constant 0 : i32
      %add3A_138 = arith.addi %mul3A_136, %add3A_137 : i32
      %dma_wait3A_139 = arith.constant 0 : i32
      %dma_wait3A_140 = tpu.memref_slice %arg7[%add3A_138, %dma_wait3A_139] : memref<160x128xi32, #tpu.memory_space<vmem>> -> memref<1x128xi32, #tpu.memory_space<vmem>>
      %dma_wait3A_141 = tpu.memref_squeeze %dma_wait3A_140 : memref<1x128xi32, #tpu.memory_space<vmem>> -> memref<128xi32, #tpu.memory_space<vmem>>
      %dma_wait3A_142 = arith.constant 0 : i32
      %dma_wait3A_143 = arith.constant 0 : i32
      %dma_wait3A_144 = tpu.memref_slice %arg2[%dma_wait3A_142, %dma_wait3A_143] : memref<20000x64xbf16, #tpu.memory_space<hbm>> -> memref<20000x64xbf16, #tpu.memory_space<hbm>>
      tpu.wait_indirect_dma semaphore(%arg18 : memref<!tpu.dma_semaphore, #tpu.memory_space<semaphore_mem>>) src(%dma_wait3A_144 : memref<20000x64xbf16, #tpu.memory_space<hbm>>) dst(%arg10 : memref<128x64xbf16, #tpu.memory_space<vmem>>)
      %add3A_145 = arith.constant 0 : i32
      %add3A_146 = arith.addi %mul3A_136, %add3A_145 : i32
      %add3A_147 = arith.constant 0 : i32
      %add3A_148 = arith.addi %mul3A_136, %add3A_147 : i32
      %dma_start3A_149 = arith.constant 0 : i32
      %dma_start3A_150 = tpu.memref_slice %arg8[%add3A_148, %dma_start3A_149] : memref<160x128xi32, #tpu.memory_space<vmem>> -> memref<1x128xi32, #tpu.memory_space<vmem>>
      %dma_start3A_151 = tpu.memref_squeeze %dma_start3A_150 : memref<1x128xi32, #tpu.memory_space<vmem>> -> memref<128xi32, #tpu.memory_space<vmem>>
      %dma_start3A_152 = arith.constant 0 : i32
      %dma_start3A_153 = arith.constant 0 : i32
      %dma_start3A_154 = tpu.memref_slice %arg9[%dma_start3A_152, %dma_start3A_153] : memref<10016x64xbf16, #tpu.memory_space<vmem_shared>> -> memref<10016x64xbf16, #tpu.memory_space<vmem_shared>>
      tpu.enqueue_indirect_dma source(%arg10 : memref<128x64xbf16, #tpu.memory_space<vmem>>) target(%dma_start3A_154 : memref<10016x64xbf16, #tpu.memory_space<vmem_shared>>) offsets(%dma_start3A_151 : memref<128xi32, #tpu.memory_space<vmem>>) semaphore(%arg26 : memref<!tpu.dma_semaphore, #tpu.memory_space<semaphore_mem>>) {add = true}
      %add3A_155 = arith.constant 1 : i32
      %add3A_156 = arith.addi %mul3A_136, %add3A_155 : i32
      %dma_wait3A_157 = arith.constant 0 : i32
      %dma_wait3A_158 = tpu.memref_slice %arg7[%add3A_156, %dma_wait3A_157] : memref<160x128xi32, #tpu.memory_space<vmem>> -> memref<1x128xi32, #tpu.memory_space<vmem>>
      %dma_wait3A_159 = tpu.memref_squeeze %dma_wait3A_158 : memref<1x128xi32, #tpu.memory_space<vmem>> -> memref<128xi32, #tpu.memory_space<vmem>>
      %dma_wait3A_160 = arith.constant 0 : i32
      %dma_wait3A_161 = arith.constant 0 : i32
      %dma_wait3A_162 = tpu.memref_slice %arg2[%dma_wait3A_160, %dma_wait3A_161] : memref<20000x64xbf16, #tpu.memory_space<hbm>> -> memref<20000x64xbf16, #tpu.memory_space<hbm>>
      tpu.wait_indirect_dma semaphore(%arg19 : memref<!tpu.dma_semaphore, #tpu.memory_space<semaphore_mem>>) src(%dma_wait3A_162 : memref<20000x64xbf16, #tpu.memory_space<hbm>>) dst(%arg11 : memref<128x64xbf16, #tpu.memory_space<vmem>>)
      %add3A_163 = arith.constant 1 : i32
      %add3A_164 = arith.addi %mul3A_136, %add3A_163 : i32
      %add3A_165 = arith.constant 1 : i32
      %add3A_166 = arith.addi %mul3A_136, %add3A_165 : i32
      %dma_start3A_167 = arith.constant 0 : i32
      %dma_start3A_168 = tpu.memref_slice %arg8[%add3A_166, %dma_start3A_167] : memref<160x128xi32, #tpu.memory_space<vmem>> -> memref<1x128xi32, #tpu.memory_space<vmem>>
      %dma_start3A_169 = tpu.memref_squeeze %dma_start3A_168 : memref<1x128xi32, #tpu.memory_space<vmem>> -> memref<128xi32, #tpu.memory_space<vmem>>
      %dma_start3A_170 = arith.constant 0 : i32
      %dma_start3A_171 = arith.constant 0 : i32
      %dma_start3A_172 = tpu.memref_slice %arg9[%dma_start3A_170, %dma_start3A_171] : memref<10016x64xbf16, #tpu.memory_space<vmem_shared>> -> memref<10016x64xbf16, #tpu.memory_space<vmem_shared>>
      tpu.enqueue_indirect_dma source(%arg11 : memref<128x64xbf16, #tpu.memory_space<vmem>>) target(%dma_start3A_172 : memref<10016x64xbf16, #tpu.memory_space<vmem_shared>>) offsets(%dma_start3A_169 : memref<128xi32, #tpu.memory_space<vmem>>) semaphore(%arg27 : memref<!tpu.dma_semaphore, #tpu.memory_space<semaphore_mem>>) {add = true}
      %add3A_173 = arith.constant 2 : i32
      %add3A_174 = arith.addi %mul3A_136, %add3A_173 : i32
      %dma_wait3A_175 = arith.constant 0 : i32
      %dma_wait3A_176 = tpu.memref_slice %arg7[%add3A_174, %dma_wait3A_175] : memref<160x128xi32, #tpu.memory_space<vmem>> -> memref<1x128xi32, #tpu.memory_space<vmem>>
      %dma_wait3A_177 = tpu.memref_squeeze %dma_wait3A_176 : memref<1x128xi32, #tpu.memory_space<vmem>> -> memref<128xi32, #tpu.memory_space<vmem>>
      %dma_wait3A_178 = arith.constant 0 : i32
      %dma_wait3A_179 = arith.constant 0 : i32
      %dma_wait3A_180 = tpu.memref_slice %arg2[%dma_wait3A_178, %dma_wait3A_179] : memref<20000x64xbf16, #tpu.memory_space<hbm>> -> memref<20000x64xbf16, #tpu.memory_space<hbm>>
      tpu.wait_indirect_dma semaphore(%arg20 : memref<!tpu.dma_semaphore, #tpu.memory_space<semaphore_mem>>) src(%dma_wait3A_180 : memref<20000x64xbf16, #tpu.memory_space<hbm>>) dst(%arg12 : memref<128x64xbf16, #tpu.memory_space<vmem>>)
      %add3A_181 = arith.constant 2 : i32
      %add3A_182 = arith.addi %mul3A_136, %add3A_181 : i32
      %add3A_183 = arith.constant 2 : i32
      %add3A_184 = arith.addi %mul3A_136, %add3A_183 : i32
      %dma_start3A_185 = arith.constant 0 : i32
      %dma_start3A_186 = tpu.memref_slice %arg8[%add3A_184, %dma_start3A_185] : memref<160x128xi32, #tpu.memory_space<vmem>> -> memref<1x128xi32, #tpu.memory_space<vmem>>
      %dma_start3A_187 = tpu.memref_squeeze %dma_start3A_186 : memref<1x128xi32, #tpu.memory_space<vmem>> -> memref<128xi32, #tpu.memory_space<vmem>>
      %dma_start3A_188 = arith.constant 0 : i32
      %dma_start3A_189 = arith.constant 0 : i32
      %dma_start3A_190 = tpu.memref_slice %arg9[%dma_start3A_188, %dma_start3A_189] : memref<10016x64xbf16, #tpu.memory_space<vmem_shared>> -> memref<10016x64xbf16, #tpu.memory_space<vmem_shared>>
      tpu.enqueue_indirect_dma source(%arg12 : memref<128x64xbf16, #tpu.memory_space<vmem>>) target(%dma_start3A_190 : memref<10016x64xbf16, #tpu.memory_space<vmem_shared>>) offsets(%dma_start3A_187 : memref<128xi32, #tpu.memory_space<vmem>>) semaphore(%arg28 : memref<!tpu.dma_semaphore, #tpu.memory_space<semaphore_mem>>) {add = true}
      %add3A_191 = arith.constant 3 : i32
      %add3A_192 = arith.addi %mul3A_136, %add3A_191 : i32
      %dma_wait3A_193 = arith.constant 0 : i32
      %dma_wait3A_194 = tpu.memref_slice %arg7[%add3A_192, %dma_wait3A_193] : memref<160x128xi32, #tpu.memory_space<vmem>> -> memref<1x128xi32, #tpu.memory_space<vmem>>
      %dma_wait3A_195 = tpu.memref_squeeze %dma_wait3A_194 : memref<1x128xi32, #tpu.memory_space<vmem>> -> memref<128xi32, #tpu.memory_space<vmem>>
      %dma_wait3A_196 = arith.constant 0 : i32
      %dma_wait3A_197 = arith.constant 0 : i32
      %dma_wait3A_198 = tpu.memref_slice %arg2[%dma_wait3A_196, %dma_wait3A_197] : memref<20000x64xbf16, #tpu.memory_space<hbm>> -> memref<20000x64xbf16, #tpu.memory_space<hbm>>
      tpu.wait_indirect_dma semaphore(%arg21 : memref<!tpu.dma_semaphore, #tpu.memory_space<semaphore_mem>>) src(%dma_wait3A_198 : memref<20000x64xbf16, #tpu.memory_space<hbm>>) dst(%arg13 : memref<128x64xbf16, #tpu.memory_space<vmem>>)
      %add3A_199 = arith.constant 3 : i32
      %add3A_200 = arith.addi %mul3A_136, %add3A_199 : i32
      %add3A_201 = arith.constant 3 : i32
      %add3A_202 = arith.addi %mul3A_136, %add3A_201 : i32
      %dma_start3A_203 = arith.constant 0 : i32
      %dma_start3A_204 = tpu.memref_slice %arg8[%add3A_202, %dma_start3A_203] : memref<160x128xi32, #tpu.memory_space<vmem>> -> memref<1x128xi32, #tpu.memory_space<vmem>>
      %dma_start3A_205 = tpu.memref_squeeze %dma_start3A_204 : memref<1x128xi32, #tpu.memory_space<vmem>> -> memref<128xi32, #tpu.memory_space<vmem>>
      %dma_start3A_206 = arith.constant 0 : i32
      %dma_start3A_207 = arith.constant 0 : i32
      %dma_start3A_208 = tpu.memref_slice %arg9[%dma_start3A_206, %dma_start3A_207] : memref<10016x64xbf16, #tpu.memory_space<vmem_shared>> -> memref<10016x64xbf16, #tpu.memory_space<vmem_shared>>
      tpu.enqueue_indirect_dma source(%arg13 : memref<128x64xbf16, #tpu.memory_space<vmem>>) target(%dma_start3A_208 : memref<10016x64xbf16, #tpu.memory_space<vmem_shared>>) offsets(%dma_start3A_205 : memref<128xi32, #tpu.memory_space<vmem>>) semaphore(%arg29 : memref<!tpu.dma_semaphore, #tpu.memory_space<semaphore_mem>>) {add = true}
      %add3A_209 = arith.constant 4 : i32
      %add3A_210 = arith.addi %mul3A_136, %add3A_209 : i32
      %dma_wait3A_211 = arith.constant 0 : i32
      %dma_wait3A_212 = tpu.memref_slice %arg7[%add3A_210, %dma_wait3A_211] : memref<160x128xi32, #tpu.memory_space<vmem>> -> memref<1x128xi32, #tpu.memory_space<vmem>>
      %dma_wait3A_213 = tpu.memref_squeeze %dma_wait3A_212 : memref<1x128xi32, #tpu.memory_space<vmem>> -> memref<128xi32, #tpu.memory_space<vmem>>
      %dma_wait3A_214 = arith.constant 0 : i32
      %dma_wait3A_215 = arith.constant 0 : i32
      %dma_wait3A_216 = tpu.memref_slice %arg2[%dma_wait3A_214, %dma_wait3A_215] : memref<20000x64xbf16, #tpu.memory_space<hbm>> -> memref<20000x64xbf16, #tpu.memory_space<hbm>>
      tpu.wait_indirect_dma semaphore(%arg22 : memref<!tpu.dma_semaphore, #tpu.memory_space<semaphore_mem>>) src(%dma_wait3A_216 : memref<20000x64xbf16, #tpu.memory_space<hbm>>) dst(%arg14 : memref<128x64xbf16, #tpu.memory_space<vmem>>)
      %add3A_217 = arith.constant 4 : i32
      %add3A_218 = arith.addi %mul3A_136, %add3A_217 : i32
      %add3A_219 = arith.constant 4 : i32
      %add3A_220 = arith.addi %mul3A_136, %add3A_219 : i32
      %dma_start3A_221 = arith.constant 0 : i32
      %dma_start3A_222 = tpu.memref_slice %arg8[%add3A_220, %dma_start3A_221] : memref<160x128xi32, #tpu.memory_space<vmem>> -> memref<1x128xi32, #tpu.memory_space<vmem>>
      %dma_start3A_223 = tpu.memref_squeeze %dma_start3A_222 : memref<1x128xi32, #tpu.memory_space<vmem>> -> memref<128xi32, #tpu.memory_space<vmem>>
      %dma_start3A_224 = arith.constant 0 : i32
      %dma_start3A_225 = arith.constant 0 : i32
      %dma_start3A_226 = tpu.memref_slice %arg9[%dma_start3A_224, %dma_start3A_225] : memref<10016x64xbf16, #tpu.memory_space<vmem_shared>> -> memref<10016x64xbf16, #tpu.memory_space<vmem_shared>>
      tpu.enqueue_indirect_dma source(%arg14 : memref<128x64xbf16, #tpu.memory_space<vmem>>) target(%dma_start3A_226 : memref<10016x64xbf16, #tpu.memory_space<vmem_shared>>) offsets(%dma_start3A_223 : memref<128xi32, #tpu.memory_space<vmem>>) semaphore(%arg30 : memref<!tpu.dma_semaphore, #tpu.memory_space<semaphore_mem>>) {add = true}
      %add3A_227 = arith.constant 5 : i32
      %add3A_228 = arith.addi %mul3A_136, %add3A_227 : i32
      %dma_wait3A_229 = arith.constant 0 : i32
      %dma_wait3A_230 = tpu.memref_slice %arg7[%add3A_228, %dma_wait3A_229] : memref<160x128xi32, #tpu.memory_space<vmem>> -> memref<1x128xi32, #tpu.memory_space<vmem>>
      %dma_wait3A_231 = tpu.memref_squeeze %dma_wait3A_230 : memref<1x128xi32, #tpu.memory_space<vmem>> -> memref<128xi32, #tpu.memory_space<vmem>>
      %dma_wait3A_232 = arith.constant 0 : i32
      %dma_wait3A_233 = arith.constant 0 : i32
      %dma_wait3A_234 = tpu.memref_slice %arg2[%dma_wait3A_232, %dma_wait3A_233] : memref<20000x64xbf16, #tpu.memory_space<hbm>> -> memref<20000x64xbf16, #tpu.memory_space<hbm>>
      tpu.wait_indirect_dma semaphore(%arg23 : memref<!tpu.dma_semaphore, #tpu.memory_space<semaphore_mem>>) src(%dma_wait3A_234 : memref<20000x64xbf16, #tpu.memory_space<hbm>>) dst(%arg15 : memref<128x64xbf16, #tpu.memory_space<vmem>>)
      %add3A_235 = arith.constant 5 : i32
      %add3A_236 = arith.addi %mul3A_136, %add3A_235 : i32
      %add3A_237 = arith.constant 5 : i32
      %add3A_238 = arith.addi %mul3A_136, %add3A_237 : i32
      %dma_start3A_239 = arith.constant 0 : i32
      %dma_start3A_240 = tpu.memref_slice %arg8[%add3A_238, %dma_start3A_239] : memref<160x128xi32, #tpu.memory_space<vmem>> -> memref<1x128xi32, #tpu.memory_space<vmem>>
      %dma_start3A_241 = tpu.memref_squeeze %dma_start3A_240 : memref<1x128xi32, #tpu.memory_space<vmem>> -> memref<128xi32, #tpu.memory_space<vmem>>
      %dma_start3A_242 = arith.constant 0 : i32
      %dma_start3A_243 = arith.constant 0 : i32
      %dma_start3A_244 = tpu.memref_slice %arg9[%dma_start3A_242, %dma_start3A_243] : memref<10016x64xbf16, #tpu.memory_space<vmem_shared>> -> memref<10016x64xbf16, #tpu.memory_space<vmem_shared>>
      tpu.enqueue_indirect_dma source(%arg15 : memref<128x64xbf16, #tpu.memory_space<vmem>>) target(%dma_start3A_244 : memref<10016x64xbf16, #tpu.memory_space<vmem_shared>>) offsets(%dma_start3A_241 : memref<128xi32, #tpu.memory_space<vmem>>) semaphore(%arg31 : memref<!tpu.dma_semaphore, #tpu.memory_space<semaphore_mem>>) {add = true}
      %add3A_245 = arith.constant 6 : i32
      %add3A_246 = arith.addi %mul3A_136, %add3A_245 : i32
      %dma_wait3A_247 = arith.constant 0 : i32
      %dma_wait3A_248 = tpu.memref_slice %arg7[%add3A_246, %dma_wait3A_247] : memref<160x128xi32, #tpu.memory_space<vmem>> -> memref<1x128xi32, #tpu.memory_space<vmem>>
      %dma_wait3A_249 = tpu.memref_squeeze %dma_wait3A_248 : memref<1x128xi32, #tpu.memory_space<vmem>> -> memref<128xi32, #tpu.memory_space<vmem>>
      %dma_wait3A_250 = arith.constant 0 : i32
      %dma_wait3A_251 = arith.constant 0 : i32
      %dma_wait3A_252 = tpu.memref_slice %arg2[%dma_wait3A_250, %dma_wait3A_251] : memref<20000x64xbf16, #tpu.memory_space<hbm>> -> memref<20000x64xbf16, #tpu.memory_space<hbm>>
      tpu.wait_indirect_dma semaphore(%arg24 : memref<!tpu.dma_semaphore, #tpu.memory_space<semaphore_mem>>) src(%dma_wait3A_252 : memref<20000x64xbf16, #tpu.memory_space<hbm>>) dst(%arg16 : memref<128x64xbf16, #tpu.memory_space<vmem>>)
      %add3A_253 = arith.constant 6 : i32
      %add3A_254 = arith.addi %mul3A_136, %add3A_253 : i32
      %add3A_255 = arith.constant 6 : i32
      %add3A_256 = arith.addi %mul3A_136, %add3A_255 : i32
      %dma_start3A_257 = arith.constant 0 : i32
      %dma_start3A_258 = tpu.memref_slice %arg8[%add3A_256, %dma_start3A_257] : memref<160x128xi32, #tpu.memory_space<vmem>> -> memref<1x128xi32, #tpu.memory_space<vmem>>
      %dma_start3A_259 = tpu.memref_squeeze %dma_start3A_258 : memref<1x128xi32, #tpu.memory_space<vmem>> -> memref<128xi32, #tpu.memory_space<vmem>>
      %dma_start3A_260 = arith.constant 0 : i32
      %dma_start3A_261 = arith.constant 0 : i32
      %dma_start3A_262 = tpu.memref_slice %arg9[%dma_start3A_260, %dma_start3A_261] : memref<10016x64xbf16, #tpu.memory_space<vmem_shared>> -> memref<10016x64xbf16, #tpu.memory_space<vmem_shared>>
      tpu.enqueue_indirect_dma source(%arg16 : memref<128x64xbf16, #tpu.memory_space<vmem>>) target(%dma_start3A_262 : memref<10016x64xbf16, #tpu.memory_space<vmem_shared>>) offsets(%dma_start3A_259 : memref<128xi32, #tpu.memory_space<vmem>>) semaphore(%arg32 : memref<!tpu.dma_semaphore, #tpu.memory_space<semaphore_mem>>) {add = true}
      %add3A_263 = arith.constant 7 : i32
      %add3A_264 = arith.addi %mul3A_136, %add3A_263 : i32
      %dma_wait3A_265 = arith.constant 0 : i32
      %dma_wait3A_266 = tpu.memref_slice %arg7[%add3A_264, %dma_wait3A_265] : memref<160x128xi32, #tpu.memory_space<vmem>> -> memref<1x128xi32, #tpu.memory_space<vmem>>
      %dma_wait3A_267 = tpu.memref_squeeze %dma_wait3A_266 : memref<1x128xi32, #tpu.memory_space<vmem>> -> memref<128xi32, #tpu.memory_space<vmem>>
      %dma_wait3A_268 = arith.constant 0 : i32
      %dma_wait3A_269 = arith.constant 0 : i32
      %dma_wait3A_270 = tpu.memref_slice %arg2[%dma_wait3A_268, %dma_wait3A_269] : memref<20000x64xbf16, #tpu.memory_space<hbm>> -> memref<20000x64xbf16, #tpu.memory_space<hbm>>
      tpu.wait_indirect_dma semaphore(%arg25 : memref<!tpu.dma_semaphore, #tpu.memory_space<semaphore_mem>>) src(%dma_wait3A_270 : memref<20000x64xbf16, #tpu.memory_space<hbm>>) dst(%arg17 : memref<128x64xbf16, #tpu.memory_space<vmem>>)
      %add3A_271 = arith.constant 7 : i32
      %add3A_272 = arith.addi %mul3A_136, %add3A_271 : i32
      %add3A_273 = arith.constant 7 : i32
      %add3A_274 = arith.addi %mul3A_136, %add3A_273 : i32
      %dma_start3A_275 = arith.constant 0 : i32
      %dma_start3A_276 = tpu.memref_slice %arg8[%add3A_274, %dma_start3A_275] : memref<160x128xi32, #tpu.memory_space<vmem>> -> memref<1x128xi32, #tpu.memory_space<vmem>>
      %dma_start3A_277 = tpu.memref_squeeze %dma_start3A_276 : memref<1x128xi32, #tpu.memory_space<vmem>> -> memref<128xi32, #tpu.memory_space<vmem>>
      %dma_start3A_278 = arith.constant 0 : i32
      %dma_start3A_279 = arith.constant 0 : i32
      %dma_start3A_280 = tpu.memref_slice %arg9[%dma_start3A_278, %dma_start3A_279] : memref<10016x64xbf16, #tpu.memory_space<vmem_shared>> -> memref<10016x64xbf16, #tpu.memory_space<vmem_shared>>
      tpu.enqueue_indirect_dma source(%arg17 : memref<128x64xbf16, #tpu.memory_space<vmem>>) target(%dma_start3A_280 : memref<10016x64xbf16, #tpu.memory_space<vmem_shared>>) offsets(%dma_start3A_277 : memref<128xi32, #tpu.memory_space<vmem>>) semaphore(%arg33 : memref<!tpu.dma_semaphore, #tpu.memory_space<semaphore_mem>>) {add = true}
      %add3A_281 = arith.constant 1 : i32
      %add3A_282 = arith.addi %scan3A_134, %add3A_281 : i32
      %lt3A = arith.constant 20 : i32
      %lt3A_283 = arith.cmpi slt, %add3A_282, %lt3A : i32
      %convert_element_type3A_284 = arith.extui %lt3A_283 : i1 to i32
      %cond3A_285 = arith.constant 0 : i32
      %cond3A_286 = arith.cmpi ne, %convert_element_type3A_284, %cond3A_285 : i32
      scf.if %cond3A_286 {
        %add3A_287 = arith.constant 0 : i32
        %add3A_288 = arith.addi %mul3A_136, %add3A_287 : i32
        %dma_wait3A_289 = arith.constant 0 : i32
        %dma_wait3A_290 = tpu.memref_slice %arg8[%add3A_288, %dma_wait3A_289] : memref<160x128xi32, #tpu.memory_space<vmem>> -> memref<1x128xi32, #tpu.memory_space<vmem>>
        %dma_wait3A_291 = tpu.memref_squeeze %dma_wait3A_290 : memref<1x128xi32, #tpu.memory_space<vmem>> -> memref<128xi32, #tpu.memory_space<vmem>>
        %dma_wait3A_292 = arith.constant 0 : i32
        %dma_wait3A_293 = arith.constant 0 : i32
        %dma_wait3A_294 = tpu.memref_slice %arg9[%dma_wait3A_292, %dma_wait3A_293] : memref<10016x64xbf16, #tpu.memory_space<vmem_shared>> -> memref<10016x64xbf16, #tpu.memory_space<vmem_shared>>
        tpu.wait_indirect_dma semaphore(%arg26 : memref<!tpu.dma_semaphore, #tpu.memory_space<semaphore_mem>>) src(%arg10 : memref<128x64xbf16, #tpu.memory_space<vmem>>) dst(%dma_wait3A_294 : memref<10016x64xbf16, #tpu.memory_space<vmem_shared>>)
        %add3A_295 = arith.constant 8 : i32
        %add3A_296 = arith.addi %mul3A_136, %add3A_295 : i32
        %add3A_297 = arith.constant 0 : i32
        %add3A_298 = arith.addi %add3A_296, %add3A_297 : i32
        %dma_start3A_299 = arith.constant 0 : i32
        %dma_start3A_300 = tpu.memref_slice %arg7[%add3A_298, %dma_start3A_299] : memref<160x128xi32, #tpu.memory_space<vmem>> -> memref<1x128xi32, #tpu.memory_space<vmem>>
        %dma_start3A_301 = tpu.memref_squeeze %dma_start3A_300 : memref<1x128xi32, #tpu.memory_space<vmem>> -> memref<128xi32, #tpu.memory_space<vmem>>
        %dma_start3A_302 = arith.constant 0 : i32
        %dma_start3A_303 = arith.constant 0 : i32
        %dma_start3A_304 = tpu.memref_slice %arg2[%dma_start3A_302, %dma_start3A_303] : memref<20000x64xbf16, #tpu.memory_space<hbm>> -> memref<20000x64xbf16, #tpu.memory_space<hbm>>
        tpu.enqueue_indirect_dma source(%dma_start3A_304 : memref<20000x64xbf16, #tpu.memory_space<hbm>>) target(%arg10 : memref<128x64xbf16, #tpu.memory_space<vmem>>) offsets(%dma_start3A_301 : memref<128xi32, #tpu.memory_space<vmem>>) semaphore(%arg18 : memref<!tpu.dma_semaphore, #tpu.memory_space<semaphore_mem>>)
        %add3A_305 = arith.constant 1 : i32
        %add3A_306 = arith.addi %mul3A_136, %add3A_305 : i32
        %dma_wait3A_307 = arith.constant 0 : i32
        %dma_wait3A_308 = tpu.memref_slice %arg8[%add3A_306, %dma_wait3A_307] : memref<160x128xi32, #tpu.memory_space<vmem>> -> memref<1x128xi32, #tpu.memory_space<vmem>>
        %dma_wait3A_309 = tpu.memref_squeeze %dma_wait3A_308 : memref<1x128xi32, #tpu.memory_space<vmem>> -> memref<128xi32, #tpu.memory_space<vmem>>
        %dma_wait3A_310 = arith.constant 0 : i32
        %dma_wait3A_311 = arith.constant 0 : i32
        %dma_wait3A_312 = tpu.memref_slice %arg9[%dma_wait3A_310, %dma_wait3A_311] : memref<10016x64xbf16, #tpu.memory_space<vmem_shared>> -> memref<10016x64xbf16, #tpu.memory_space<vmem_shared>>
        tpu.wait_indirect_dma semaphore(%arg27 : memref<!tpu.dma_semaphore, #tpu.memory_space<semaphore_mem>>) src(%arg11 : memref<128x64xbf16, #tpu.memory_space<vmem>>) dst(%dma_wait3A_312 : memref<10016x64xbf16, #tpu.memory_space<vmem_shared>>)
        %add3A_313 = arith.constant 8 : i32
        %add3A_314 = arith.addi %mul3A_136, %add3A_313 : i32
        %add3A_315 = arith.constant 1 : i32
        %add3A_316 = arith.addi %add3A_314, %add3A_315 : i32
        %dma_start3A_317 = arith.constant 0 : i32
        %dma_start3A_318 = tpu.memref_slice %arg7[%add3A_316, %dma_start3A_317] : memref<160x128xi32, #tpu.memory_space<vmem>> -> memref<1x128xi32, #tpu.memory_space<vmem>>
        %dma_start3A_319 = tpu.memref_squeeze %dma_start3A_318 : memref<1x128xi32, #tpu.memory_space<vmem>> -> memref<128xi32, #tpu.memory_space<vmem>>
        %dma_start3A_320 = arith.constant 0 : i32
        %dma_start3A_321 = arith.constant 0 : i32
        %dma_start3A_322 = tpu.memref_slice %arg2[%dma_start3A_320, %dma_start3A_321] : memref<20000x64xbf16, #tpu.memory_space<hbm>> -> memref<20000x64xbf16, #tpu.memory_space<hbm>>
        tpu.enqueue_indirect_dma source(%dma_start3A_322 : memref<20000x64xbf16, #tpu.memory_space<hbm>>) target(%arg11 : memref<128x64xbf16, #tpu.memory_space<vmem>>) offsets(%dma_start3A_319 : memref<128xi32, #tpu.memory_space<vmem>>) semaphore(%arg19 : memref<!tpu.dma_semaphore, #tpu.memory_space<semaphore_mem>>)
        %add3A_323 = arith.constant 2 : i32
        %add3A_324 = arith.addi %mul3A_136, %add3A_323 : i32
        %dma_wait3A_325 = arith.constant 0 : i32
        %dma_wait3A_326 = tpu.memref_slice %arg8[%add3A_324, %dma_wait3A_325] : memref<160x128xi32, #tpu.memory_space<vmem>> -> memref<1x128xi32, #tpu.memory_space<vmem>>
        %dma_wait3A_327 = tpu.memref_squeeze %dma_wait3A_326 : memref<1x128xi32, #tpu.memory_space<vmem>> -> memref<128xi32, #tpu.memory_space<vmem>>
        %dma_wait3A_328 = arith.constant 0 : i32
        %dma_wait3A_329 = arith.constant 0 : i32
        %dma_wait3A_330 = tpu.memref_slice %arg9[%dma_wait3A_328, %dma_wait3A_329] : memref<10016x64xbf16, #tpu.memory_space<vmem_shared>> -> memref<10016x64xbf16, #tpu.memory_space<vmem_shared>>
        tpu.wait_indirect_dma semaphore(%arg28 : memref<!tpu.dma_semaphore, #tpu.memory_space<semaphore_mem>>) src(%arg12 : memref<128x64xbf16, #tpu.memory_space<vmem>>) dst(%dma_wait3A_330 : memref<10016x64xbf16, #tpu.memory_space<vmem_shared>>)
        %add3A_331 = arith.constant 8 : i32
        %add3A_332 = arith.addi %mul3A_136, %add3A_331 : i32
        %add3A_333 = arith.constant 2 : i32
        %add3A_334 = arith.addi %add3A_332, %add3A_333 : i32
        %dma_start3A_335 = arith.constant 0 : i32
        %dma_start3A_336 = tpu.memref_slice %arg7[%add3A_334, %dma_start3A_335] : memref<160x128xi32, #tpu.memory_space<vmem>> -> memref<1x128xi32, #tpu.memory_space<vmem>>
        %dma_start3A_337 = tpu.memref_squeeze %dma_start3A_336 : memref<1x128xi32, #tpu.memory_space<vmem>> -> memref<128xi32, #tpu.memory_space<vmem>>
        %dma_start3A_338 = arith.constant 0 : i32
        %dma_start3A_339 = arith.constant 0 : i32
        %dma_start3A_340 = tpu.memref_slice %arg2[%dma_start3A_338, %dma_start3A_339] : memref<20000x64xbf16, #tpu.memory_space<hbm>> -> memref<20000x64xbf16, #tpu.memory_space<hbm>>
        tpu.enqueue_indirect_dma source(%dma_start3A_340 : memref<20000x64xbf16, #tpu.memory_space<hbm>>) target(%arg12 : memref<128x64xbf16, #tpu.memory_space<vmem>>) offsets(%dma_start3A_337 : memref<128xi32, #tpu.memory_space<vmem>>) semaphore(%arg20 : memref<!tpu.dma_semaphore, #tpu.memory_space<semaphore_mem>>)
        %add3A_341 = arith.constant 3 : i32
        %add3A_342 = arith.addi %mul3A_136, %add3A_341 : i32
        %dma_wait3A_343 = arith.constant 0 : i32
        %dma_wait3A_344 = tpu.memref_slice %arg8[%add3A_342, %dma_wait3A_343] : memref<160x128xi32, #tpu.memory_space<vmem>> -> memref<1x128xi32, #tpu.memory_space<vmem>>
        %dma_wait3A_345 = tpu.memref_squeeze %dma_wait3A_344 : memref<1x128xi32, #tpu.memory_space<vmem>> -> memref<128xi32, #tpu.memory_space<vmem>>
        %dma_wait3A_346 = arith.constant 0 : i32
        %dma_wait3A_347 = arith.constant 0 : i32
        %dma_wait3A_348 = tpu.memref_slice %arg9[%dma_wait3A_346, %dma_wait3A_347] : memref<10016x64xbf16, #tpu.memory_space<vmem_shared>> -> memref<10016x64xbf16, #tpu.memory_space<vmem_shared>>
        tpu.wait_indirect_dma semaphore(%arg29 : memref<!tpu.dma_semaphore, #tpu.memory_space<semaphore_mem>>) src(%arg13 : memref<128x64xbf16, #tpu.memory_space<vmem>>) dst(%dma_wait3A_348 : memref<10016x64xbf16, #tpu.memory_space<vmem_shared>>)
        %add3A_349 = arith.constant 8 : i32
        %add3A_350 = arith.addi %mul3A_136, %add3A_349 : i32
        %add3A_351 = arith.constant 3 : i32
        %add3A_352 = arith.addi %add3A_350, %add3A_351 : i32
        %dma_start3A_353 = arith.constant 0 : i32
        %dma_start3A_354 = tpu.memref_slice %arg7[%add3A_352, %dma_start3A_353] : memref<160x128xi32, #tpu.memory_space<vmem>> -> memref<1x128xi32, #tpu.memory_space<vmem>>
        %dma_start3A_355 = tpu.memref_squeeze %dma_start3A_354 : memref<1x128xi32, #tpu.memory_space<vmem>> -> memref<128xi32, #tpu.memory_space<vmem>>
        %dma_start3A_356 = arith.constant 0 : i32
        %dma_start3A_357 = arith.constant 0 : i32
        %dma_start3A_358 = tpu.memref_slice %arg2[%dma_start3A_356, %dma_start3A_357] : memref<20000x64xbf16, #tpu.memory_space<hbm>> -> memref<20000x64xbf16, #tpu.memory_space<hbm>>
        tpu.enqueue_indirect_dma source(%dma_start3A_358 : memref<20000x64xbf16, #tpu.memory_space<hbm>>) target(%arg13 : memref<128x64xbf16, #tpu.memory_space<vmem>>) offsets(%dma_start3A_355 : memref<128xi32, #tpu.memory_space<vmem>>) semaphore(%arg21 : memref<!tpu.dma_semaphore, #tpu.memory_space<semaphore_mem>>)
        %add3A_359 = arith.constant 4 : i32
        %add3A_360 = arith.addi %mul3A_136, %add3A_359 : i32
        %dma_wait3A_361 = arith.constant 0 : i32
        %dma_wait3A_362 = tpu.memref_slice %arg8[%add3A_360, %dma_wait3A_361] : memref<160x128xi32, #tpu.memory_space<vmem>> -> memref<1x128xi32, #tpu.memory_space<vmem>>
        %dma_wait3A_363 = tpu.memref_squeeze %dma_wait3A_362 : memref<1x128xi32, #tpu.memory_space<vmem>> -> memref<128xi32, #tpu.memory_space<vmem>>
        %dma_wait3A_364 = arith.constant 0 : i32
        %dma_wait3A_365 = arith.constant 0 : i32
        %dma_wait3A_366 = tpu.memref_slice %arg9[%dma_wait3A_364, %dma_wait3A_365] : memref<10016x64xbf16, #tpu.memory_space<vmem_shared>> -> memref<10016x64xbf16, #tpu.memory_space<vmem_shared>>
        tpu.wait_indirect_dma semaphore(%arg30 : memref<!tpu.dma_semaphore, #tpu.memory_space<semaphore_mem>>) src(%arg14 : memref<128x64xbf16, #tpu.memory_space<vmem>>) dst(%dma_wait3A_366 : memref<10016x64xbf16, #tpu.memory_space<vmem_shared>>)
        %add3A_367 = arith.constant 8 : i32
        %add3A_368 = arith.addi %mul3A_136, %add3A_367 : i32
        %add3A_369 = arith.constant 4 : i32
        %add3A_370 = arith.addi %add3A_368, %add3A_369 : i32
        %dma_start3A_371 = arith.constant 0 : i32
        %dma_start3A_372 = tpu.memref_slice %arg7[%add3A_370, %dma_start3A_371] : memref<160x128xi32, #tpu.memory_space<vmem>> -> memref<1x128xi32, #tpu.memory_space<vmem>>
        %dma_start3A_373 = tpu.memref_squeeze %dma_start3A_372 : memref<1x128xi32, #tpu.memory_space<vmem>> -> memref<128xi32, #tpu.memory_space<vmem>>
        %dma_start3A_374 = arith.constant 0 : i32
        %dma_start3A_375 = arith.constant 0 : i32
        %dma_start3A_376 = tpu.memref_slice %arg2[%dma_start3A_374, %dma_start3A_375] : memref<20000x64xbf16, #tpu.memory_space<hbm>> -> memref<20000x64xbf16, #tpu.memory_space<hbm>>
        tpu.enqueue_indirect_dma source(%dma_start3A_376 : memref<20000x64xbf16, #tpu.memory_space<hbm>>) target(%arg14 : memref<128x64xbf16, #tpu.memory_space<vmem>>) offsets(%dma_start3A_373 : memref<128xi32, #tpu.memory_space<vmem>>) semaphore(%arg22 : memref<!tpu.dma_semaphore, #tpu.memory_space<semaphore_mem>>)
        %add3A_377 = arith.constant 5 : i32
        %add3A_378 = arith.addi %mul3A_136, %add3A_377 : i32
        %dma_wait3A_379 = arith.constant 0 : i32
        %dma_wait3A_380 = tpu.memref_slice %arg8[%add3A_378, %dma_wait3A_379] : memref<160x128xi32, #tpu.memory_space<vmem>> -> memref<1x128xi32, #tpu.memory_space<vmem>>
        %dma_wait3A_381 = tpu.memref_squeeze %dma_wait3A_380 : memref<1x128xi32, #tpu.memory_space<vmem>> -> memref<128xi32, #tpu.memory_space<vmem>>
        %dma_wait3A_382 = arith.constant 0 : i32
        %dma_wait3A_383 = arith.constant 0 : i32
        %dma_wait3A_384 = tpu.memref_slice %arg9[%dma_wait3A_382, %dma_wait3A_383] : memref<10016x64xbf16, #tpu.memory_space<vmem_shared>> -> memref<10016x64xbf16, #tpu.memory_space<vmem_shared>>
        tpu.wait_indirect_dma semaphore(%arg31 : memref<!tpu.dma_semaphore, #tpu.memory_space<semaphore_mem>>) src(%arg15 : memref<128x64xbf16, #tpu.memory_space<vmem>>) dst(%dma_wait3A_384 : memref<10016x64xbf16, #tpu.memory_space<vmem_shared>>)
        %add3A_385 = arith.constant 8 : i32
        %add3A_386 = arith.addi %mul3A_136, %add3A_385 : i32
        %add3A_387 = arith.constant 5 : i32
        %add3A_388 = arith.addi %add3A_386, %add3A_387 : i32
        %dma_start3A_389 = arith.constant 0 : i32
        %dma_start3A_390 = tpu.memref_slice %arg7[%add3A_388, %dma_start3A_389] : memref<160x128xi32, #tpu.memory_space<vmem>> -> memref<1x128xi32, #tpu.memory_space<vmem>>
        %dma_start3A_391 = tpu.memref_squeeze %dma_start3A_390 : memref<1x128xi32, #tpu.memory_space<vmem>> -> memref<128xi32, #tpu.memory_space<vmem>>
        %dma_start3A_392 = arith.constant 0 : i32
        %dma_start3A_393 = arith.constant 0 : i32
        %dma_start3A_394 = tpu.memref_slice %arg2[%dma_start3A_392, %dma_start3A_393] : memref<20000x64xbf16, #tpu.memory_space<hbm>> -> memref<20000x64xbf16, #tpu.memory_space<hbm>>
        tpu.enqueue_indirect_dma source(%dma_start3A_394 : memref<20000x64xbf16, #tpu.memory_space<hbm>>) target(%arg15 : memref<128x64xbf16, #tpu.memory_space<vmem>>) offsets(%dma_start3A_391 : memref<128xi32, #tpu.memory_space<vmem>>) semaphore(%arg23 : memref<!tpu.dma_semaphore, #tpu.memory_space<semaphore_mem>>)
        %add3A_395 = arith.constant 6 : i32
        %add3A_396 = arith.addi %mul3A_136, %add3A_395 : i32
        %dma_wait3A_397 = arith.constant 0 : i32
        %dma_wait3A_398 = tpu.memref_slice %arg8[%add3A_396, %dma_wait3A_397] : memref<160x128xi32, #tpu.memory_space<vmem>> -> memref<1x128xi32, #tpu.memory_space<vmem>>
        %dma_wait3A_399 = tpu.memref_squeeze %dma_wait3A_398 : memref<1x128xi32, #tpu.memory_space<vmem>> -> memref<128xi32, #tpu.memory_space<vmem>>
        %dma_wait3A_400 = arith.constant 0 : i32
        %dma_wait3A_401 = arith.constant 0 : i32
        %dma_wait3A_402 = tpu.memref_slice %arg9[%dma_wait3A_400, %dma_wait3A_401] : memref<10016x64xbf16, #tpu.memory_space<vmem_shared>> -> memref<10016x64xbf16, #tpu.memory_space<vmem_shared>>
        tpu.wait_indirect_dma semaphore(%arg32 : memref<!tpu.dma_semaphore, #tpu.memory_space<semaphore_mem>>) src(%arg16 : memref<128x64xbf16, #tpu.memory_space<vmem>>) dst(%dma_wait3A_402 : memref<10016x64xbf16, #tpu.memory_space<vmem_shared>>)
        %add3A_403 = arith.constant 8 : i32
        %add3A_404 = arith.addi %mul3A_136, %add3A_403 : i32
        %add3A_405 = arith.constant 6 : i32
        %add3A_406 = arith.addi %add3A_404, %add3A_405 : i32
        %dma_start3A_407 = arith.constant 0 : i32
        %dma_start3A_408 = tpu.memref_slice %arg7[%add3A_406, %dma_start3A_407] : memref<160x128xi32, #tpu.memory_space<vmem>> -> memref<1x128xi32, #tpu.memory_space<vmem>>
        %dma_start3A_409 = tpu.memref_squeeze %dma_start3A_408 : memref<1x128xi32, #tpu.memory_space<vmem>> -> memref<128xi32, #tpu.memory_space<vmem>>
        %dma_start3A_410 = arith.constant 0 : i32
        %dma_start3A_411 = arith.constant 0 : i32
        %dma_start3A_412 = tpu.memref_slice %arg2[%dma_start3A_410, %dma_start3A_411] : memref<20000x64xbf16, #tpu.memory_space<hbm>> -> memref<20000x64xbf16, #tpu.memory_space<hbm>>
        tpu.enqueue_indirect_dma source(%dma_start3A_412 : memref<20000x64xbf16, #tpu.memory_space<hbm>>) target(%arg16 : memref<128x64xbf16, #tpu.memory_space<vmem>>) offsets(%dma_start3A_409 : memref<128xi32, #tpu.memory_space<vmem>>) semaphore(%arg24 : memref<!tpu.dma_semaphore, #tpu.memory_space<semaphore_mem>>)
        %add3A_413 = arith.constant 7 : i32
        %add3A_414 = arith.addi %mul3A_136, %add3A_413 : i32
        %dma_wait3A_415 = arith.constant 0 : i32
        %dma_wait3A_416 = tpu.memref_slice %arg8[%add3A_414, %dma_wait3A_415] : memref<160x128xi32, #tpu.memory_space<vmem>> -> memref<1x128xi32, #tpu.memory_space<vmem>>
        %dma_wait3A_417 = tpu.memref_squeeze %dma_wait3A_416 : memref<1x128xi32, #tpu.memory_space<vmem>> -> memref<128xi32, #tpu.memory_space<vmem>>
        %dma_wait3A_418 = arith.constant 0 : i32
        %dma_wait3A_419 = arith.constant 0 : i32
        %dma_wait3A_420 = tpu.memref_slice %arg9[%dma_wait3A_418, %dma_wait3A_419] : memref<10016x64xbf16, #tpu.memory_space<vmem_shared>> -> memref<10016x64xbf16, #tpu.memory_space<vmem_shared>>
        tpu.wait_indirect_dma semaphore(%arg33 : memref<!tpu.dma_semaphore, #tpu.memory_space<semaphore_mem>>) src(%arg17 : memref<128x64xbf16, #tpu.memory_space<vmem>>) dst(%dma_wait3A_420 : memref<10016x64xbf16, #tpu.memory_space<vmem_shared>>)
        %add3A_421 = arith.constant 8 : i32
        %add3A_422 = arith.addi %mul3A_136, %add3A_421 : i32
        %add3A_423 = arith.constant 7 : i32
        %add3A_424 = arith.addi %add3A_422, %add3A_423 : i32
        %dma_start3A_425 = arith.constant 0 : i32
        %dma_start3A_426 = tpu.memref_slice %arg7[%add3A_424, %dma_start3A_425] : memref<160x128xi32, #tpu.memory_space<vmem>> -> memref<1x128xi32, #tpu.memory_space<vmem>>
        %dma_start3A_427 = tpu.memref_squeeze %dma_start3A_426 : memref<1x128xi32, #tpu.memory_space<vmem>> -> memref<128xi32, #tpu.memory_space<vmem>>
        %dma_start3A_428 = arith.constant 0 : i32
        %dma_start3A_429 = arith.constant 0 : i32
        %dma_start3A_430 = tpu.memref_slice %arg2[%dma_start3A_428, %dma_start3A_429] : memref<20000x64xbf16, #tpu.memory_space<hbm>> -> memref<20000x64xbf16, #tpu.memory_space<hbm>>
        tpu.enqueue_indirect_dma source(%dma_start3A_430 : memref<20000x64xbf16, #tpu.memory_space<hbm>>) target(%arg17 : memref<128x64xbf16, #tpu.memory_space<vmem>>) offsets(%dma_start3A_427 : memref<128xi32, #tpu.memory_space<vmem>>) semaphore(%arg25 : memref<!tpu.dma_semaphore, #tpu.memory_space<semaphore_mem>>)
      } else {
      }
    }
    %scan3A_65 = arith.constant 20 : i32
    %dma_wait3A = arith.constant 152 : i32
    %dma_wait3A_66 = arith.constant 0 : i32
    %dma_wait3A_67 = tpu.memref_slice %arg8[%dma_wait3A, %dma_wait3A_66] : memref<160x128xi32, #tpu.memory_space<vmem>> -> memref<1x128xi32, #tpu.memory_space<vmem>>
    %dma_wait3A_68 = tpu.memref_squeeze %dma_wait3A_67 : memref<1x128xi32, #tpu.memory_space<vmem>> -> memref<128xi32, #tpu.memory_space<vmem>>
    %dma_wait3A_69 = arith.constant 0 : i32
    %dma_wait3A_70 = arith.constant 0 : i32
    %dma_wait3A_71 = tpu.memref_slice %arg9[%dma_wait3A_69, %dma_wait3A_70] : memref<10016x64xbf16, #tpu.memory_space<vmem_shared>> -> memref<10016x64xbf16, #tpu.memory_space<vmem_shared>>
    tpu.wait_indirect_dma semaphore(%arg26 : memref<!tpu.dma_semaphore, #tpu.memory_space<semaphore_mem>>) src(%arg10 : memref<128x64xbf16, #tpu.memory_space<vmem>>) dst(%dma_wait3A_71 : memref<10016x64xbf16, #tpu.memory_space<vmem_shared>>)
    %dma_wait3A_72 = arith.constant 153 : i32
    %dma_wait3A_73 = arith.constant 0 : i32
    %dma_wait3A_74 = tpu.memref_slice %arg8[%dma_wait3A_72, %dma_wait3A_73] : memref<160x128xi32, #tpu.memory_space<vmem>> -> memref<1x128xi32, #tpu.memory_space<vmem>>
    %dma_wait3A_75 = tpu.memref_squeeze %dma_wait3A_74 : memref<1x128xi32, #tpu.memory_space<vmem>> -> memref<128xi32, #tpu.memory_space<vmem>>
    %dma_wait3A_76 = arith.constant 0 : i32
    %dma_wait3A_77 = arith.constant 0 : i32
    %dma_wait3A_78 = tpu.memref_slice %arg9[%dma_wait3A_76, %dma_wait3A_77] : memref<10016x64xbf16, #tpu.memory_space<vmem_shared>> -> memref<10016x64xbf16, #tpu.memory_space<vmem_shared>>
    tpu.wait_indirect_dma semaphore(%arg27 : memref<!tpu.dma_semaphore, #tpu.memory_space<semaphore_mem>>) src(%arg11 : memref<128x64xbf16, #tpu.memory_space<vmem>>) dst(%dma_wait3A_78 : memref<10016x64xbf16, #tpu.memory_space<vmem_shared>>)
    %dma_wait3A_79 = arith.constant 154 : i32
    %dma_wait3A_80 = arith.constant 0 : i32
    %dma_wait3A_81 = tpu.memref_slice %arg8[%dma_wait3A_79, %dma_wait3A_80] : memref<160x128xi32, #tpu.memory_space<vmem>> -> memref<1x128xi32, #tpu.memory_space<vmem>>
    %dma_wait3A_82 = tpu.memref_squeeze %dma_wait3A_81 : memref<1x128xi32, #tpu.memory_space<vmem>> -> memref<128xi32, #tpu.memory_space<vmem>>
    %dma_wait3A_83 = arith.constant 0 : i32
    %dma_wait3A_84 = arith.constant 0 : i32
    %dma_wait3A_85 = tpu.memref_slice %arg9[%dma_wait3A_83, %dma_wait3A_84] : memref<10016x64xbf16, #tpu.memory_space<vmem_shared>> -> memref<10016x64xbf16, #tpu.memory_space<vmem_shared>>
    tpu.wait_indirect_dma semaphore(%arg28 : memref<!tpu.dma_semaphore, #tpu.memory_space<semaphore_mem>>) src(%arg12 : memref<128x64xbf16, #tpu.memory_space<vmem>>) dst(%dma_wait3A_85 : memref<10016x64xbf16, #tpu.memory_space<vmem_shared>>)
    %dma_wait3A_86 = arith.constant 155 : i32
    %dma_wait3A_87 = arith.constant 0 : i32
    %dma_wait3A_88 = tpu.memref_slice %arg8[%dma_wait3A_86, %dma_wait3A_87] : memref<160x128xi32, #tpu.memory_space<vmem>> -> memref<1x128xi32, #tpu.memory_space<vmem>>
    %dma_wait3A_89 = tpu.memref_squeeze %dma_wait3A_88 : memref<1x128xi32, #tpu.memory_space<vmem>> -> memref<128xi32, #tpu.memory_space<vmem>>
    %dma_wait3A_90 = arith.constant 0 : i32
    %dma_wait3A_91 = arith.constant 0 : i32
    %dma_wait3A_92 = tpu.memref_slice %arg9[%dma_wait3A_90, %dma_wait3A_91] : memref<10016x64xbf16, #tpu.memory_space<vmem_shared>> -> memref<10016x64xbf16, #tpu.memory_space<vmem_shared>>
    tpu.wait_indirect_dma semaphore(%arg29 : memref<!tpu.dma_semaphore, #tpu.memory_space<semaphore_mem>>) src(%arg13 : memref<128x64xbf16, #tpu.memory_space<vmem>>) dst(%dma_wait3A_92 : memref<10016x64xbf16, #tpu.memory_space<vmem_shared>>)
    %dma_wait3A_93 = arith.constant 156 : i32
    %dma_wait3A_94 = arith.constant 0 : i32
    %dma_wait3A_95 = tpu.memref_slice %arg8[%dma_wait3A_93, %dma_wait3A_94] : memref<160x128xi32, #tpu.memory_space<vmem>> -> memref<1x128xi32, #tpu.memory_space<vmem>>
    %dma_wait3A_96 = tpu.memref_squeeze %dma_wait3A_95 : memref<1x128xi32, #tpu.memory_space<vmem>> -> memref<128xi32, #tpu.memory_space<vmem>>
    %dma_wait3A_97 = arith.constant 0 : i32
    %dma_wait3A_98 = arith.constant 0 : i32
    %dma_wait3A_99 = tpu.memref_slice %arg9[%dma_wait3A_97, %dma_wait3A_98] : memref<10016x64xbf16, #tpu.memory_space<vmem_shared>> -> memref<10016x64xbf16, #tpu.memory_space<vmem_shared>>
    tpu.wait_indirect_dma semaphore(%arg30 : memref<!tpu.dma_semaphore, #tpu.memory_space<semaphore_mem>>) src(%arg14 : memref<128x64xbf16, #tpu.memory_space<vmem>>) dst(%dma_wait3A_99 : memref<10016x64xbf16, #tpu.memory_space<vmem_shared>>)
    %dma_wait3A_100 = arith.constant 157 : i32
    %dma_wait3A_101 = arith.constant 0 : i32
    %dma_wait3A_102 = tpu.memref_slice %arg8[%dma_wait3A_100, %dma_wait3A_101] : memref<160x128xi32, #tpu.memory_space<vmem>> -> memref<1x128xi32, #tpu.memory_space<vmem>>
    %dma_wait3A_103 = tpu.memref_squeeze %dma_wait3A_102 : memref<1x128xi32, #tpu.memory_space<vmem>> -> memref<128xi32, #tpu.memory_space<vmem>>
    %dma_wait3A_104 = arith.constant 0 : i32
    %dma_wait3A_105 = arith.constant 0 : i32
    %dma_wait3A_106 = tpu.memref_slice %arg9[%dma_wait3A_104, %dma_wait3A_105] : memref<10016x64xbf16, #tpu.memory_space<vmem_shared>> -> memref<10016x64xbf16, #tpu.memory_space<vmem_shared>>
    tpu.wait_indirect_dma semaphore(%arg31 : memref<!tpu.dma_semaphore, #tpu.memory_space<semaphore_mem>>) src(%arg15 : memref<128x64xbf16, #tpu.memory_space<vmem>>) dst(%dma_wait3A_106 : memref<10016x64xbf16, #tpu.memory_space<vmem_shared>>)
    %dma_wait3A_107 = arith.constant 158 : i32
    %dma_wait3A_108 = arith.constant 0 : i32
    %dma_wait3A_109 = tpu.memref_slice %arg8[%dma_wait3A_107, %dma_wait3A_108] : memref<160x128xi32, #tpu.memory_space<vmem>> -> memref<1x128xi32, #tpu.memory_space<vmem>>
    %dma_wait3A_110 = tpu.memref_squeeze %dma_wait3A_109 : memref<1x128xi32, #tpu.memory_space<vmem>> -> memref<128xi32, #tpu.memory_space<vmem>>
    %dma_wait3A_111 = arith.constant 0 : i32
    %dma_wait3A_112 = arith.constant 0 : i32
    %dma_wait3A_113 = tpu.memref_slice %arg9[%dma_wait3A_111, %dma_wait3A_112] : memref<10016x64xbf16, #tpu.memory_space<vmem_shared>> -> memref<10016x64xbf16, #tpu.memory_space<vmem_shared>>
    tpu.wait_indirect_dma semaphore(%arg32 : memref<!tpu.dma_semaphore, #tpu.memory_space<semaphore_mem>>) src(%arg16 : memref<128x64xbf16, #tpu.memory_space<vmem>>) dst(%dma_wait3A_113 : memref<10016x64xbf16, #tpu.memory_space<vmem_shared>>)
    %dma_wait3A_114 = arith.constant 159 : i32
    %dma_wait3A_115 = arith.constant 0 : i32
    %dma_wait3A_116 = tpu.memref_slice %arg8[%dma_wait3A_114, %dma_wait3A_115] : memref<160x128xi32, #tpu.memory_space<vmem>> -> memref<1x128xi32, #tpu.memory_space<vmem>>
    %dma_wait3A_117 = tpu.memref_squeeze %dma_wait3A_116 : memref<1x128xi32, #tpu.memory_space<vmem>> -> memref<128xi32, #tpu.memory_space<vmem>>
    %dma_wait3A_118 = arith.constant 0 : i32
    %dma_wait3A_119 = arith.constant 0 : i32
    %dma_wait3A_120 = tpu.memref_slice %arg9[%dma_wait3A_118, %dma_wait3A_119] : memref<10016x64xbf16, #tpu.memory_space<vmem_shared>> -> memref<10016x64xbf16, #tpu.memory_space<vmem_shared>>
    tpu.wait_indirect_dma semaphore(%arg33 : memref<!tpu.dma_semaphore, #tpu.memory_space<semaphore_mem>>) src(%arg17 : memref<128x64xbf16, #tpu.memory_space<vmem>>) dst(%dma_wait3A_120 : memref<10016x64xbf16, #tpu.memory_space<vmem_shared>>)
    %barrier3A_121 = arith.constant 0 : index
    tpu.barrier barrier_id(%barrier3A_121)
    %mul3A_122 = arith.constant 624 : i32
    %mul3A_123 = arith.muli %arg1, %mul3A_122 : i32
    %mul3A_124 = arith.constant 10016 : i32
    %mul3A_125 = arith.muli %arg0, %mul3A_124 : i32
    %mul3A_126 = arith.constant 624 : i32
    %mul3A_127 = arith.muli %arg1, %mul3A_126 : i32
    %add3A_128 = arith.addi %mul3A_125, %mul3A_127 : i32
    "tpu.region"() ({
      %run_scoped3A = tpu.sem_alloc : memref<!tpu.dma_semaphore, #tpu.memory_space<semaphore_mem>>
      %dma_start3A_134 = arith.constant 0 : i32
      %dma_start3A_135 = tpu.memref_slice %arg6[%add3A_128, %dma_start3A_134] : memref<20032x64xbf16, #tpu.memory_space<hbm>> -> memref<624x64xbf16, #tpu.memory_space<hbm>>
      %dma_start3A_136 = arith.constant 0 : i32
      %dma_start3A_137 = tpu.memref_slice %arg9[%mul3A_123, %dma_start3A_136] : memref<10016x64xbf16, #tpu.memory_space<vmem_shared>> -> memref<624x64xbf16, #tpu.memory_space<vmem_shared>>
      tpu.enqueue_dma source(%dma_start3A_137 : memref<624x64xbf16, #tpu.memory_space<vmem_shared>>) target(%dma_start3A_135 : memref<624x64xbf16, #tpu.memory_space<hbm>>) target_semaphore(%run_scoped3A : memref<!tpu.dma_semaphore, #tpu.memory_space<semaphore_mem>>)
      %dma_wait3A_138 = arith.constant 0 : i32
      %dma_wait3A_139 = tpu.memref_slice %arg6[%add3A_128, %dma_wait3A_138] : memref<20032x64xbf16, #tpu.memory_space<hbm>> -> memref<624x64xbf16, #tpu.memory_space<hbm>>
      %dma_wait3A_140 = arith.constant 0 : i32
      %dma_wait3A_141 = tpu.memref_slice %arg9[%mul3A_123, %dma_wait3A_140] : memref<10016x64xbf16, #tpu.memory_space<vmem_shared>> -> memref<624x64xbf16, #tpu.memory_space<vmem_shared>>
      tpu.wait_dma2 semaphore(%run_scoped3A : memref<!tpu.dma_semaphore, #tpu.memory_space<semaphore_mem>>) src(%dma_wait3A_141 : memref<624x64xbf16, #tpu.memory_space<vmem_shared>>) dst(%dma_wait3A_139 : memref<624x64xbf16, #tpu.memory_space<hbm>>)
      tpu.yield
    }) : () -> ()
    %eq3A_129 = arith.constant 0 : i32
    %eq3A_130 = arith.cmpi eq, %arg1, %eq3A_129 : i32
    %convert_element_type3A_131 = arith.extui %eq3A_130 : i1 to i32
    %cond3A_132 = arith.constant 0 : i32
    %cond3A_133 = arith.cmpi ne, %convert_element_type3A_131, %cond3A_132 : i32
    scf.if %cond3A_133 {
      %mul3A_134 = arith.constant 10016 : i32
      %mul3A_135 = arith.muli %arg0, %mul3A_134 : i32
      %add3A_136 = arith.constant 9984 : i32
      %add3A_137 = arith.addi %mul3A_135, %add3A_136 : i32
      "tpu.region"() ({
        %run_scoped3A = tpu.sem_alloc : memref<!tpu.dma_semaphore, #tpu.memory_space<semaphore_mem>>
        %dma_start3A_138 = arith.constant 0 : i32
        %dma_start3A_139 = tpu.memref_slice %arg6[%add3A_137, %dma_start3A_138] : memref<20032x64xbf16, #tpu.memory_space<hbm>> -> memref<32x64xbf16, #tpu.memory_space<hbm>>
        %dma_start3A_140 = arith.constant 9984 : i32
        %dma_start3A_141 = arith.constant 0 : i32
        %dma_start3A_142 = tpu.memref_slice %arg9[%dma_start3A_140, %dma_start3A_141] : memref<10016x64xbf16, #tpu.memory_space<vmem_shared>> -> memref<32x64xbf16, #tpu.memory_space<vmem_shared>>
        tpu.enqueue_dma source(%dma_start3A_142 : memref<32x64xbf16, #tpu.memory_space<vmem_shared>>) target(%dma_start3A_139 : memref<32x64xbf16, #tpu.memory_space<hbm>>) target_semaphore(%run_scoped3A : memref<!tpu.dma_semaphore, #tpu.memory_space<semaphore_mem>>)
        %dma_wait3A_143 = arith.constant 0 : i32
        %dma_wait3A_144 = tpu.memref_slice %arg6[%add3A_137, %dma_wait3A_143] : memref<20032x64xbf16, #tpu.memory_space<hbm>> -> memref<32x64xbf16, #tpu.memory_space<hbm>>
        %dma_wait3A_145 = arith.constant 9984 : i32
        %dma_wait3A_146 = arith.constant 0 : i32
        %dma_wait3A_147 = tpu.memref_slice %arg9[%dma_wait3A_145, %dma_wait3A_146] : memref<10016x64xbf16, #tpu.memory_space<vmem_shared>> -> memref<32x64xbf16, #tpu.memory_space<vmem_shared>>
        tpu.wait_dma2 semaphore(%run_scoped3A : memref<!tpu.dma_semaphore, #tpu.memory_space<semaphore_mem>>) src(%dma_wait3A_147 : memref<32x64xbf16, #tpu.memory_space<vmem_shared>>) dst(%dma_wait3A_144 : memref<32x64xbf16, #tpu.memory_space<hbm>>)
        tpu.yield
      }) : () -> ()
    } else {
    }
    return
  }
}

#map = affine_map<(d0, d1) -> (0, 0)>
#map1 = affine_map<(d0, d1) -> (0, 0, 0, 0)>
#map2 = affine_map<(d0, d1) -> (0, 0, 0)>
#map3 = affine_map<(d0, d1) -> (0)>
module attributes {stable_mosaic.version = 14 : i64} {
  func.func @body(%arg0: i32, %arg1: i32, %arg2: memref<20000x64xbf16, #tpu.memory_space<hbm>>, %arg3: memref<2x16x160x128xi32, #tpu.memory_space<hbm>>, %arg4: memref<16x160x128xi32, #tpu.memory_space<hbm>>, %arg5: memref<624x64xbf16, #tpu.memory_space<hbm>>, %arg6: memref<10016xf32, #tpu.memory_space<hbm>>, %arg7: memref<20032x64xbf16, #tpu.memory_space<hbm>>, %arg8: memref<32x10016xf32, #tpu.memory_space<hbm>>, %arg9: memref<160x128xi32, #tpu.memory_space<vmem>>, %arg10: memref<160x128xi32, #tpu.memory_space<vmem>>, %arg11: memref<10016x64xbf16, #tpu.memory_space<vmem_shared>>, %arg12: memref<128x64xbf16, #tpu.memory_space<vmem>>, %arg13: memref<128x64xbf16, #tpu.memory_space<vmem>>, %arg14: memref<128x64xbf16, #tpu.memory_space<vmem>>, %arg15: memref<128x64xbf16, #tpu.memory_space<vmem>>, %arg16: memref<128x64xbf16, #tpu.memory_space<vmem>>, %arg17: memref<128x64xbf16, #tpu.memory_space<vmem>>, %arg18: memref<128x64xbf16, #tpu.memory_space<vmem>>, %arg19: memref<128x64xbf16, #tpu.memory_space<vmem>>, %arg20: memref<!tpu.dma_semaphore, #tpu.memory_space<semaphore_mem>>, %arg21: memref<!tpu.dma_semaphore, #tpu.memory_space<semaphore_mem>>, %arg22: memref<!tpu.dma_semaphore, #tpu.memory_space<semaphore_mem>>, %arg23: memref<!tpu.dma_semaphore, #tpu.memory_space<semaphore_mem>>, %arg24: memref<!tpu.dma_semaphore, #tpu.memory_space<semaphore_mem>>, %arg25: memref<!tpu.dma_semaphore, #tpu.memory_space<semaphore_mem>>, %arg26: memref<!tpu.dma_semaphore, #tpu.memory_space<semaphore_mem>>, %arg27: memref<!tpu.dma_semaphore, #tpu.memory_space<semaphore_mem>>, %arg28: memref<!tpu.dma_semaphore, #tpu.memory_space<semaphore_mem>>, %arg29: memref<!tpu.dma_semaphore, #tpu.memory_space<semaphore_mem>>, %arg30: memref<!tpu.dma_semaphore, #tpu.memory_space<semaphore_mem>>, %arg31: memref<!tpu.dma_semaphore, #tpu.memory_space<semaphore_mem>>, %arg32: memref<!tpu.dma_semaphore, #tpu.memory_space<semaphore_mem>>, %arg33: memref<!tpu.dma_semaphore, #tpu.memory_space<semaphore_mem>>, %arg34: memref<!tpu.dma_semaphore, #tpu.memory_space<semaphore_mem>>, %arg35: memref<!tpu.dma_semaphore, #tpu.memory_space<semaphore_mem>>, %arg36: memref<10016xf32, #tpu.memory_space<vmem>>) attributes {dimension_semantics = [#tpu.dimension_semantics<core_parallel>, #tpu.dimension_semantics<subcore_parallel>], iteration_bounds = array<i64: 2, 16>, scalar_prefetch = 0 : i64, scratch_operands = 28 : i64, tpu.core_type = #tpu.core_type<sc_vector_subcore>, window_params = [{transform_indices = #map}, {transform_indices = #map1}, {transform_indices = #map2}, {transform_indices = #map}, {transform_indices = #map3}, {transform_indices = #map}, {transform_indices = #map}]} {
    %mul3A = arith.constant 16 : i32
    %mul3A_0 = arith.muli %arg0, %mul3A : i32
    %add3A = arith.addi %mul3A_0, %arg1 : i32
    %mul3A_1 = arith.constant 624 : i32
    %mul3A_2 = arith.muli %arg1, %mul3A_1 : i32
    "tpu.region"() ({
      %run_scoped3A = tpu.sem_alloc : memref<!tpu.dma_semaphore, #tpu.memory_space<semaphore_mem>>
      %dma_start3A_134 = arith.constant 0 : i32
      %dma_start3A_135 = tpu.memref_slice %arg11[%mul3A_2, %dma_start3A_134] : memref<10016x64xbf16, #tpu.memory_space<vmem_shared>> -> memref<624x64xbf16, #tpu.memory_space<vmem_shared>>
      tpu.enqueue_dma source(%arg5 : memref<624x64xbf16, #tpu.memory_space<hbm>>) target(%dma_start3A_135 : memref<624x64xbf16, #tpu.memory_space<vmem_shared>>) target_semaphore(%run_scoped3A : memref<!tpu.dma_semaphore, #tpu.memory_space<semaphore_mem>>)
      %dma_wait3A_136 = arith.constant 0 : i32
      %dma_wait3A_137 = tpu.memref_slice %arg11[%mul3A_2, %dma_wait3A_136] : memref<10016x64xbf16, #tpu.memory_space<vmem_shared>> -> memref<624x64xbf16, #tpu.memory_space<vmem_shared>>
      tpu.wait_dma2 semaphore(%run_scoped3A : memref<!tpu.dma_semaphore, #tpu.memory_space<semaphore_mem>>) src(%arg5 : memref<624x64xbf16, #tpu.memory_space<hbm>>) dst(%dma_wait3A_137 : memref<624x64xbf16, #tpu.memory_space<vmem_shared>>)
      tpu.yield
    }) : () -> ()
    %eq3A = arith.constant 0 : i32
    %eq3A_3 = arith.cmpi eq, %arg1, %eq3A : i32
    %convert_element_type3A = arith.extui %eq3A_3 : i1 to i32
    %cond3A = arith.constant 0 : i32
    %cond3A_4 = arith.cmpi ne, %convert_element_type3A, %cond3A : i32
    scf.if %cond3A_4 {
      "tpu.region"() ({
        %run_scoped3A = tpu.sem_alloc : memref<!tpu.dma_semaphore, #tpu.memory_space<semaphore_mem>>
        %dma_start3A_134 = arith.constant 9984 : i32
        %dma_start3A_135 = arith.constant 0 : i32
        %dma_start3A_136 = tpu.memref_slice %arg11[%dma_start3A_134, %dma_start3A_135] : memref<10016x64xbf16, #tpu.memory_space<vmem_shared>> -> memref<32x64xbf16, #tpu.memory_space<vmem_shared>>
        %dma_start3A_137 = arith.constant 0 : i32
        %dma_start3A_138 = arith.constant 0 : i32
        %dma_start3A_139 = tpu.memref_slice %arg5[%dma_start3A_137, %dma_start3A_138] : memref<624x64xbf16, #tpu.memory_space<hbm>> -> memref<32x64xbf16, #tpu.memory_space<hbm>>
        tpu.enqueue_dma source(%dma_start3A_139 : memref<32x64xbf16, #tpu.memory_space<hbm>>) target(%dma_start3A_136 : memref<32x64xbf16, #tpu.memory_space<vmem_shared>>) target_semaphore(%run_scoped3A : memref<!tpu.dma_semaphore, #tpu.memory_space<semaphore_mem>>)
        %dma_wait3A_140 = arith.constant 9984 : i32
        %dma_wait3A_141 = arith.constant 0 : i32
        %dma_wait3A_142 = tpu.memref_slice %arg11[%dma_wait3A_140, %dma_wait3A_141] : memref<10016x64xbf16, #tpu.memory_space<vmem_shared>> -> memref<32x64xbf16, #tpu.memory_space<vmem_shared>>
        %dma_wait3A_143 = arith.constant 0 : i32
        %dma_wait3A_144 = arith.constant 0 : i32
        %dma_wait3A_145 = tpu.memref_slice %arg5[%dma_wait3A_143, %dma_wait3A_144] : memref<624x64xbf16, #tpu.memory_space<hbm>> -> memref<32x64xbf16, #tpu.memory_space<hbm>>
        tpu.wait_dma2 semaphore(%run_scoped3A : memref<!tpu.dma_semaphore, #tpu.memory_space<semaphore_mem>>) src(%dma_wait3A_145 : memref<32x64xbf16, #tpu.memory_space<hbm>>) dst(%dma_wait3A_142 : memref<32x64xbf16, #tpu.memory_space<vmem_shared>>)
        tpu.yield
      }) : () -> ()
    } else {
    }
    "tpu.region"() ({
      %run_scoped3A = tpu.sem_alloc : memref<!tpu.dma_semaphore, #tpu.memory_space<semaphore_mem>>
      %dma_start3A_134 = arith.constant 0 : i32
      %dma_start3A_135 = arith.constant 0 : i32
      %dma_start3A_136 = tpu.memref_slice %arg3[%arg0, %arg1, %dma_start3A_134, %dma_start3A_135] : memref<2x16x160x128xi32, #tpu.memory_space<hbm>> -> memref<1x1x160x128xi32, #tpu.memory_space<hbm>>
      %dma_start3A_137 = tpu.memref_squeeze %dma_start3A_136 : memref<1x1x160x128xi32, #tpu.memory_space<hbm>> -> memref<160x128xi32, #tpu.memory_space<hbm>>
      %dma_start3A_138 = arith.constant 0 : i32
      %dma_start3A_139 = arith.constant 0 : i32
      %dma_start3A_140 = tpu.memref_slice %arg3[%arg0, %arg1, %dma_start3A_138, %dma_start3A_139] : memref<2x16x160x128xi32, #tpu.memory_space<hbm>> -> memref<1x1x160x128xi32, #tpu.memory_space<hbm>>
      %dma_start3A_141 = tpu.memref_squeeze %dma_start3A_140 : memref<1x1x160x128xi32, #tpu.memory_space<hbm>> -> memref<160x128xi32, #tpu.memory_space<hbm>>
      tpu.enqueue_dma source(%dma_start3A_141 : memref<160x128xi32, #tpu.memory_space<hbm>>) target(%arg9 : memref<160x128xi32, #tpu.memory_space<vmem>>) target_semaphore(%run_scoped3A : memref<!tpu.dma_semaphore, #tpu.memory_space<semaphore_mem>>)
      %dma_wait3A_142 = arith.constant 0 : i32
      %dma_wait3A_143 = arith.constant 0 : i32
      %dma_wait3A_144 = tpu.memref_slice %arg3[%arg0, %arg1, %dma_wait3A_142, %dma_wait3A_143] : memref<2x16x160x128xi32, #tpu.memory_space<hbm>> -> memref<1x1x160x128xi32, #tpu.memory_space<hbm>>
      %dma_wait3A_145 = tpu.memref_squeeze %dma_wait3A_144 : memref<1x1x160x128xi32, #tpu.memory_space<hbm>> -> memref<160x128xi32, #tpu.memory_space<hbm>>
      %dma_wait3A_146 = arith.constant 0 : i32
      %dma_wait3A_147 = arith.constant 0 : i32
      %dma_wait3A_148 = tpu.memref_slice %arg3[%arg0, %arg1, %dma_wait3A_146, %dma_wait3A_147] : memref<2x16x160x128xi32, #tpu.memory_space<hbm>> -> memref<1x1x160x128xi32, #tpu.memory_space<hbm>>
      %dma_wait3A_149 = tpu.memref_squeeze %dma_wait3A_148 : memref<1x1x160x128xi32, #tpu.memory_space<hbm>> -> memref<160x128xi32, #tpu.memory_space<hbm>>
      tpu.wait_dma2 semaphore(%run_scoped3A : memref<!tpu.dma_semaphore, #tpu.memory_space<semaphore_mem>>) src(%dma_wait3A_149 : memref<160x128xi32, #tpu.memory_space<hbm>>) dst(%arg9 : memref<160x128xi32, #tpu.memory_space<vmem>>)
      tpu.yield
    }) : () -> ()
    "tpu.region"() ({
      %run_scoped3A = tpu.sem_alloc : memref<!tpu.dma_semaphore, #tpu.memory_space<semaphore_mem>>
      %dma_start3A_134 = arith.constant 0 : i32
      %dma_start3A_135 = arith.constant 0 : i32
      %dma_start3A_136 = tpu.memref_slice %arg4[%arg1, %dma_start3A_134, %dma_start3A_135] : memref<16x160x128xi32, #tpu.memory_space<hbm>> -> memref<1x160x128xi32, #tpu.memory_space<hbm>>
      %dma_start3A_137 = tpu.memref_squeeze %dma_start3A_136 : memref<1x160x128xi32, #tpu.memory_space<hbm>> -> memref<160x128xi32, #tpu.memory_space<hbm>>
      %dma_start3A_138 = arith.constant 0 : i32
      %dma_start3A_139 = arith.constant 0 : i32
      %dma_start3A_140 = tpu.memref_slice %arg4[%arg1, %dma_start3A_138, %dma_start3A_139] : memref<16x160x128xi32, #tpu.memory_space<hbm>> -> memref<1x160x128xi32, #tpu.memory_space<hbm>>
      %dma_start3A_141 = tpu.memref_squeeze %dma_start3A_140 : memref<1x160x128xi32, #tpu.memory_space<hbm>> -> memref<160x128xi32, #tpu.memory_space<hbm>>
      tpu.enqueue_dma source(%dma_start3A_141 : memref<160x128xi32, #tpu.memory_space<hbm>>) target(%arg10 : memref<160x128xi32, #tpu.memory_space<vmem>>) target_semaphore(%run_scoped3A : memref<!tpu.dma_semaphore, #tpu.memory_space<semaphore_mem>>)
      %dma_wait3A_142 = arith.constant 0 : i32
      %dma_wait3A_143 = arith.constant 0 : i32
      %dma_wait3A_144 = tpu.memref_slice %arg4[%arg1, %dma_wait3A_142, %dma_wait3A_143] : memref<16x160x128xi32, #tpu.memory_space<hbm>> -> memref<1x160x128xi32, #tpu.memory_space<hbm>>
      %dma_wait3A_145 = tpu.memref_squeeze %dma_wait3A_144 : memref<1x160x128xi32, #tpu.memory_space<hbm>> -> memref<160x128xi32, #tpu.memory_space<hbm>>
      %dma_wait3A_146 = arith.constant 0 : i32
      %dma_wait3A_147 = arith.constant 0 : i32
      %dma_wait3A_148 = tpu.memref_slice %arg4[%arg1, %dma_wait3A_146, %dma_wait3A_147] : memref<16x160x128xi32, #tpu.memory_space<hbm>> -> memref<1x160x128xi32, #tpu.memory_space<hbm>>
      %dma_wait3A_149 = tpu.memref_squeeze %dma_wait3A_148 : memref<1x160x128xi32, #tpu.memory_space<hbm>> -> memref<160x128xi32, #tpu.memory_space<hbm>>
      tpu.wait_dma2 semaphore(%run_scoped3A : memref<!tpu.dma_semaphore, #tpu.memory_space<semaphore_mem>>) src(%dma_wait3A_149 : memref<160x128xi32, #tpu.memory_space<hbm>>) dst(%arg10 : memref<160x128xi32, #tpu.memory_space<vmem>>)
      tpu.yield
    }) : () -> ()
    "tpu.region"() ({
      %run_scoped3A = tpu.sem_alloc : memref<!tpu.dma_semaphore, #tpu.memory_space<semaphore_mem>>
      tpu.enqueue_dma source(%arg6 : memref<10016xf32, #tpu.memory_space<hbm>>) target(%arg36 : memref<10016xf32, #tpu.memory_space<vmem>>) target_semaphore(%run_scoped3A : memref<!tpu.dma_semaphore, #tpu.memory_space<semaphore_mem>>)
      tpu.wait_dma2 semaphore(%run_scoped3A : memref<!tpu.dma_semaphore, #tpu.memory_space<semaphore_mem>>) src(%arg6 : memref<10016xf32, #tpu.memory_space<hbm>>) dst(%arg36 : memref<10016xf32, #tpu.memory_space<vmem>>)
      tpu.yield
    }) : () -> ()
    %broadcast_in_dim3A = arith.constant 1.000000e+00 : f32
    %broadcast_in_dim3A_5 = vector.broadcast %broadcast_in_dim3A : f32 to vector<16xf32>
    %dma_start3A = arith.constant 0 : i32
    %dma_start3A_6 = arith.constant 0 : i32
    %dma_start3A_7 = tpu.memref_slice %arg9[%dma_start3A, %dma_start3A_6] : memref<160x128xi32, #tpu.memory_space<vmem>> -> memref<1x128xi32, #tpu.memory_space<vmem>>
    %dma_start3A_8 = tpu.memref_squeeze %dma_start3A_7 : memref<1x128xi32, #tpu.memory_space<vmem>> -> memref<128xi32, #tpu.memory_space<vmem>>
    %dma_start3A_9 = arith.constant 0 : i32
    %dma_start3A_10 = arith.constant 0 : i32
    %dma_start3A_11 = tpu.memref_slice %arg2[%dma_start3A_9, %dma_start3A_10] : memref<20000x64xbf16, #tpu.memory_space<hbm>> -> memref<20000x64xbf16, #tpu.memory_space<hbm>>
    tpu.enqueue_indirect_dma source(%dma_start3A_11 : memref<20000x64xbf16, #tpu.memory_space<hbm>>) target(%arg12 : memref<128x64xbf16, #tpu.memory_space<vmem>>) offsets(%dma_start3A_8 : memref<128xi32, #tpu.memory_space<vmem>>) semaphore(%arg20 : memref<!tpu.dma_semaphore, #tpu.memory_space<semaphore_mem>>)
    %dma_start3A_12 = arith.constant 1 : i32
    %dma_start3A_13 = arith.constant 0 : i32
    %dma_start3A_14 = tpu.memref_slice %arg9[%dma_start3A_12, %dma_start3A_13] : memref<160x128xi32, #tpu.memory_space<vmem>> -> memref<1x128xi32, #tpu.memory_space<vmem>>
    %dma_start3A_15 = tpu.memref_squeeze %dma_start3A_14 : memref<1x128xi32, #tpu.memory_space<vmem>> -> memref<128xi32, #tpu.memory_space<vmem>>
    %dma_start3A_16 = arith.constant 0 : i32
    %dma_start3A_17 = arith.constant 0 : i32
    %dma_start3A_18 = tpu.memref_slice %arg2[%dma_start3A_16, %dma_start3A_17] : memref<20000x64xbf16, #tpu.memory_space<hbm>> -> memref<20000x64xbf16, #tpu.memory_space<hbm>>
    tpu.enqueue_indirect_dma source(%dma_start3A_18 : memref<20000x64xbf16, #tpu.memory_space<hbm>>) target(%arg13 : memref<128x64xbf16, #tpu.memory_space<vmem>>) offsets(%dma_start3A_15 : memref<128xi32, #tpu.memory_space<vmem>>) semaphore(%arg21 : memref<!tpu.dma_semaphore, #tpu.memory_space<semaphore_mem>>)
    %dma_start3A_19 = arith.constant 2 : i32
    %dma_start3A_20 = arith.constant 0 : i32
    %dma_start3A_21 = tpu.memref_slice %arg9[%dma_start3A_19, %dma_start3A_20] : memref<160x128xi32, #tpu.memory_space<vmem>> -> memref<1x128xi32, #tpu.memory_space<vmem>>
    %dma_start3A_22 = tpu.memref_squeeze %dma_start3A_21 : memref<1x128xi32, #tpu.memory_space<vmem>> -> memref<128xi32, #tpu.memory_space<vmem>>
    %dma_start3A_23 = arith.constant 0 : i32
    %dma_start3A_24 = arith.constant 0 : i32
    %dma_start3A_25 = tpu.memref_slice %arg2[%dma_start3A_23, %dma_start3A_24] : memref<20000x64xbf16, #tpu.memory_space<hbm>> -> memref<20000x64xbf16, #tpu.memory_space<hbm>>
    tpu.enqueue_indirect_dma source(%dma_start3A_25 : memref<20000x64xbf16, #tpu.memory_space<hbm>>) target(%arg14 : memref<128x64xbf16, #tpu.memory_space<vmem>>) offsets(%dma_start3A_22 : memref<128xi32, #tpu.memory_space<vmem>>) semaphore(%arg22 : memref<!tpu.dma_semaphore, #tpu.memory_space<semaphore_mem>>)
    %dma_start3A_26 = arith.constant 3 : i32
    %dma_start3A_27 = arith.constant 0 : i32
    %dma_start3A_28 = tpu.memref_slice %arg9[%dma_start3A_26, %dma_start3A_27] : memref<160x128xi32, #tpu.memory_space<vmem>> -> memref<1x128xi32, #tpu.memory_space<vmem>>
    %dma_start3A_29 = tpu.memref_squeeze %dma_start3A_28 : memref<1x128xi32, #tpu.memory_space<vmem>> -> memref<128xi32, #tpu.memory_space<vmem>>
    %dma_start3A_30 = arith.constant 0 : i32
    %dma_start3A_31 = arith.constant 0 : i32
    %dma_start3A_32 = tpu.memref_slice %arg2[%dma_start3A_30, %dma_start3A_31] : memref<20000x64xbf16, #tpu.memory_space<hbm>> -> memref<20000x64xbf16, #tpu.memory_space<hbm>>
    tpu.enqueue_indirect_dma source(%dma_start3A_32 : memref<20000x64xbf16, #tpu.memory_space<hbm>>) target(%arg15 : memref<128x64xbf16, #tpu.memory_space<vmem>>) offsets(%dma_start3A_29 : memref<128xi32, #tpu.memory_space<vmem>>) semaphore(%arg23 : memref<!tpu.dma_semaphore, #tpu.memory_space<semaphore_mem>>)
    %dma_start3A_33 = arith.constant 4 : i32
    %dma_start3A_34 = arith.constant 0 : i32
    %dma_start3A_35 = tpu.memref_slice %arg9[%dma_start3A_33, %dma_start3A_34] : memref<160x128xi32, #tpu.memory_space<vmem>> -> memref<1x128xi32, #tpu.memory_space<vmem>>
    %dma_start3A_36 = tpu.memref_squeeze %dma_start3A_35 : memref<1x128xi32, #tpu.memory_space<vmem>> -> memref<128xi32, #tpu.memory_space<vmem>>
    %dma_start3A_37 = arith.constant 0 : i32
    %dma_start3A_38 = arith.constant 0 : i32
    %dma_start3A_39 = tpu.memref_slice %arg2[%dma_start3A_37, %dma_start3A_38] : memref<20000x64xbf16, #tpu.memory_space<hbm>> -> memref<20000x64xbf16, #tpu.memory_space<hbm>>
    tpu.enqueue_indirect_dma source(%dma_start3A_39 : memref<20000x64xbf16, #tpu.memory_space<hbm>>) target(%arg16 : memref<128x64xbf16, #tpu.memory_space<vmem>>) offsets(%dma_start3A_36 : memref<128xi32, #tpu.memory_space<vmem>>) semaphore(%arg24 : memref<!tpu.dma_semaphore, #tpu.memory_space<semaphore_mem>>)
    %dma_start3A_40 = arith.constant 5 : i32
    %dma_start3A_41 = arith.constant 0 : i32
    %dma_start3A_42 = tpu.memref_slice %arg9[%dma_start3A_40, %dma_start3A_41] : memref<160x128xi32, #tpu.memory_space<vmem>> -> memref<1x128xi32, #tpu.memory_space<vmem>>
    %dma_start3A_43 = tpu.memref_squeeze %dma_start3A_42 : memref<1x128xi32, #tpu.memory_space<vmem>> -> memref<128xi32, #tpu.memory_space<vmem>>
    %dma_start3A_44 = arith.constant 0 : i32
    %dma_start3A_45 = arith.constant 0 : i32
    %dma_start3A_46 = tpu.memref_slice %arg2[%dma_start3A_44, %dma_start3A_45] : memref<20000x64xbf16, #tpu.memory_space<hbm>> -> memref<20000x64xbf16, #tpu.memory_space<hbm>>
    tpu.enqueue_indirect_dma source(%dma_start3A_46 : memref<20000x64xbf16, #tpu.memory_space<hbm>>) target(%arg17 : memref<128x64xbf16, #tpu.memory_space<vmem>>) offsets(%dma_start3A_43 : memref<128xi32, #tpu.memory_space<vmem>>) semaphore(%arg25 : memref<!tpu.dma_semaphore, #tpu.memory_space<semaphore_mem>>)
    %dma_start3A_47 = arith.constant 6 : i32
    %dma_start3A_48 = arith.constant 0 : i32
    %dma_start3A_49 = tpu.memref_slice %arg9[%dma_start3A_47, %dma_start3A_48] : memref<160x128xi32, #tpu.memory_space<vmem>> -> memref<1x128xi32, #tpu.memory_space<vmem>>
    %dma_start3A_50 = tpu.memref_squeeze %dma_start3A_49 : memref<1x128xi32, #tpu.memory_space<vmem>> -> memref<128xi32, #tpu.memory_space<vmem>>
    %dma_start3A_51 = arith.constant 0 : i32
    %dma_start3A_52 = arith.constant 0 : i32
    %dma_start3A_53 = tpu.memref_slice %arg2[%dma_start3A_51, %dma_start3A_52] : memref<20000x64xbf16, #tpu.memory_space<hbm>> -> memref<20000x64xbf16, #tpu.memory_space<hbm>>
    tpu.enqueue_indirect_dma source(%dma_start3A_53 : memref<20000x64xbf16, #tpu.memory_space<hbm>>) target(%arg18 : memref<128x64xbf16, #tpu.memory_space<vmem>>) offsets(%dma_start3A_50 : memref<128xi32, #tpu.memory_space<vmem>>) semaphore(%arg26 : memref<!tpu.dma_semaphore, #tpu.memory_space<semaphore_mem>>)
    %dma_start3A_54 = arith.constant 7 : i32
    %dma_start3A_55 = arith.constant 0 : i32
    %dma_start3A_56 = tpu.memref_slice %arg9[%dma_start3A_54, %dma_start3A_55] : memref<160x128xi32, #tpu.memory_space<vmem>> -> memref<1x128xi32, #tpu.memory_space<vmem>>
    %dma_start3A_57 = tpu.memref_squeeze %dma_start3A_56 : memref<1x128xi32, #tpu.memory_space<vmem>> -> memref<128xi32, #tpu.memory_space<vmem>>
    %dma_start3A_58 = arith.constant 0 : i32
    %dma_start3A_59 = arith.constant 0 : i32
    %dma_start3A_60 = tpu.memref_slice %arg2[%dma_start3A_58, %dma_start3A_59] : memref<20000x64xbf16, #tpu.memory_space<hbm>> -> memref<20000x64xbf16, #tpu.memory_space<hbm>>
    tpu.enqueue_indirect_dma source(%dma_start3A_60 : memref<20000x64xbf16, #tpu.memory_space<hbm>>) target(%arg19 : memref<128x64xbf16, #tpu.memory_space<vmem>>) offsets(%dma_start3A_57 : memref<128xi32, #tpu.memory_space<vmem>>) semaphore(%arg27 : memref<!tpu.dma_semaphore, #tpu.memory_space<semaphore_mem>>)
    %barrier3A = arith.constant 0 : index
    tpu.barrier barrier_id(%barrier3A)
    %scan3A = arith.constant 0 : i32
    %scan3A_61 = arith.constant 0 : i32
    %scan3A_62 = arith.constant 20 : i32
    %scan3A_63 = arith.addi %scan3A_61, %scan3A_62 : i32
    %scan3A_64 = arith.constant 1 : i32
    scf.for %scan3A_134 = %scan3A_61 to %scan3A_63 step %scan3A_64  : i32 {
      %mul3A_135 = arith.constant 8 : i32
      %mul3A_136 = arith.muli %mul3A_135, %scan3A_134 : i32
      %add3A_137 = arith.constant 0 : i32
      %add3A_138 = arith.addi %mul3A_136, %add3A_137 : i32
      %dma_wait3A_139 = arith.constant 0 : i32
      %dma_wait3A_140 = tpu.memref_slice %arg9[%add3A_138, %dma_wait3A_139] : memref<160x128xi32, #tpu.memory_space<vmem>> -> memref<1x128xi32, #tpu.memory_space<vmem>>
      %dma_wait3A_141 = tpu.memref_squeeze %dma_wait3A_140 : memref<1x128xi32, #tpu.memory_space<vmem>> -> memref<128xi32, #tpu.memory_space<vmem>>
      %dma_wait3A_142 = arith.constant 0 : i32
      %dma_wait3A_143 = arith.constant 0 : i32
      %dma_wait3A_144 = tpu.memref_slice %arg2[%dma_wait3A_142, %dma_wait3A_143] : memref<20000x64xbf16, #tpu.memory_space<hbm>> -> memref<20000x64xbf16, #tpu.memory_space<hbm>>
      tpu.wait_indirect_dma semaphore(%arg20 : memref<!tpu.dma_semaphore, #tpu.memory_space<semaphore_mem>>) src(%dma_wait3A_144 : memref<20000x64xbf16, #tpu.memory_space<hbm>>) dst(%arg12 : memref<128x64xbf16, #tpu.memory_space<vmem>>)
      %add3A_145 = arith.constant 0 : i32
      %add3A_146 = arith.addi %mul3A_136, %add3A_145 : i32
      %get3A = arith.index_cast %add3A_146 : i32 to index
      %get3A_147 = arith.constant 0 : index
      %get3A_148 = tpu.vector_load %arg10[%get3A, %get3A_147] {strides = array<i32>} : memref<160x128xi32, #tpu.memory_space<vmem>>, vector<16xi32>,
      tpu.vector_store_idx %arg36[%get3A_148], %broadcast_in_dim3A_5 {add = true} : memref<10016xf32, #tpu.memory_space<vmem>>[vector<16xi32>], vector<16xf32>,
      %get3A_149 = arith.index_cast %add3A_146 : i32 to index
      %get3A_150 = arith.constant 16 : index
      %get3A_151 = tpu.vector_load %arg10[%get3A_149, %get3A_150] {strides = array<i32>} : memref<160x128xi32, #tpu.memory_space<vmem>>, vector<16xi32>,
      tpu.vector_store_idx %arg36[%get3A_151], %broadcast_in_dim3A_5 {add = true} : memref<10016xf32, #tpu.memory_space<vmem>>[vector<16xi32>], vector<16xf32>,
      %get3A_152 = arith.index_cast %add3A_146 : i32 to index
      %get3A_153 = arith.constant 32 : index
      %get3A_154 = tpu.vector_load %arg10[%get3A_152, %get3A_153] {strides = array<i32>} : memref<160x128xi32, #tpu.memory_space<vmem>>, vector<16xi32>,
      tpu.vector_store_idx %arg36[%get3A_154], %broadcast_in_dim3A_5 {add = true} : memref<10016xf32, #tpu.memory_space<vmem>>[vector<16xi32>], vector<16xf32>,
      %get3A_155 = arith.index_cast %add3A_146 : i32 to index
      %get3A_156 = arith.constant 48 : index
      %get3A_157 = tpu.vector_load %arg10[%get3A_155, %get3A_156] {strides = array<i32>} : memref<160x128xi32, #tpu.memory_space<vmem>>, vector<16xi32>,
      tpu.vector_store_idx %arg36[%get3A_157], %broadcast_in_dim3A_5 {add = true} : memref<10016xf32, #tpu.memory_space<vmem>>[vector<16xi32>], vector<16xf32>,
      %get3A_158 = arith.index_cast %add3A_146 : i32 to index
      %get3A_159 = arith.constant 64 : index
      %get3A_160 = tpu.vector_load %arg10[%get3A_158, %get3A_159] {strides = array<i32>} : memref<160x128xi32, #tpu.memory_space<vmem>>, vector<16xi32>,
      tpu.vector_store_idx %arg36[%get3A_160], %broadcast_in_dim3A_5 {add = true} : memref<10016xf32, #tpu.memory_space<vmem>>[vector<16xi32>], vector<16xf32>,
      %get3A_161 = arith.index_cast %add3A_146 : i32 to index
      %get3A_162 = arith.constant 80 : index
      %get3A_163 = tpu.vector_load %arg10[%get3A_161, %get3A_162] {strides = array<i32>} : memref<160x128xi32, #tpu.memory_space<vmem>>, vector<16xi32>,
      tpu.vector_store_idx %arg36[%get3A_163], %broadcast_in_dim3A_5 {add = true} : memref<10016xf32, #tpu.memory_space<vmem>>[vector<16xi32>], vector<16xf32>,
      %get3A_164 = arith.index_cast %add3A_146 : i32 to index
      %get3A_165 = arith.constant 96 : index
      %get3A_166 = tpu.vector_load %arg10[%get3A_164, %get3A_165] {strides = array<i32>} : memref<160x128xi32, #tpu.memory_space<vmem>>, vector<16xi32>,
      tpu.vector_store_idx %arg36[%get3A_166], %broadcast_in_dim3A_5 {add = true} : memref<10016xf32, #tpu.memory_space<vmem>>[vector<16xi32>], vector<16xf32>,
      %get3A_167 = arith.index_cast %add3A_146 : i32 to index
      %get3A_168 = arith.constant 112 : index
      %get3A_169 = tpu.vector_load %arg10[%get3A_167, %get3A_168] {strides = array<i32>} : memref<160x128xi32, #tpu.memory_space<vmem>>, vector<16xi32>,
      tpu.vector_store_idx %arg36[%get3A_169], %broadcast_in_dim3A_5 {add = true} : memref<10016xf32, #tpu.memory_space<vmem>>[vector<16xi32>], vector<16xf32>,
      %add3A_170 = arith.constant 0 : i32
      %add3A_171 = arith.addi %mul3A_136, %add3A_170 : i32
      %dma_start3A_172 = arith.constant 0 : i32
      %dma_start3A_173 = tpu.memref_slice %arg10[%add3A_171, %dma_start3A_172] : memref<160x128xi32, #tpu.memory_space<vmem>> -> memref<1x128xi32, #tpu.memory_space<vmem>>
      %dma_start3A_174 = tpu.memref_squeeze %dma_start3A_173 : memref<1x128xi32, #tpu.memory_space<vmem>> -> memref<128xi32, #tpu.memory_space<vmem>>
      %dma_start3A_175 = arith.constant 0 : i32
      %dma_start3A_176 = arith.constant 0 : i32
      %dma_start3A_177 = tpu.memref_slice %arg11[%dma_start3A_175, %dma_start3A_176] : memref<10016x64xbf16, #tpu.memory_space<vmem_shared>> -> memref<10016x64xbf16, #tpu.memory_space<vmem_shared>>
      tpu.enqueue_indirect_dma source(%arg12 : memref<128x64xbf16, #tpu.memory_space<vmem>>) target(%dma_start3A_177 : memref<10016x64xbf16, #tpu.memory_space<vmem_shared>>) offsets(%dma_start3A_174 : memref<128xi32, #tpu.memory_space<vmem>>) semaphore(%arg28 : memref<!tpu.dma_semaphore, #tpu.memory_space<semaphore_mem>>) {add = true}
      %add3A_178 = arith.constant 1 : i32
      %add3A_179 = arith.addi %mul3A_136, %add3A_178 : i32
      %dma_wait3A_180 = arith.constant 0 : i32
      %dma_wait3A_181 = tpu.memref_slice %arg9[%add3A_179, %dma_wait3A_180] : memref<160x128xi32, #tpu.memory_space<vmem>> -> memref<1x128xi32, #tpu.memory_space<vmem>>
      %dma_wait3A_182 = tpu.memref_squeeze %dma_wait3A_181 : memref<1x128xi32, #tpu.memory_space<vmem>> -> memref<128xi32, #tpu.memory_space<vmem>>
      %dma_wait3A_183 = arith.constant 0 : i32
      %dma_wait3A_184 = arith.constant 0 : i32
      %dma_wait3A_185 = tpu.memref_slice %arg2[%dma_wait3A_183, %dma_wait3A_184] : memref<20000x64xbf16, #tpu.memory_space<hbm>> -> memref<20000x64xbf16, #tpu.memory_space<hbm>>
      tpu.wait_indirect_dma semaphore(%arg21 : memref<!tpu.dma_semaphore, #tpu.memory_space<semaphore_mem>>) src(%dma_wait3A_185 : memref<20000x64xbf16, #tpu.memory_space<hbm>>) dst(%arg13 : memref<128x64xbf16, #tpu.memory_space<vmem>>)
      %add3A_186 = arith.constant 1 : i32
      %add3A_187 = arith.addi %mul3A_136, %add3A_186 : i32
      %get3A_188 = arith.index_cast %add3A_187 : i32 to index
      %get3A_189 = arith.constant 0 : index
      %get3A_190 = tpu.vector_load %arg10[%get3A_188, %get3A_189] {strides = array<i32>} : memref<160x128xi32, #tpu.memory_space<vmem>>, vector<16xi32>,
      tpu.vector_store_idx %arg36[%get3A_190], %broadcast_in_dim3A_5 {add = true} : memref<10016xf32, #tpu.memory_space<vmem>>[vector<16xi32>], vector<16xf32>,
      %get3A_191 = arith.index_cast %add3A_187 : i32 to index
      %get3A_192 = arith.constant 16 : index
      %get3A_193 = tpu.vector_load %arg10[%get3A_191, %get3A_192] {strides = array<i32>} : memref<160x128xi32, #tpu.memory_space<vmem>>, vector<16xi32>,
      tpu.vector_store_idx %arg36[%get3A_193], %broadcast_in_dim3A_5 {add = true} : memref<10016xf32, #tpu.memory_space<vmem>>[vector<16xi32>], vector<16xf32>,
      %get3A_194 = arith.index_cast %add3A_187 : i32 to index
      %get3A_195 = arith.constant 32 : index
      %get3A_196 = tpu.vector_load %arg10[%get3A_194, %get3A_195] {strides = array<i32>} : memref<160x128xi32, #tpu.memory_space<vmem>>, vector<16xi32>,
      tpu.vector_store_idx %arg36[%get3A_196], %broadcast_in_dim3A_5 {add = true} : memref<10016xf32, #tpu.memory_space<vmem>>[vector<16xi32>], vector<16xf32>,
      %get3A_197 = arith.index_cast %add3A_187 : i32 to index
      %get3A_198 = arith.constant 48 : index
      %get3A_199 = tpu.vector_load %arg10[%get3A_197, %get3A_198] {strides = array<i32>} : memref<160x128xi32, #tpu.memory_space<vmem>>, vector<16xi32>,
      tpu.vector_store_idx %arg36[%get3A_199], %broadcast_in_dim3A_5 {add = true} : memref<10016xf32, #tpu.memory_space<vmem>>[vector<16xi32>], vector<16xf32>,
      %get3A_200 = arith.index_cast %add3A_187 : i32 to index
      %get3A_201 = arith.constant 64 : index
      %get3A_202 = tpu.vector_load %arg10[%get3A_200, %get3A_201] {strides = array<i32>} : memref<160x128xi32, #tpu.memory_space<vmem>>, vector<16xi32>,
      tpu.vector_store_idx %arg36[%get3A_202], %broadcast_in_dim3A_5 {add = true} : memref<10016xf32, #tpu.memory_space<vmem>>[vector<16xi32>], vector<16xf32>,
      %get3A_203 = arith.index_cast %add3A_187 : i32 to index
      %get3A_204 = arith.constant 80 : index
      %get3A_205 = tpu.vector_load %arg10[%get3A_203, %get3A_204] {strides = array<i32>} : memref<160x128xi32, #tpu.memory_space<vmem>>, vector<16xi32>,
      tpu.vector_store_idx %arg36[%get3A_205], %broadcast_in_dim3A_5 {add = true} : memref<10016xf32, #tpu.memory_space<vmem>>[vector<16xi32>], vector<16xf32>,
      %get3A_206 = arith.index_cast %add3A_187 : i32 to index
      %get3A_207 = arith.constant 96 : index
      %get3A_208 = tpu.vector_load %arg10[%get3A_206, %get3A_207] {strides = array<i32>} : memref<160x128xi32, #tpu.memory_space<vmem>>, vector<16xi32>,
      tpu.vector_store_idx %arg36[%get3A_208], %broadcast_in_dim3A_5 {add = true} : memref<10016xf32, #tpu.memory_space<vmem>>[vector<16xi32>], vector<16xf32>,
      %get3A_209 = arith.index_cast %add3A_187 : i32 to index
      %get3A_210 = arith.constant 112 : index
      %get3A_211 = tpu.vector_load %arg10[%get3A_209, %get3A_210] {strides = array<i32>} : memref<160x128xi32, #tpu.memory_space<vmem>>, vector<16xi32>,
      tpu.vector_store_idx %arg36[%get3A_211], %broadcast_in_dim3A_5 {add = true} : memref<10016xf32, #tpu.memory_space<vmem>>[vector<16xi32>], vector<16xf32>,
      %add3A_212 = arith.constant 1 : i32
      %add3A_213 = arith.addi %mul3A_136, %add3A_212 : i32
      %dma_start3A_214 = arith.constant 0 : i32
      %dma_start3A_215 = tpu.memref_slice %arg10[%add3A_213, %dma_start3A_214] : memref<160x128xi32, #tpu.memory_space<vmem>> -> memref<1x128xi32, #tpu.memory_space<vmem>>
      %dma_start3A_216 = tpu.memref_squeeze %dma_start3A_215 : memref<1x128xi32, #tpu.memory_space<vmem>> -> memref<128xi32, #tpu.memory_space<vmem>>
      %dma_start3A_217 = arith.constant 0 : i32
      %dma_start3A_218 = arith.constant 0 : i32
      %dma_start3A_219 = tpu.memref_slice %arg11[%dma_start3A_217, %dma_start3A_218] : memref<10016x64xbf16, #tpu.memory_space<vmem_shared>> -> memref<10016x64xbf16, #tpu.memory_space<vmem_shared>>
      tpu.enqueue_indirect_dma source(%arg13 : memref<128x64xbf16, #tpu.memory_space<vmem>>) target(%dma_start3A_219 : memref<10016x64xbf16, #tpu.memory_space<vmem_shared>>) offsets(%dma_start3A_216 : memref<128xi32, #tpu.memory_space<vmem>>) semaphore(%arg29 : memref<!tpu.dma_semaphore, #tpu.memory_space<semaphore_mem>>) {add = true}
      %add3A_220 = arith.constant 2 : i32
      %add3A_221 = arith.addi %mul3A_136, %add3A_220 : i32
      %dma_wait3A_222 = arith.constant 0 : i32
      %dma_wait3A_223 = tpu.memref_slice %arg9[%add3A_221, %dma_wait3A_222] : memref<160x128xi32, #tpu.memory_space<vmem>> -> memref<1x128xi32, #tpu.memory_space<vmem>>
      %dma_wait3A_224 = tpu.memref_squeeze %dma_wait3A_223 : memref<1x128xi32, #tpu.memory_space<vmem>> -> memref<128xi32, #tpu.memory_space<vmem>>
      %dma_wait3A_225 = arith.constant 0 : i32
      %dma_wait3A_226 = arith.constant 0 : i32
      %dma_wait3A_227 = tpu.memref_slice %arg2[%dma_wait3A_225, %dma_wait3A_226] : memref<20000x64xbf16, #tpu.memory_space<hbm>> -> memref<20000x64xbf16, #tpu.memory_space<hbm>>
      tpu.wait_indirect_dma semaphore(%arg22 : memref<!tpu.dma_semaphore, #tpu.memory_space<semaphore_mem>>) src(%dma_wait3A_227 : memref<20000x64xbf16, #tpu.memory_space<hbm>>) dst(%arg14 : memref<128x64xbf16, #tpu.memory_space<vmem>>)
      %add3A_228 = arith.constant 2 : i32
      %add3A_229 = arith.addi %mul3A_136, %add3A_228 : i32
      %get3A_230 = arith.index_cast %add3A_229 : i32 to index
      %get3A_231 = arith.constant 0 : index
      %get3A_232 = tpu.vector_load %arg10[%get3A_230, %get3A_231] {strides = array<i32>} : memref<160x128xi32, #tpu.memory_space<vmem>>, vector<16xi32>,
      tpu.vector_store_idx %arg36[%get3A_232], %broadcast_in_dim3A_5 {add = true} : memref<10016xf32, #tpu.memory_space<vmem>>[vector<16xi32>], vector<16xf32>,
      %get3A_233 = arith.index_cast %add3A_229 : i32 to index
      %get3A_234 = arith.constant 16 : index
      %get3A_235 = tpu.vector_load %arg10[%get3A_233, %get3A_234] {strides = array<i32>} : memref<160x128xi32, #tpu.memory_space<vmem>>, vector<16xi32>,
      tpu.vector_store_idx %arg36[%get3A_235], %broadcast_in_dim3A_5 {add = true} : memref<10016xf32, #tpu.memory_space<vmem>>[vector<16xi32>], vector<16xf32>,
      %get3A_236 = arith.index_cast %add3A_229 : i32 to index
      %get3A_237 = arith.constant 32 : index
      %get3A_238 = tpu.vector_load %arg10[%get3A_236, %get3A_237] {strides = array<i32>} : memref<160x128xi32, #tpu.memory_space<vmem>>, vector<16xi32>,
      tpu.vector_store_idx %arg36[%get3A_238], %broadcast_in_dim3A_5 {add = true} : memref<10016xf32, #tpu.memory_space<vmem>>[vector<16xi32>], vector<16xf32>,
      %get3A_239 = arith.index_cast %add3A_229 : i32 to index
      %get3A_240 = arith.constant 48 : index
      %get3A_241 = tpu.vector_load %arg10[%get3A_239, %get3A_240] {strides = array<i32>} : memref<160x128xi32, #tpu.memory_space<vmem>>, vector<16xi32>,
      tpu.vector_store_idx %arg36[%get3A_241], %broadcast_in_dim3A_5 {add = true} : memref<10016xf32, #tpu.memory_space<vmem>>[vector<16xi32>], vector<16xf32>,
      %get3A_242 = arith.index_cast %add3A_229 : i32 to index
      %get3A_243 = arith.constant 64 : index
      %get3A_244 = tpu.vector_load %arg10[%get3A_242, %get3A_243] {strides = array<i32>} : memref<160x128xi32, #tpu.memory_space<vmem>>, vector<16xi32>,
      tpu.vector_store_idx %arg36[%get3A_244], %broadcast_in_dim3A_5 {add = true} : memref<10016xf32, #tpu.memory_space<vmem>>[vector<16xi32>], vector<16xf32>,
      %get3A_245 = arith.index_cast %add3A_229 : i32 to index
      %get3A_246 = arith.constant 80 : index
      %get3A_247 = tpu.vector_load %arg10[%get3A_245, %get3A_246] {strides = array<i32>} : memref<160x128xi32, #tpu.memory_space<vmem>>, vector<16xi32>,
      tpu.vector_store_idx %arg36[%get3A_247], %broadcast_in_dim3A_5 {add = true} : memref<10016xf32, #tpu.memory_space<vmem>>[vector<16xi32>], vector<16xf32>,
      %get3A_248 = arith.index_cast %add3A_229 : i32 to index
      %get3A_249 = arith.constant 96 : index
      %get3A_250 = tpu.vector_load %arg10[%get3A_248, %get3A_249] {strides = array<i32>} : memref<160x128xi32, #tpu.memory_space<vmem>>, vector<16xi32>,
      tpu.vector_store_idx %arg36[%get3A_250], %broadcast_in_dim3A_5 {add = true} : memref<10016xf32, #tpu.memory_space<vmem>>[vector<16xi32>], vector<16xf32>,
      %get3A_251 = arith.index_cast %add3A_229 : i32 to index
      %get3A_252 = arith.constant 112 : index
      %get3A_253 = tpu.vector_load %arg10[%get3A_251, %get3A_252] {strides = array<i32>} : memref<160x128xi32, #tpu.memory_space<vmem>>, vector<16xi32>,
      tpu.vector_store_idx %arg36[%get3A_253], %broadcast_in_dim3A_5 {add = true} : memref<10016xf32, #tpu.memory_space<vmem>>[vector<16xi32>], vector<16xf32>,
      %add3A_254 = arith.constant 2 : i32
      %add3A_255 = arith.addi %mul3A_136, %add3A_254 : i32
      %dma_start3A_256 = arith.constant 0 : i32
      %dma_start3A_257 = tpu.memref_slice %arg10[%add3A_255, %dma_start3A_256] : memref<160x128xi32, #tpu.memory_space<vmem>> -> memref<1x128xi32, #tpu.memory_space<vmem>>
      %dma_start3A_258 = tpu.memref_squeeze %dma_start3A_257 : memref<1x128xi32, #tpu.memory_space<vmem>> -> memref<128xi32, #tpu.memory_space<vmem>>
      %dma_start3A_259 = arith.constant 0 : i32
      %dma_start3A_260 = arith.constant 0 : i32
      %dma_start3A_261 = tpu.memref_slice %arg11[%dma_start3A_259, %dma_start3A_260] : memref<10016x64xbf16, #tpu.memory_space<vmem_shared>> -> memref<10016x64xbf16, #tpu.memory_space<vmem_shared>>
      tpu.enqueue_indirect_dma source(%arg14 : memref<128x64xbf16, #tpu.memory_space<vmem>>) target(%dma_start3A_261 : memref<10016x64xbf16, #tpu.memory_space<vmem_shared>>) offsets(%dma_start3A_258 : memref<128xi32, #tpu.memory_space<vmem>>) semaphore(%arg30 : memref<!tpu.dma_semaphore, #tpu.memory_space<semaphore_mem>>) {add = true}
      %add3A_262 = arith.constant 3 : i32
      %add3A_263 = arith.addi %mul3A_136, %add3A_262 : i32
      %dma_wait3A_264 = arith.constant 0 : i32
      %dma_wait3A_265 = tpu.memref_slice %arg9[%add3A_263, %dma_wait3A_264] : memref<160x128xi32, #tpu.memory_space<vmem>> -> memref<1x128xi32, #tpu.memory_space<vmem>>
      %dma_wait3A_266 = tpu.memref_squeeze %dma_wait3A_265 : memref<1x128xi32, #tpu.memory_space<vmem>> -> memref<128xi32, #tpu.memory_space<vmem>>
      %dma_wait3A_267 = arith.constant 0 : i32
      %dma_wait3A_268 = arith.constant 0 : i32
      %dma_wait3A_269 = tpu.memref_slice %arg2[%dma_wait3A_267, %dma_wait3A_268] : memref<20000x64xbf16, #tpu.memory_space<hbm>> -> memref<20000x64xbf16, #tpu.memory_space<hbm>>
      tpu.wait_indirect_dma semaphore(%arg23 : memref<!tpu.dma_semaphore, #tpu.memory_space<semaphore_mem>>) src(%dma_wait3A_269 : memref<20000x64xbf16, #tpu.memory_space<hbm>>) dst(%arg15 : memref<128x64xbf16, #tpu.memory_space<vmem>>)
      %add3A_270 = arith.constant 3 : i32
      %add3A_271 = arith.addi %mul3A_136, %add3A_270 : i32
      %get3A_272 = arith.index_cast %add3A_271 : i32 to index
      %get3A_273 = arith.constant 0 : index
      %get3A_274 = tpu.vector_load %arg10[%get3A_272, %get3A_273] {strides = array<i32>} : memref<160x128xi32, #tpu.memory_space<vmem>>, vector<16xi32>,
      tpu.vector_store_idx %arg36[%get3A_274], %broadcast_in_dim3A_5 {add = true} : memref<10016xf32, #tpu.memory_space<vmem>>[vector<16xi32>], vector<16xf32>,
      %get3A_275 = arith.index_cast %add3A_271 : i32 to index
      %get3A_276 = arith.constant 16 : index
      %get3A_277 = tpu.vector_load %arg10[%get3A_275, %get3A_276] {strides = array<i32>} : memref<160x128xi32, #tpu.memory_space<vmem>>, vector<16xi32>,
      tpu.vector_store_idx %arg36[%get3A_277], %broadcast_in_dim3A_5 {add = true} : memref<10016xf32, #tpu.memory_space<vmem>>[vector<16xi32>], vector<16xf32>,
      %get3A_278 = arith.index_cast %add3A_271 : i32 to index
      %get3A_279 = arith.constant 32 : index
      %get3A_280 = tpu.vector_load %arg10[%get3A_278, %get3A_279] {strides = array<i32>} : memref<160x128xi32, #tpu.memory_space<vmem>>, vector<16xi32>,
      tpu.vector_store_idx %arg36[%get3A_280], %broadcast_in_dim3A_5 {add = true} : memref<10016xf32, #tpu.memory_space<vmem>>[vector<16xi32>], vector<16xf32>,
      %get3A_281 = arith.index_cast %add3A_271 : i32 to index
      %get3A_282 = arith.constant 48 : index
      %get3A_283 = tpu.vector_load %arg10[%get3A_281, %get3A_282] {strides = array<i32>} : memref<160x128xi32, #tpu.memory_space<vmem>>, vector<16xi32>,
      tpu.vector_store_idx %arg36[%get3A_283], %broadcast_in_dim3A_5 {add = true} : memref<10016xf32, #tpu.memory_space<vmem>>[vector<16xi32>], vector<16xf32>,
      %get3A_284 = arith.index_cast %add3A_271 : i32 to index
      %get3A_285 = arith.constant 64 : index
      %get3A_286 = tpu.vector_load %arg10[%get3A_284, %get3A_285] {strides = array<i32>} : memref<160x128xi32, #tpu.memory_space<vmem>>, vector<16xi32>,
      tpu.vector_store_idx %arg36[%get3A_286], %broadcast_in_dim3A_5 {add = true} : memref<10016xf32, #tpu.memory_space<vmem>>[vector<16xi32>], vector<16xf32>,
      %get3A_287 = arith.index_cast %add3A_271 : i32 to index
      %get3A_288 = arith.constant 80 : index
      %get3A_289 = tpu.vector_load %arg10[%get3A_287, %get3A_288] {strides = array<i32>} : memref<160x128xi32, #tpu.memory_space<vmem>>, vector<16xi32>,
      tpu.vector_store_idx %arg36[%get3A_289], %broadcast_in_dim3A_5 {add = true} : memref<10016xf32, #tpu.memory_space<vmem>>[vector<16xi32>], vector<16xf32>,
      %get3A_290 = arith.index_cast %add3A_271 : i32 to index
      %get3A_291 = arith.constant 96 : index
      %get3A_292 = tpu.vector_load %arg10[%get3A_290, %get3A_291] {strides = array<i32>} : memref<160x128xi32, #tpu.memory_space<vmem>>, vector<16xi32>,
      tpu.vector_store_idx %arg36[%get3A_292], %broadcast_in_dim3A_5 {add = true} : memref<10016xf32, #tpu.memory_space<vmem>>[vector<16xi32>], vector<16xf32>,
      %get3A_293 = arith.index_cast %add3A_271 : i32 to index
      %get3A_294 = arith.constant 112 : index
      %get3A_295 = tpu.vector_load %arg10[%get3A_293, %get3A_294] {strides = array<i32>} : memref<160x128xi32, #tpu.memory_space<vmem>>, vector<16xi32>,
      tpu.vector_store_idx %arg36[%get3A_295], %broadcast_in_dim3A_5 {add = true} : memref<10016xf32, #tpu.memory_space<vmem>>[vector<16xi32>], vector<16xf32>,
      %add3A_296 = arith.constant 3 : i32
      %add3A_297 = arith.addi %mul3A_136, %add3A_296 : i32
      %dma_start3A_298 = arith.constant 0 : i32
      %dma_start3A_299 = tpu.memref_slice %arg10[%add3A_297, %dma_start3A_298] : memref<160x128xi32, #tpu.memory_space<vmem>> -> memref<1x128xi32, #tpu.memory_space<vmem>>
      %dma_start3A_300 = tpu.memref_squeeze %dma_start3A_299 : memref<1x128xi32, #tpu.memory_space<vmem>> -> memref<128xi32, #tpu.memory_space<vmem>>
      %dma_start3A_301 = arith.constant 0 : i32
      %dma_start3A_302 = arith.constant 0 : i32
      %dma_start3A_303 = tpu.memref_slice %arg11[%dma_start3A_301, %dma_start3A_302] : memref<10016x64xbf16, #tpu.memory_space<vmem_shared>> -> memref<10016x64xbf16, #tpu.memory_space<vmem_shared>>
      tpu.enqueue_indirect_dma source(%arg15 : memref<128x64xbf16, #tpu.memory_space<vmem>>) target(%dma_start3A_303 : memref<10016x64xbf16, #tpu.memory_space<vmem_shared>>) offsets(%dma_start3A_300 : memref<128xi32, #tpu.memory_space<vmem>>) semaphore(%arg31 : memref<!tpu.dma_semaphore, #tpu.memory_space<semaphore_mem>>) {add = true}
      %add3A_304 = arith.constant 4 : i32
      %add3A_305 = arith.addi %mul3A_136, %add3A_304 : i32
      %dma_wait3A_306 = arith.constant 0 : i32
      %dma_wait3A_307 = tpu.memref_slice %arg9[%add3A_305, %dma_wait3A_306] : memref<160x128xi32, #tpu.memory_space<vmem>> -> memref<1x128xi32, #tpu.memory_space<vmem>>
      %dma_wait3A_308 = tpu.memref_squeeze %dma_wait3A_307 : memref<1x128xi32, #tpu.memory_space<vmem>> -> memref<128xi32, #tpu.memory_space<vmem>>
      %dma_wait3A_309 = arith.constant 0 : i32
      %dma_wait3A_310 = arith.constant 0 : i32
      %dma_wait3A_311 = tpu.memref_slice %arg2[%dma_wait3A_309, %dma_wait3A_310] : memref<20000x64xbf16, #tpu.memory_space<hbm>> -> memref<20000x64xbf16, #tpu.memory_space<hbm>>
      tpu.wait_indirect_dma semaphore(%arg24 : memref<!tpu.dma_semaphore, #tpu.memory_space<semaphore_mem>>) src(%dma_wait3A_311 : memref<20000x64xbf16, #tpu.memory_space<hbm>>) dst(%arg16 : memref<128x64xbf16, #tpu.memory_space<vmem>>)
      %add3A_312 = arith.constant 4 : i32
      %add3A_313 = arith.addi %mul3A_136, %add3A_312 : i32
      %get3A_314 = arith.index_cast %add3A_313 : i32 to index
      %get3A_315 = arith.constant 0 : index
      %get3A_316 = tpu.vector_load %arg10[%get3A_314, %get3A_315] {strides = array<i32>} : memref<160x128xi32, #tpu.memory_space<vmem>>, vector<16xi32>,
      tpu.vector_store_idx %arg36[%get3A_316], %broadcast_in_dim3A_5 {add = true} : memref<10016xf32, #tpu.memory_space<vmem>>[vector<16xi32>], vector<16xf32>,
      %get3A_317 = arith.index_cast %add3A_313 : i32 to index
      %get3A_318 = arith.constant 16 : index
      %get3A_319 = tpu.vector_load %arg10[%get3A_317, %get3A_318] {strides = array<i32>} : memref<160x128xi32, #tpu.memory_space<vmem>>, vector<16xi32>,
      tpu.vector_store_idx %arg36[%get3A_319], %broadcast_in_dim3A_5 {add = true} : memref<10016xf32, #tpu.memory_space<vmem>>[vector<16xi32>], vector<16xf32>,
      %get3A_320 = arith.index_cast %add3A_313 : i32 to index
      %get3A_321 = arith.constant 32 : index
      %get3A_322 = tpu.vector_load %arg10[%get3A_320, %get3A_321] {strides = array<i32>} : memref<160x128xi32, #tpu.memory_space<vmem>>, vector<16xi32>,
      tpu.vector_store_idx %arg36[%get3A_322], %broadcast_in_dim3A_5 {add = true} : memref<10016xf32, #tpu.memory_space<vmem>>[vector<16xi32>], vector<16xf32>,
      %get3A_323 = arith.index_cast %add3A_313 : i32 to index
      %get3A_324 = arith.constant 48 : index
      %get3A_325 = tpu.vector_load %arg10[%get3A_323, %get3A_324] {strides = array<i32>} : memref<160x128xi32, #tpu.memory_space<vmem>>, vector<16xi32>,
      tpu.vector_store_idx %arg36[%get3A_325], %broadcast_in_dim3A_5 {add = true} : memref<10016xf32, #tpu.memory_space<vmem>>[vector<16xi32>], vector<16xf32>,
      %get3A_326 = arith.index_cast %add3A_313 : i32 to index
      %get3A_327 = arith.constant 64 : index
      %get3A_328 = tpu.vector_load %arg10[%get3A_326, %get3A_327] {strides = array<i32>} : memref<160x128xi32, #tpu.memory_space<vmem>>, vector<16xi32>,
      tpu.vector_store_idx %arg36[%get3A_328], %broadcast_in_dim3A_5 {add = true} : memref<10016xf32, #tpu.memory_space<vmem>>[vector<16xi32>], vector<16xf32>,
      %get3A_329 = arith.index_cast %add3A_313 : i32 to index
      %get3A_330 = arith.constant 80 : index
      %get3A_331 = tpu.vector_load %arg10[%get3A_329, %get3A_330] {strides = array<i32>} : memref<160x128xi32, #tpu.memory_space<vmem>>, vector<16xi32>,
      tpu.vector_store_idx %arg36[%get3A_331], %broadcast_in_dim3A_5 {add = true} : memref<10016xf32, #tpu.memory_space<vmem>>[vector<16xi32>], vector<16xf32>,
      %get3A_332 = arith.index_cast %add3A_313 : i32 to index
      %get3A_333 = arith.constant 96 : index
      %get3A_334 = tpu.vector_load %arg10[%get3A_332, %get3A_333] {strides = array<i32>} : memref<160x128xi32, #tpu.memory_space<vmem>>, vector<16xi32>,
      tpu.vector_store_idx %arg36[%get3A_334], %broadcast_in_dim3A_5 {add = true} : memref<10016xf32, #tpu.memory_space<vmem>>[vector<16xi32>], vector<16xf32>,
      %get3A_335 = arith.index_cast %add3A_313 : i32 to index
      %get3A_336 = arith.constant 112 : index
      %get3A_337 = tpu.vector_load %arg10[%get3A_335, %get3A_336] {strides = array<i32>} : memref<160x128xi32, #tpu.memory_space<vmem>>, vector<16xi32>,
      tpu.vector_store_idx %arg36[%get3A_337], %broadcast_in_dim3A_5 {add = true} : memref<10016xf32, #tpu.memory_space<vmem>>[vector<16xi32>], vector<16xf32>,
      %add3A_338 = arith.constant 4 : i32
      %add3A_339 = arith.addi %mul3A_136, %add3A_338 : i32
      %dma_start3A_340 = arith.constant 0 : i32
      %dma_start3A_341 = tpu.memref_slice %arg10[%add3A_339, %dma_start3A_340] : memref<160x128xi32, #tpu.memory_space<vmem>> -> memref<1x128xi32, #tpu.memory_space<vmem>>
      %dma_start3A_342 = tpu.memref_squeeze %dma_start3A_341 : memref<1x128xi32, #tpu.memory_space<vmem>> -> memref<128xi32, #tpu.memory_space<vmem>>
      %dma_start3A_343 = arith.constant 0 : i32
      %dma_start3A_344 = arith.constant 0 : i32
      %dma_start3A_345 = tpu.memref_slice %arg11[%dma_start3A_343, %dma_start3A_344] : memref<10016x64xbf16, #tpu.memory_space<vmem_shared>> -> memref<10016x64xbf16, #tpu.memory_space<vmem_shared>>
      tpu.enqueue_indirect_dma source(%arg16 : memref<128x64xbf16, #tpu.memory_space<vmem>>) target(%dma_start3A_345 : memref<10016x64xbf16, #tpu.memory_space<vmem_shared>>) offsets(%dma_start3A_342 : memref<128xi32, #tpu.memory_space<vmem>>) semaphore(%arg32 : memref<!tpu.dma_semaphore, #tpu.memory_space<semaphore_mem>>) {add = true}
      %add3A_346 = arith.constant 5 : i32
      %add3A_347 = arith.addi %mul3A_136, %add3A_346 : i32
      %dma_wait3A_348 = arith.constant 0 : i32
      %dma_wait3A_349 = tpu.memref_slice %arg9[%add3A_347, %dma_wait3A_348] : memref<160x128xi32, #tpu.memory_space<vmem>> -> memref<1x128xi32, #tpu.memory_space<vmem>>
      %dma_wait3A_350 = tpu.memref_squeeze %dma_wait3A_349 : memref<1x128xi32, #tpu.memory_space<vmem>> -> memref<128xi32, #tpu.memory_space<vmem>>
      %dma_wait3A_351 = arith.constant 0 : i32
      %dma_wait3A_352 = arith.constant 0 : i32
      %dma_wait3A_353 = tpu.memref_slice %arg2[%dma_wait3A_351, %dma_wait3A_352] : memref<20000x64xbf16, #tpu.memory_space<hbm>> -> memref<20000x64xbf16, #tpu.memory_space<hbm>>
      tpu.wait_indirect_dma semaphore(%arg25 : memref<!tpu.dma_semaphore, #tpu.memory_space<semaphore_mem>>) src(%dma_wait3A_353 : memref<20000x64xbf16, #tpu.memory_space<hbm>>) dst(%arg17 : memref<128x64xbf16, #tpu.memory_space<vmem>>)
      %add3A_354 = arith.constant 5 : i32
      %add3A_355 = arith.addi %mul3A_136, %add3A_354 : i32
      %get3A_356 = arith.index_cast %add3A_355 : i32 to index
      %get3A_357 = arith.constant 0 : index
      %get3A_358 = tpu.vector_load %arg10[%get3A_356, %get3A_357] {strides = array<i32>} : memref<160x128xi32, #tpu.memory_space<vmem>>, vector<16xi32>,
      tpu.vector_store_idx %arg36[%get3A_358], %broadcast_in_dim3A_5 {add = true} : memref<10016xf32, #tpu.memory_space<vmem>>[vector<16xi32>], vector<16xf32>,
      %get3A_359 = arith.index_cast %add3A_355 : i32 to index
      %get3A_360 = arith.constant 16 : index
      %get3A_361 = tpu.vector_load %arg10[%get3A_359, %get3A_360] {strides = array<i32>} : memref<160x128xi32, #tpu.memory_space<vmem>>, vector<16xi32>,
      tpu.vector_store_idx %arg36[%get3A_361], %broadcast_in_dim3A_5 {add = true} : memref<10016xf32, #tpu.memory_space<vmem>>[vector<16xi32>], vector<16xf32>,
      %get3A_362 = arith.index_cast %add3A_355 : i32 to index
      %get3A_363 = arith.constant 32 : index
      %get3A_364 = tpu.vector_load %arg10[%get3A_362, %get3A_363] {strides = array<i32>} : memref<160x128xi32, #tpu.memory_space<vmem>>, vector<16xi32>,
      tpu.vector_store_idx %arg36[%get3A_364], %broadcast_in_dim3A_5 {add = true} : memref<10016xf32, #tpu.memory_space<vmem>>[vector<16xi32>], vector<16xf32>,
      %get3A_365 = arith.index_cast %add3A_355 : i32 to index
      %get3A_366 = arith.constant 48 : index
      %get3A_367 = tpu.vector_load %arg10[%get3A_365, %get3A_366] {strides = array<i32>} : memref<160x128xi32, #tpu.memory_space<vmem>>, vector<16xi32>,
      tpu.vector_store_idx %arg36[%get3A_367], %broadcast_in_dim3A_5 {add = true} : memref<10016xf32, #tpu.memory_space<vmem>>[vector<16xi32>], vector<16xf32>,
      %get3A_368 = arith.index_cast %add3A_355 : i32 to index
      %get3A_369 = arith.constant 64 : index
      %get3A_370 = tpu.vector_load %arg10[%get3A_368, %get3A_369] {strides = array<i32>} : memref<160x128xi32, #tpu.memory_space<vmem>>, vector<16xi32>,
      tpu.vector_store_idx %arg36[%get3A_370], %broadcast_in_dim3A_5 {add = true} : memref<10016xf32, #tpu.memory_space<vmem>>[vector<16xi32>], vector<16xf32>,
      %get3A_371 = arith.index_cast %add3A_355 : i32 to index
      %get3A_372 = arith.constant 80 : index
      %get3A_373 = tpu.vector_load %arg10[%get3A_371, %get3A_372] {strides = array<i32>} : memref<160x128xi32, #tpu.memory_space<vmem>>, vector<16xi32>,
      tpu.vector_store_idx %arg36[%get3A_373], %broadcast_in_dim3A_5 {add = true} : memref<10016xf32, #tpu.memory_space<vmem>>[vector<16xi32>], vector<16xf32>,
      %get3A_374 = arith.index_cast %add3A_355 : i32 to index
      %get3A_375 = arith.constant 96 : index
      %get3A_376 = tpu.vector_load %arg10[%get3A_374, %get3A_375] {strides = array<i32>} : memref<160x128xi32, #tpu.memory_space<vmem>>, vector<16xi32>,
      tpu.vector_store_idx %arg36[%get3A_376], %broadcast_in_dim3A_5 {add = true} : memref<10016xf32, #tpu.memory_space<vmem>>[vector<16xi32>], vector<16xf32>,
      %get3A_377 = arith.index_cast %add3A_355 : i32 to index
      %get3A_378 = arith.constant 112 : index
      %get3A_379 = tpu.vector_load %arg10[%get3A_377, %get3A_378] {strides = array<i32>} : memref<160x128xi32, #tpu.memory_space<vmem>>, vector<16xi32>,
      tpu.vector_store_idx %arg36[%get3A_379], %broadcast_in_dim3A_5 {add = true} : memref<10016xf32, #tpu.memory_space<vmem>>[vector<16xi32>], vector<16xf32>,
      %add3A_380 = arith.constant 5 : i32
      %add3A_381 = arith.addi %mul3A_136, %add3A_380 : i32
      %dma_start3A_382 = arith.constant 0 : i32
      %dma_start3A_383 = tpu.memref_slice %arg10[%add3A_381, %dma_start3A_382] : memref<160x128xi32, #tpu.memory_space<vmem>> -> memref<1x128xi32, #tpu.memory_space<vmem>>
      %dma_start3A_384 = tpu.memref_squeeze %dma_start3A_383 : memref<1x128xi32, #tpu.memory_space<vmem>> -> memref<128xi32, #tpu.memory_space<vmem>>
      %dma_start3A_385 = arith.constant 0 : i32
      %dma_start3A_386 = arith.constant 0 : i32
      %dma_start3A_387 = tpu.memref_slice %arg11[%dma_start3A_385, %dma_start3A_386] : memref<10016x64xbf16, #tpu.memory_space<vmem_shared>> -> memref<10016x64xbf16, #tpu.memory_space<vmem_shared>>
      tpu.enqueue_indirect_dma source(%arg17 : memref<128x64xbf16, #tpu.memory_space<vmem>>) target(%dma_start3A_387 : memref<10016x64xbf16, #tpu.memory_space<vmem_shared>>) offsets(%dma_start3A_384 : memref<128xi32, #tpu.memory_space<vmem>>) semaphore(%arg33 : memref<!tpu.dma_semaphore, #tpu.memory_space<semaphore_mem>>) {add = true}
      %add3A_388 = arith.constant 6 : i32
      %add3A_389 = arith.addi %mul3A_136, %add3A_388 : i32
      %dma_wait3A_390 = arith.constant 0 : i32
      %dma_wait3A_391 = tpu.memref_slice %arg9[%add3A_389, %dma_wait3A_390] : memref<160x128xi32, #tpu.memory_space<vmem>> -> memref<1x128xi32, #tpu.memory_space<vmem>>
      %dma_wait3A_392 = tpu.memref_squeeze %dma_wait3A_391 : memref<1x128xi32, #tpu.memory_space<vmem>> -> memref<128xi32, #tpu.memory_space<vmem>>
      %dma_wait3A_393 = arith.constant 0 : i32
      %dma_wait3A_394 = arith.constant 0 : i32
      %dma_wait3A_395 = tpu.memref_slice %arg2[%dma_wait3A_393, %dma_wait3A_394] : memref<20000x64xbf16, #tpu.memory_space<hbm>> -> memref<20000x64xbf16, #tpu.memory_space<hbm>>
      tpu.wait_indirect_dma semaphore(%arg26 : memref<!tpu.dma_semaphore, #tpu.memory_space<semaphore_mem>>) src(%dma_wait3A_395 : memref<20000x64xbf16, #tpu.memory_space<hbm>>) dst(%arg18 : memref<128x64xbf16, #tpu.memory_space<vmem>>)
      %add3A_396 = arith.constant 6 : i32
      %add3A_397 = arith.addi %mul3A_136, %add3A_396 : i32
      %get3A_398 = arith.index_cast %add3A_397 : i32 to index
      %get3A_399 = arith.constant 0 : index
      %get3A_400 = tpu.vector_load %arg10[%get3A_398, %get3A_399] {strides = array<i32>} : memref<160x128xi32, #tpu.memory_space<vmem>>, vector<16xi32>,
      tpu.vector_store_idx %arg36[%get3A_400], %broadcast_in_dim3A_5 {add = true} : memref<10016xf32, #tpu.memory_space<vmem>>[vector<16xi32>], vector<16xf32>,
      %get3A_401 = arith.index_cast %add3A_397 : i32 to index
      %get3A_402 = arith.constant 16 : index
      %get3A_403 = tpu.vector_load %arg10[%get3A_401, %get3A_402] {strides = array<i32>} : memref<160x128xi32, #tpu.memory_space<vmem>>, vector<16xi32>,
      tpu.vector_store_idx %arg36[%get3A_403], %broadcast_in_dim3A_5 {add = true} : memref<10016xf32, #tpu.memory_space<vmem>>[vector<16xi32>], vector<16xf32>,
      %get3A_404 = arith.index_cast %add3A_397 : i32 to index
      %get3A_405 = arith.constant 32 : index
      %get3A_406 = tpu.vector_load %arg10[%get3A_404, %get3A_405] {strides = array<i32>} : memref<160x128xi32, #tpu.memory_space<vmem>>, vector<16xi32>,
      tpu.vector_store_idx %arg36[%get3A_406], %broadcast_in_dim3A_5 {add = true} : memref<10016xf32, #tpu.memory_space<vmem>>[vector<16xi32>], vector<16xf32>,
      %get3A_407 = arith.index_cast %add3A_397 : i32 to index
      %get3A_408 = arith.constant 48 : index
      %get3A_409 = tpu.vector_load %arg10[%get3A_407, %get3A_408] {strides = array<i32>} : memref<160x128xi32, #tpu.memory_space<vmem>>, vector<16xi32>,
      tpu.vector_store_idx %arg36[%get3A_409], %broadcast_in_dim3A_5 {add = true} : memref<10016xf32, #tpu.memory_space<vmem>>[vector<16xi32>], vector<16xf32>,
      %get3A_410 = arith.index_cast %add3A_397 : i32 to index
      %get3A_411 = arith.constant 64 : index
      %get3A_412 = tpu.vector_load %arg10[%get3A_410, %get3A_411] {strides = array<i32>} : memref<160x128xi32, #tpu.memory_space<vmem>>, vector<16xi32>,
      tpu.vector_store_idx %arg36[%get3A_412], %broadcast_in_dim3A_5 {add = true} : memref<10016xf32, #tpu.memory_space<vmem>>[vector<16xi32>], vector<16xf32>,
      %get3A_413 = arith.index_cast %add3A_397 : i32 to index
      %get3A_414 = arith.constant 80 : index
      %get3A_415 = tpu.vector_load %arg10[%get3A_413, %get3A_414] {strides = array<i32>} : memref<160x128xi32, #tpu.memory_space<vmem>>, vector<16xi32>,
      tpu.vector_store_idx %arg36[%get3A_415], %broadcast_in_dim3A_5 {add = true} : memref<10016xf32, #tpu.memory_space<vmem>>[vector<16xi32>], vector<16xf32>,
      %get3A_416 = arith.index_cast %add3A_397 : i32 to index
      %get3A_417 = arith.constant 96 : index
      %get3A_418 = tpu.vector_load %arg10[%get3A_416, %get3A_417] {strides = array<i32>} : memref<160x128xi32, #tpu.memory_space<vmem>>, vector<16xi32>,
      tpu.vector_store_idx %arg36[%get3A_418], %broadcast_in_dim3A_5 {add = true} : memref<10016xf32, #tpu.memory_space<vmem>>[vector<16xi32>], vector<16xf32>,
      %get3A_419 = arith.index_cast %add3A_397 : i32 to index
      %get3A_420 = arith.constant 112 : index
      %get3A_421 = tpu.vector_load %arg10[%get3A_419, %get3A_420] {strides = array<i32>} : memref<160x128xi32, #tpu.memory_space<vmem>>, vector<16xi32>,
      tpu.vector_store_idx %arg36[%get3A_421], %broadcast_in_dim3A_5 {add = true} : memref<10016xf32, #tpu.memory_space<vmem>>[vector<16xi32>], vector<16xf32>,
      %add3A_422 = arith.constant 6 : i32
      %add3A_423 = arith.addi %mul3A_136, %add3A_422 : i32
      %dma_start3A_424 = arith.constant 0 : i32
      %dma_start3A_425 = tpu.memref_slice %arg10[%add3A_423, %dma_start3A_424] : memref<160x128xi32, #tpu.memory_space<vmem>> -> memref<1x128xi32, #tpu.memory_space<vmem>>
      %dma_start3A_426 = tpu.memref_squeeze %dma_start3A_425 : memref<1x128xi32, #tpu.memory_space<vmem>> -> memref<128xi32, #tpu.memory_space<vmem>>
      %dma_start3A_427 = arith.constant 0 : i32
      %dma_start3A_428 = arith.constant 0 : i32
      %dma_start3A_429 = tpu.memref_slice %arg11[%dma_start3A_427, %dma_start3A_428] : memref<10016x64xbf16, #tpu.memory_space<vmem_shared>> -> memref<10016x64xbf16, #tpu.memory_space<vmem_shared>>
      tpu.enqueue_indirect_dma source(%arg18 : memref<128x64xbf16, #tpu.memory_space<vmem>>) target(%dma_start3A_429 : memref<10016x64xbf16, #tpu.memory_space<vmem_shared>>) offsets(%dma_start3A_426 : memref<128xi32, #tpu.memory_space<vmem>>) semaphore(%arg34 : memref<!tpu.dma_semaphore, #tpu.memory_space<semaphore_mem>>) {add = true}
      %add3A_430 = arith.constant 7 : i32
      %add3A_431 = arith.addi %mul3A_136, %add3A_430 : i32
      %dma_wait3A_432 = arith.constant 0 : i32
      %dma_wait3A_433 = tpu.memref_slice %arg9[%add3A_431, %dma_wait3A_432] : memref<160x128xi32, #tpu.memory_space<vmem>> -> memref<1x128xi32, #tpu.memory_space<vmem>>
      %dma_wait3A_434 = tpu.memref_squeeze %dma_wait3A_433 : memref<1x128xi32, #tpu.memory_space<vmem>> -> memref<128xi32, #tpu.memory_space<vmem>>
      %dma_wait3A_435 = arith.constant 0 : i32
      %dma_wait3A_436 = arith.constant 0 : i32
      %dma_wait3A_437 = tpu.memref_slice %arg2[%dma_wait3A_435, %dma_wait3A_436] : memref<20000x64xbf16, #tpu.memory_space<hbm>> -> memref<20000x64xbf16, #tpu.memory_space<hbm>>
      tpu.wait_indirect_dma semaphore(%arg27 : memref<!tpu.dma_semaphore, #tpu.memory_space<semaphore_mem>>) src(%dma_wait3A_437 : memref<20000x64xbf16, #tpu.memory_space<hbm>>) dst(%arg19 : memref<128x64xbf16, #tpu.memory_space<vmem>>)
      %add3A_438 = arith.constant 7 : i32
      %add3A_439 = arith.addi %mul3A_136, %add3A_438 : i32
      %get3A_440 = arith.index_cast %add3A_439 : i32 to index
      %get3A_441 = arith.constant 0 : index
      %get3A_442 = tpu.vector_load %arg10[%get3A_440, %get3A_441] {strides = array<i32>} : memref<160x128xi32, #tpu.memory_space<vmem>>, vector<16xi32>,
      tpu.vector_store_idx %arg36[%get3A_442], %broadcast_in_dim3A_5 {add = true} : memref<10016xf32, #tpu.memory_space<vmem>>[vector<16xi32>], vector<16xf32>,
      %get3A_443 = arith.index_cast %add3A_439 : i32 to index
      %get3A_444 = arith.constant 16 : index
      %get3A_445 = tpu.vector_load %arg10[%get3A_443, %get3A_444] {strides = array<i32>} : memref<160x128xi32, #tpu.memory_space<vmem>>, vector<16xi32>,
      tpu.vector_store_idx %arg36[%get3A_445], %broadcast_in_dim3A_5 {add = true} : memref<10016xf32, #tpu.memory_space<vmem>>[vector<16xi32>], vector<16xf32>,
      %get3A_446 = arith.index_cast %add3A_439 : i32 to index
      %get3A_447 = arith.constant 32 : index
      %get3A_448 = tpu.vector_load %arg10[%get3A_446, %get3A_447] {strides = array<i32>} : memref<160x128xi32, #tpu.memory_space<vmem>>, vector<16xi32>,
      tpu.vector_store_idx %arg36[%get3A_448], %broadcast_in_dim3A_5 {add = true} : memref<10016xf32, #tpu.memory_space<vmem>>[vector<16xi32>], vector<16xf32>,
      %get3A_449 = arith.index_cast %add3A_439 : i32 to index
      %get3A_450 = arith.constant 48 : index
      %get3A_451 = tpu.vector_load %arg10[%get3A_449, %get3A_450] {strides = array<i32>} : memref<160x128xi32, #tpu.memory_space<vmem>>, vector<16xi32>,
      tpu.vector_store_idx %arg36[%get3A_451], %broadcast_in_dim3A_5 {add = true} : memref<10016xf32, #tpu.memory_space<vmem>>[vector<16xi32>], vector<16xf32>,
      %get3A_452 = arith.index_cast %add3A_439 : i32 to index
      %get3A_453 = arith.constant 64 : index
      %get3A_454 = tpu.vector_load %arg10[%get3A_452, %get3A_453] {strides = array<i32>} : memref<160x128xi32, #tpu.memory_space<vmem>>, vector<16xi32>,
      tpu.vector_store_idx %arg36[%get3A_454], %broadcast_in_dim3A_5 {add = true} : memref<10016xf32, #tpu.memory_space<vmem>>[vector<16xi32>], vector<16xf32>,
      %get3A_455 = arith.index_cast %add3A_439 : i32 to index
      %get3A_456 = arith.constant 80 : index
      %get3A_457 = tpu.vector_load %arg10[%get3A_455, %get3A_456] {strides = array<i32>} : memref<160x128xi32, #tpu.memory_space<vmem>>, vector<16xi32>,
      tpu.vector_store_idx %arg36[%get3A_457], %broadcast_in_dim3A_5 {add = true} : memref<10016xf32, #tpu.memory_space<vmem>>[vector<16xi32>], vector<16xf32>,
      %get3A_458 = arith.index_cast %add3A_439 : i32 to index
      %get3A_459 = arith.constant 96 : index
      %get3A_460 = tpu.vector_load %arg10[%get3A_458, %get3A_459] {strides = array<i32>} : memref<160x128xi32, #tpu.memory_space<vmem>>, vector<16xi32>,
      tpu.vector_store_idx %arg36[%get3A_460], %broadcast_in_dim3A_5 {add = true} : memref<10016xf32, #tpu.memory_space<vmem>>[vector<16xi32>], vector<16xf32>,
      %get3A_461 = arith.index_cast %add3A_439 : i32 to index
      %get3A_462 = arith.constant 112 : index
      %get3A_463 = tpu.vector_load %arg10[%get3A_461, %get3A_462] {strides = array<i32>} : memref<160x128xi32, #tpu.memory_space<vmem>>, vector<16xi32>,
      tpu.vector_store_idx %arg36[%get3A_463], %broadcast_in_dim3A_5 {add = true} : memref<10016xf32, #tpu.memory_space<vmem>>[vector<16xi32>], vector<16xf32>,
      %add3A_464 = arith.constant 7 : i32
      %add3A_465 = arith.addi %mul3A_136, %add3A_464 : i32
      %dma_start3A_466 = arith.constant 0 : i32
      %dma_start3A_467 = tpu.memref_slice %arg10[%add3A_465, %dma_start3A_466] : memref<160x128xi32, #tpu.memory_space<vmem>> -> memref<1x128xi32, #tpu.memory_space<vmem>>
      %dma_start3A_468 = tpu.memref_squeeze %dma_start3A_467 : memref<1x128xi32, #tpu.memory_space<vmem>> -> memref<128xi32, #tpu.memory_space<vmem>>
      %dma_start3A_469 = arith.constant 0 : i32
      %dma_start3A_470 = arith.constant 0 : i32
      %dma_start3A_471 = tpu.memref_slice %arg11[%dma_start3A_469, %dma_start3A_470] : memref<10016x64xbf16, #tpu.memory_space<vmem_shared>> -> memref<10016x64xbf16, #tpu.memory_space<vmem_shared>>
      tpu.enqueue_indirect_dma source(%arg19 : memref<128x64xbf16, #tpu.memory_space<vmem>>) target(%dma_start3A_471 : memref<10016x64xbf16, #tpu.memory_space<vmem_shared>>) offsets(%dma_start3A_468 : memref<128xi32, #tpu.memory_space<vmem>>) semaphore(%arg35 : memref<!tpu.dma_semaphore, #tpu.memory_space<semaphore_mem>>) {add = true}
      %add3A_472 = arith.constant 1 : i32
      %add3A_473 = arith.addi %scan3A_134, %add3A_472 : i32
      %lt3A = arith.constant 20 : i32
      %lt3A_474 = arith.cmpi slt, %add3A_473, %lt3A : i32
      %convert_element_type3A_475 = arith.extui %lt3A_474 : i1 to i32
      %cond3A_476 = arith.constant 0 : i32
      %cond3A_477 = arith.cmpi ne, %convert_element_type3A_475, %cond3A_476 : i32
      scf.if %cond3A_477 {
        %add3A_478 = arith.constant 0 : i32
        %add3A_479 = arith.addi %mul3A_136, %add3A_478 : i32
        %dma_wait3A_480 = arith.constant 0 : i32
        %dma_wait3A_481 = tpu.memref_slice %arg10[%add3A_479, %dma_wait3A_480] : memref<160x128xi32, #tpu.memory_space<vmem>> -> memref<1x128xi32, #tpu.memory_space<vmem>>
        %dma_wait3A_482 = tpu.memref_squeeze %dma_wait3A_481 : memref<1x128xi32, #tpu.memory_space<vmem>> -> memref<128xi32, #tpu.memory_space<vmem>>
        %dma_wait3A_483 = arith.constant 0 : i32
        %dma_wait3A_484 = arith.constant 0 : i32
        %dma_wait3A_485 = tpu.memref_slice %arg11[%dma_wait3A_483, %dma_wait3A_484] : memref<10016x64xbf16, #tpu.memory_space<vmem_shared>> -> memref<10016x64xbf16, #tpu.memory_space<vmem_shared>>
        tpu.wait_indirect_dma semaphore(%arg28 : memref<!tpu.dma_semaphore, #tpu.memory_space<semaphore_mem>>) src(%arg12 : memref<128x64xbf16, #tpu.memory_space<vmem>>) dst(%dma_wait3A_485 : memref<10016x64xbf16, #tpu.memory_space<vmem_shared>>)
        %add3A_486 = arith.constant 8 : i32
        %add3A_487 = arith.addi %mul3A_136, %add3A_486 : i32
        %add3A_488 = arith.constant 0 : i32
        %add3A_489 = arith.addi %add3A_487, %add3A_488 : i32
        %dma_start3A_490 = arith.constant 0 : i32
        %dma_start3A_491 = tpu.memref_slice %arg9[%add3A_489, %dma_start3A_490] : memref<160x128xi32, #tpu.memory_space<vmem>> -> memref<1x128xi32, #tpu.memory_space<vmem>>
        %dma_start3A_492 = tpu.memref_squeeze %dma_start3A_491 : memref<1x128xi32, #tpu.memory_space<vmem>> -> memref<128xi32, #tpu.memory_space<vmem>>
        %dma_start3A_493 = arith.constant 0 : i32
        %dma_start3A_494 = arith.constant 0 : i32
        %dma_start3A_495 = tpu.memref_slice %arg2[%dma_start3A_493, %dma_start3A_494] : memref<20000x64xbf16, #tpu.memory_space<hbm>> -> memref<20000x64xbf16, #tpu.memory_space<hbm>>
        tpu.enqueue_indirect_dma source(%dma_start3A_495 : memref<20000x64xbf16, #tpu.memory_space<hbm>>) target(%arg12 : memref<128x64xbf16, #tpu.memory_space<vmem>>) offsets(%dma_start3A_492 : memref<128xi32, #tpu.memory_space<vmem>>) semaphore(%arg20 : memref<!tpu.dma_semaphore, #tpu.memory_space<semaphore_mem>>)
        %add3A_496 = arith.constant 1 : i32
        %add3A_497 = arith.addi %mul3A_136, %add3A_496 : i32
        %dma_wait3A_498 = arith.constant 0 : i32
        %dma_wait3A_499 = tpu.memref_slice %arg10[%add3A_497, %dma_wait3A_498] : memref<160x128xi32, #tpu.memory_space<vmem>> -> memref<1x128xi32, #tpu.memory_space<vmem>>
        %dma_wait3A_500 = tpu.memref_squeeze %dma_wait3A_499 : memref<1x128xi32, #tpu.memory_space<vmem>> -> memref<128xi32, #tpu.memory_space<vmem>>
        %dma_wait3A_501 = arith.constant 0 : i32
        %dma_wait3A_502 = arith.constant 0 : i32
        %dma_wait3A_503 = tpu.memref_slice %arg11[%dma_wait3A_501, %dma_wait3A_502] : memref<10016x64xbf16, #tpu.memory_space<vmem_shared>> -> memref<10016x64xbf16, #tpu.memory_space<vmem_shared>>
        tpu.wait_indirect_dma semaphore(%arg29 : memref<!tpu.dma_semaphore, #tpu.memory_space<semaphore_mem>>) src(%arg13 : memref<128x64xbf16, #tpu.memory_space<vmem>>) dst(%dma_wait3A_503 : memref<10016x64xbf16, #tpu.memory_space<vmem_shared>>)
        %add3A_504 = arith.constant 8 : i32
        %add3A_505 = arith.addi %mul3A_136, %add3A_504 : i32
        %add3A_506 = arith.constant 1 : i32
        %add3A_507 = arith.addi %add3A_505, %add3A_506 : i32
        %dma_start3A_508 = arith.constant 0 : i32
        %dma_start3A_509 = tpu.memref_slice %arg9[%add3A_507, %dma_start3A_508] : memref<160x128xi32, #tpu.memory_space<vmem>> -> memref<1x128xi32, #tpu.memory_space<vmem>>
        %dma_start3A_510 = tpu.memref_squeeze %dma_start3A_509 : memref<1x128xi32, #tpu.memory_space<vmem>> -> memref<128xi32, #tpu.memory_space<vmem>>
        %dma_start3A_511 = arith.constant 0 : i32
        %dma_start3A_512 = arith.constant 0 : i32
        %dma_start3A_513 = tpu.memref_slice %arg2[%dma_start3A_511, %dma_start3A_512] : memref<20000x64xbf16, #tpu.memory_space<hbm>> -> memref<20000x64xbf16, #tpu.memory_space<hbm>>
        tpu.enqueue_indirect_dma source(%dma_start3A_513 : memref<20000x64xbf16, #tpu.memory_space<hbm>>) target(%arg13 : memref<128x64xbf16, #tpu.memory_space<vmem>>) offsets(%dma_start3A_510 : memref<128xi32, #tpu.memory_space<vmem>>) semaphore(%arg21 : memref<!tpu.dma_semaphore, #tpu.memory_space<semaphore_mem>>)
        %add3A_514 = arith.constant 2 : i32
        %add3A_515 = arith.addi %mul3A_136, %add3A_514 : i32
        %dma_wait3A_516 = arith.constant 0 : i32
        %dma_wait3A_517 = tpu.memref_slice %arg10[%add3A_515, %dma_wait3A_516] : memref<160x128xi32, #tpu.memory_space<vmem>> -> memref<1x128xi32, #tpu.memory_space<vmem>>
        %dma_wait3A_518 = tpu.memref_squeeze %dma_wait3A_517 : memref<1x128xi32, #tpu.memory_space<vmem>> -> memref<128xi32, #tpu.memory_space<vmem>>
        %dma_wait3A_519 = arith.constant 0 : i32
        %dma_wait3A_520 = arith.constant 0 : i32
        %dma_wait3A_521 = tpu.memref_slice %arg11[%dma_wait3A_519, %dma_wait3A_520] : memref<10016x64xbf16, #tpu.memory_space<vmem_shared>> -> memref<10016x64xbf16, #tpu.memory_space<vmem_shared>>
        tpu.wait_indirect_dma semaphore(%arg30 : memref<!tpu.dma_semaphore, #tpu.memory_space<semaphore_mem>>) src(%arg14 : memref<128x64xbf16, #tpu.memory_space<vmem>>) dst(%dma_wait3A_521 : memref<10016x64xbf16, #tpu.memory_space<vmem_shared>>)
        %add3A_522 = arith.constant 8 : i32
        %add3A_523 = arith.addi %mul3A_136, %add3A_522 : i32
        %add3A_524 = arith.constant 2 : i32
        %add3A_525 = arith.addi %add3A_523, %add3A_524 : i32
        %dma_start3A_526 = arith.constant 0 : i32
        %dma_start3A_527 = tpu.memref_slice %arg9[%add3A_525, %dma_start3A_526] : memref<160x128xi32, #tpu.memory_space<vmem>> -> memref<1x128xi32, #tpu.memory_space<vmem>>
        %dma_start3A_528 = tpu.memref_squeeze %dma_start3A_527 : memref<1x128xi32, #tpu.memory_space<vmem>> -> memref<128xi32, #tpu.memory_space<vmem>>
        %dma_start3A_529 = arith.constant 0 : i32
        %dma_start3A_530 = arith.constant 0 : i32
        %dma_start3A_531 = tpu.memref_slice %arg2[%dma_start3A_529, %dma_start3A_530] : memref<20000x64xbf16, #tpu.memory_space<hbm>> -> memref<20000x64xbf16, #tpu.memory_space<hbm>>
        tpu.enqueue_indirect_dma source(%dma_start3A_531 : memref<20000x64xbf16, #tpu.memory_space<hbm>>) target(%arg14 : memref<128x64xbf16, #tpu.memory_space<vmem>>) offsets(%dma_start3A_528 : memref<128xi32, #tpu.memory_space<vmem>>) semaphore(%arg22 : memref<!tpu.dma_semaphore, #tpu.memory_space<semaphore_mem>>)
        %add3A_532 = arith.constant 3 : i32
        %add3A_533 = arith.addi %mul3A_136, %add3A_532 : i32
        %dma_wait3A_534 = arith.constant 0 : i32
        %dma_wait3A_535 = tpu.memref_slice %arg10[%add3A_533, %dma_wait3A_534] : memref<160x128xi32, #tpu.memory_space<vmem>> -> memref<1x128xi32, #tpu.memory_space<vmem>>
        %dma_wait3A_536 = tpu.memref_squeeze %dma_wait3A_535 : memref<1x128xi32, #tpu.memory_space<vmem>> -> memref<128xi32, #tpu.memory_space<vmem>>
        %dma_wait3A_537 = arith.constant 0 : i32
        %dma_wait3A_538 = arith.constant 0 : i32
        %dma_wait3A_539 = tpu.memref_slice %arg11[%dma_wait3A_537, %dma_wait3A_538] : memref<10016x64xbf16, #tpu.memory_space<vmem_shared>> -> memref<10016x64xbf16, #tpu.memory_space<vmem_shared>>
        tpu.wait_indirect_dma semaphore(%arg31 : memref<!tpu.dma_semaphore, #tpu.memory_space<semaphore_mem>>) src(%arg15 : memref<128x64xbf16, #tpu.memory_space<vmem>>) dst(%dma_wait3A_539 : memref<10016x64xbf16, #tpu.memory_space<vmem_shared>>)
        %add3A_540 = arith.constant 8 : i32
        %add3A_541 = arith.addi %mul3A_136, %add3A_540 : i32
        %add3A_542 = arith.constant 3 : i32
        %add3A_543 = arith.addi %add3A_541, %add3A_542 : i32
        %dma_start3A_544 = arith.constant 0 : i32
        %dma_start3A_545 = tpu.memref_slice %arg9[%add3A_543, %dma_start3A_544] : memref<160x128xi32, #tpu.memory_space<vmem>> -> memref<1x128xi32, #tpu.memory_space<vmem>>
        %dma_start3A_546 = tpu.memref_squeeze %dma_start3A_545 : memref<1x128xi32, #tpu.memory_space<vmem>> -> memref<128xi32, #tpu.memory_space<vmem>>
        %dma_start3A_547 = arith.constant 0 : i32
        %dma_start3A_548 = arith.constant 0 : i32
        %dma_start3A_549 = tpu.memref_slice %arg2[%dma_start3A_547, %dma_start3A_548] : memref<20000x64xbf16, #tpu.memory_space<hbm>> -> memref<20000x64xbf16, #tpu.memory_space<hbm>>
        tpu.enqueue_indirect_dma source(%dma_start3A_549 : memref<20000x64xbf16, #tpu.memory_space<hbm>>) target(%arg15 : memref<128x64xbf16, #tpu.memory_space<vmem>>) offsets(%dma_start3A_546 : memref<128xi32, #tpu.memory_space<vmem>>) semaphore(%arg23 : memref<!tpu.dma_semaphore, #tpu.memory_space<semaphore_mem>>)
        %add3A_550 = arith.constant 4 : i32
        %add3A_551 = arith.addi %mul3A_136, %add3A_550 : i32
        %dma_wait3A_552 = arith.constant 0 : i32
        %dma_wait3A_553 = tpu.memref_slice %arg10[%add3A_551, %dma_wait3A_552] : memref<160x128xi32, #tpu.memory_space<vmem>> -> memref<1x128xi32, #tpu.memory_space<vmem>>
        %dma_wait3A_554 = tpu.memref_squeeze %dma_wait3A_553 : memref<1x128xi32, #tpu.memory_space<vmem>> -> memref<128xi32, #tpu.memory_space<vmem>>
        %dma_wait3A_555 = arith.constant 0 : i32
        %dma_wait3A_556 = arith.constant 0 : i32
        %dma_wait3A_557 = tpu.memref_slice %arg11[%dma_wait3A_555, %dma_wait3A_556] : memref<10016x64xbf16, #tpu.memory_space<vmem_shared>> -> memref<10016x64xbf16, #tpu.memory_space<vmem_shared>>
        tpu.wait_indirect_dma semaphore(%arg32 : memref<!tpu.dma_semaphore, #tpu.memory_space<semaphore_mem>>) src(%arg16 : memref<128x64xbf16, #tpu.memory_space<vmem>>) dst(%dma_wait3A_557 : memref<10016x64xbf16, #tpu.memory_space<vmem_shared>>)
        %add3A_558 = arith.constant 8 : i32
        %add3A_559 = arith.addi %mul3A_136, %add3A_558 : i32
        %add3A_560 = arith.constant 4 : i32
        %add3A_561 = arith.addi %add3A_559, %add3A_560 : i32
        %dma_start3A_562 = arith.constant 0 : i32
        %dma_start3A_563 = tpu.memref_slice %arg9[%add3A_561, %dma_start3A_562] : memref<160x128xi32, #tpu.memory_space<vmem>> -> memref<1x128xi32, #tpu.memory_space<vmem>>
        %dma_start3A_564 = tpu.memref_squeeze %dma_start3A_563 : memref<1x128xi32, #tpu.memory_space<vmem>> -> memref<128xi32, #tpu.memory_space<vmem>>
        %dma_start3A_565 = arith.constant 0 : i32
        %dma_start3A_566 = arith.constant 0 : i32
        %dma_start3A_567 = tpu.memref_slice %arg2[%dma_start3A_565, %dma_start3A_566] : memref<20000x64xbf16, #tpu.memory_space<hbm>> -> memref<20000x64xbf16, #tpu.memory_space<hbm>>
        tpu.enqueue_indirect_dma source(%dma_start3A_567 : memref<20000x64xbf16, #tpu.memory_space<hbm>>) target(%arg16 : memref<128x64xbf16, #tpu.memory_space<vmem>>) offsets(%dma_start3A_564 : memref<128xi32, #tpu.memory_space<vmem>>) semaphore(%arg24 : memref<!tpu.dma_semaphore, #tpu.memory_space<semaphore_mem>>)
        %add3A_568 = arith.constant 5 : i32
        %add3A_569 = arith.addi %mul3A_136, %add3A_568 : i32
        %dma_wait3A_570 = arith.constant 0 : i32
        %dma_wait3A_571 = tpu.memref_slice %arg10[%add3A_569, %dma_wait3A_570] : memref<160x128xi32, #tpu.memory_space<vmem>> -> memref<1x128xi32, #tpu.memory_space<vmem>>
        %dma_wait3A_572 = tpu.memref_squeeze %dma_wait3A_571 : memref<1x128xi32, #tpu.memory_space<vmem>> -> memref<128xi32, #tpu.memory_space<vmem>>
        %dma_wait3A_573 = arith.constant 0 : i32
        %dma_wait3A_574 = arith.constant 0 : i32
        %dma_wait3A_575 = tpu.memref_slice %arg11[%dma_wait3A_573, %dma_wait3A_574] : memref<10016x64xbf16, #tpu.memory_space<vmem_shared>> -> memref<10016x64xbf16, #tpu.memory_space<vmem_shared>>
        tpu.wait_indirect_dma semaphore(%arg33 : memref<!tpu.dma_semaphore, #tpu.memory_space<semaphore_mem>>) src(%arg17 : memref<128x64xbf16, #tpu.memory_space<vmem>>) dst(%dma_wait3A_575 : memref<10016x64xbf16, #tpu.memory_space<vmem_shared>>)
        %add3A_576 = arith.constant 8 : i32
        %add3A_577 = arith.addi %mul3A_136, %add3A_576 : i32
        %add3A_578 = arith.constant 5 : i32
        %add3A_579 = arith.addi %add3A_577, %add3A_578 : i32
        %dma_start3A_580 = arith.constant 0 : i32
        %dma_start3A_581 = tpu.memref_slice %arg9[%add3A_579, %dma_start3A_580] : memref<160x128xi32, #tpu.memory_space<vmem>> -> memref<1x128xi32, #tpu.memory_space<vmem>>
        %dma_start3A_582 = tpu.memref_squeeze %dma_start3A_581 : memref<1x128xi32, #tpu.memory_space<vmem>> -> memref<128xi32, #tpu.memory_space<vmem>>
        %dma_start3A_583 = arith.constant 0 : i32
        %dma_start3A_584 = arith.constant 0 : i32
        %dma_start3A_585 = tpu.memref_slice %arg2[%dma_start3A_583, %dma_start3A_584] : memref<20000x64xbf16, #tpu.memory_space<hbm>> -> memref<20000x64xbf16, #tpu.memory_space<hbm>>
        tpu.enqueue_indirect_dma source(%dma_start3A_585 : memref<20000x64xbf16, #tpu.memory_space<hbm>>) target(%arg17 : memref<128x64xbf16, #tpu.memory_space<vmem>>) offsets(%dma_start3A_582 : memref<128xi32, #tpu.memory_space<vmem>>) semaphore(%arg25 : memref<!tpu.dma_semaphore, #tpu.memory_space<semaphore_mem>>)
        %add3A_586 = arith.constant 6 : i32
        %add3A_587 = arith.addi %mul3A_136, %add3A_586 : i32
        %dma_wait3A_588 = arith.constant 0 : i32
        %dma_wait3A_589 = tpu.memref_slice %arg10[%add3A_587, %dma_wait3A_588] : memref<160x128xi32, #tpu.memory_space<vmem>> -> memref<1x128xi32, #tpu.memory_space<vmem>>
        %dma_wait3A_590 = tpu.memref_squeeze %dma_wait3A_589 : memref<1x128xi32, #tpu.memory_space<vmem>> -> memref<128xi32, #tpu.memory_space<vmem>>
        %dma_wait3A_591 = arith.constant 0 : i32
        %dma_wait3A_592 = arith.constant 0 : i32
        %dma_wait3A_593 = tpu.memref_slice %arg11[%dma_wait3A_591, %dma_wait3A_592] : memref<10016x64xbf16, #tpu.memory_space<vmem_shared>> -> memref<10016x64xbf16, #tpu.memory_space<vmem_shared>>
        tpu.wait_indirect_dma semaphore(%arg34 : memref<!tpu.dma_semaphore, #tpu.memory_space<semaphore_mem>>) src(%arg18 : memref<128x64xbf16, #tpu.memory_space<vmem>>) dst(%dma_wait3A_593 : memref<10016x64xbf16, #tpu.memory_space<vmem_shared>>)
        %add3A_594 = arith.constant 8 : i32
        %add3A_595 = arith.addi %mul3A_136, %add3A_594 : i32
        %add3A_596 = arith.constant 6 : i32
        %add3A_597 = arith.addi %add3A_595, %add3A_596 : i32
        %dma_start3A_598 = arith.constant 0 : i32
        %dma_start3A_599 = tpu.memref_slice %arg9[%add3A_597, %dma_start3A_598] : memref<160x128xi32, #tpu.memory_space<vmem>> -> memref<1x128xi32, #tpu.memory_space<vmem>>
        %dma_start3A_600 = tpu.memref_squeeze %dma_start3A_599 : memref<1x128xi32, #tpu.memory_space<vmem>> -> memref<128xi32, #tpu.memory_space<vmem>>
        %dma_start3A_601 = arith.constant 0 : i32
        %dma_start3A_602 = arith.constant 0 : i32
        %dma_start3A_603 = tpu.memref_slice %arg2[%dma_start3A_601, %dma_start3A_602] : memref<20000x64xbf16, #tpu.memory_space<hbm>> -> memref<20000x64xbf16, #tpu.memory_space<hbm>>
        tpu.enqueue_indirect_dma source(%dma_start3A_603 : memref<20000x64xbf16, #tpu.memory_space<hbm>>) target(%arg18 : memref<128x64xbf16, #tpu.memory_space<vmem>>) offsets(%dma_start3A_600 : memref<128xi32, #tpu.memory_space<vmem>>) semaphore(%arg26 : memref<!tpu.dma_semaphore, #tpu.memory_space<semaphore_mem>>)
        %add3A_604 = arith.constant 7 : i32
        %add3A_605 = arith.addi %mul3A_136, %add3A_604 : i32
        %dma_wait3A_606 = arith.constant 0 : i32
        %dma_wait3A_607 = tpu.memref_slice %arg10[%add3A_605, %dma_wait3A_606] : memref<160x128xi32, #tpu.memory_space<vmem>> -> memref<1x128xi32, #tpu.memory_space<vmem>>
        %dma_wait3A_608 = tpu.memref_squeeze %dma_wait3A_607 : memref<1x128xi32, #tpu.memory_space<vmem>> -> memref<128xi32, #tpu.memory_space<vmem>>
        %dma_wait3A_609 = arith.constant 0 : i32
        %dma_wait3A_610 = arith.constant 0 : i32
        %dma_wait3A_611 = tpu.memref_slice %arg11[%dma_wait3A_609, %dma_wait3A_610] : memref<10016x64xbf16, #tpu.memory_space<vmem_shared>> -> memref<10016x64xbf16, #tpu.memory_space<vmem_shared>>
        tpu.wait_indirect_dma semaphore(%arg35 : memref<!tpu.dma_semaphore, #tpu.memory_space<semaphore_mem>>) src(%arg19 : memref<128x64xbf16, #tpu.memory_space<vmem>>) dst(%dma_wait3A_611 : memref<10016x64xbf16, #tpu.memory_space<vmem_shared>>)
        %add3A_612 = arith.constant 8 : i32
        %add3A_613 = arith.addi %mul3A_136, %add3A_612 : i32
        %add3A_614 = arith.constant 7 : i32
        %add3A_615 = arith.addi %add3A_613, %add3A_614 : i32
        %dma_start3A_616 = arith.constant 0 : i32
        %dma_start3A_617 = tpu.memref_slice %arg9[%add3A_615, %dma_start3A_616] : memref<160x128xi32, #tpu.memory_space<vmem>> -> memref<1x128xi32, #tpu.memory_space<vmem>>
        %dma_start3A_618 = tpu.memref_squeeze %dma_start3A_617 : memref<1x128xi32, #tpu.memory_space<vmem>> -> memref<128xi32, #tpu.memory_space<vmem>>
        %dma_start3A_619 = arith.constant 0 : i32
        %dma_start3A_620 = arith.constant 0 : i32
        %dma_start3A_621 = tpu.memref_slice %arg2[%dma_start3A_619, %dma_start3A_620] : memref<20000x64xbf16, #tpu.memory_space<hbm>> -> memref<20000x64xbf16, #tpu.memory_space<hbm>>
        tpu.enqueue_indirect_dma source(%dma_start3A_621 : memref<20000x64xbf16, #tpu.memory_space<hbm>>) target(%arg19 : memref<128x64xbf16, #tpu.memory_space<vmem>>) offsets(%dma_start3A_618 : memref<128xi32, #tpu.memory_space<vmem>>) semaphore(%arg27 : memref<!tpu.dma_semaphore, #tpu.memory_space<semaphore_mem>>)
      } else {
      }
    }
    %scan3A_65 = arith.constant 20 : i32
    %dma_wait3A = arith.constant 152 : i32
    %dma_wait3A_66 = arith.constant 0 : i32
    %dma_wait3A_67 = tpu.memref_slice %arg10[%dma_wait3A, %dma_wait3A_66] : memref<160x128xi32, #tpu.memory_space<vmem>> -> memref<1x128xi32, #tpu.memory_space<vmem>>
    %dma_wait3A_68 = tpu.memref_squeeze %dma_wait3A_67 : memref<1x128xi32, #tpu.memory_space<vmem>> -> memref<128xi32, #tpu.memory_space<vmem>>
    %dma_wait3A_69 = arith.constant 0 : i32
    %dma_wait3A_70 = arith.constant 0 : i32
    %dma_wait3A_71 = tpu.memref_slice %arg11[%dma_wait3A_69, %dma_wait3A_70] : memref<10016x64xbf16, #tpu.memory_space<vmem_shared>> -> memref<10016x64xbf16, #tpu.memory_space<vmem_shared>>
    tpu.wait_indirect_dma semaphore(%arg28 : memref<!tpu.dma_semaphore, #tpu.memory_space<semaphore_mem>>) src(%arg12 : memref<128x64xbf16, #tpu.memory_space<vmem>>) dst(%dma_wait3A_71 : memref<10016x64xbf16, #tpu.memory_space<vmem_shared>>)
    %dma_wait3A_72 = arith.constant 153 : i32
    %dma_wait3A_73 = arith.constant 0 : i32
    %dma_wait3A_74 = tpu.memref_slice %arg10[%dma_wait3A_72, %dma_wait3A_73] : memref<160x128xi32, #tpu.memory_space<vmem>> -> memref<1x128xi32, #tpu.memory_space<vmem>>
    %dma_wait3A_75 = tpu.memref_squeeze %dma_wait3A_74 : memref<1x128xi32, #tpu.memory_space<vmem>> -> memref<128xi32, #tpu.memory_space<vmem>>
    %dma_wait3A_76 = arith.constant 0 : i32
    %dma_wait3A_77 = arith.constant 0 : i32
    %dma_wait3A_78 = tpu.memref_slice %arg11[%dma_wait3A_76, %dma_wait3A_77] : memref<10016x64xbf16, #tpu.memory_space<vmem_shared>> -> memref<10016x64xbf16, #tpu.memory_space<vmem_shared>>
    tpu.wait_indirect_dma semaphore(%arg29 : memref<!tpu.dma_semaphore, #tpu.memory_space<semaphore_mem>>) src(%arg13 : memref<128x64xbf16, #tpu.memory_space<vmem>>) dst(%dma_wait3A_78 : memref<10016x64xbf16, #tpu.memory_space<vmem_shared>>)
    %dma_wait3A_79 = arith.constant 154 : i32
    %dma_wait3A_80 = arith.constant 0 : i32
    %dma_wait3A_81 = tpu.memref_slice %arg10[%dma_wait3A_79, %dma_wait3A_80] : memref<160x128xi32, #tpu.memory_space<vmem>> -> memref<1x128xi32, #tpu.memory_space<vmem>>
    %dma_wait3A_82 = tpu.memref_squeeze %dma_wait3A_81 : memref<1x128xi32, #tpu.memory_space<vmem>> -> memref<128xi32, #tpu.memory_space<vmem>>
    %dma_wait3A_83 = arith.constant 0 : i32
    %dma_wait3A_84 = arith.constant 0 : i32
    %dma_wait3A_85 = tpu.memref_slice %arg11[%dma_wait3A_83, %dma_wait3A_84] : memref<10016x64xbf16, #tpu.memory_space<vmem_shared>> -> memref<10016x64xbf16, #tpu.memory_space<vmem_shared>>
    tpu.wait_indirect_dma semaphore(%arg30 : memref<!tpu.dma_semaphore, #tpu.memory_space<semaphore_mem>>) src(%arg14 : memref<128x64xbf16, #tpu.memory_space<vmem>>) dst(%dma_wait3A_85 : memref<10016x64xbf16, #tpu.memory_space<vmem_shared>>)
    %dma_wait3A_86 = arith.constant 155 : i32
    %dma_wait3A_87 = arith.constant 0 : i32
    %dma_wait3A_88 = tpu.memref_slice %arg10[%dma_wait3A_86, %dma_wait3A_87] : memref<160x128xi32, #tpu.memory_space<vmem>> -> memref<1x128xi32, #tpu.memory_space<vmem>>
    %dma_wait3A_89 = tpu.memref_squeeze %dma_wait3A_88 : memref<1x128xi32, #tpu.memory_space<vmem>> -> memref<128xi32, #tpu.memory_space<vmem>>
    %dma_wait3A_90 = arith.constant 0 : i32
    %dma_wait3A_91 = arith.constant 0 : i32
    %dma_wait3A_92 = tpu.memref_slice %arg11[%dma_wait3A_90, %dma_wait3A_91] : memref<10016x64xbf16, #tpu.memory_space<vmem_shared>> -> memref<10016x64xbf16, #tpu.memory_space<vmem_shared>>
    tpu.wait_indirect_dma semaphore(%arg31 : memref<!tpu.dma_semaphore, #tpu.memory_space<semaphore_mem>>) src(%arg15 : memref<128x64xbf16, #tpu.memory_space<vmem>>) dst(%dma_wait3A_92 : memref<10016x64xbf16, #tpu.memory_space<vmem_shared>>)
    %dma_wait3A_93 = arith.constant 156 : i32
    %dma_wait3A_94 = arith.constant 0 : i32
    %dma_wait3A_95 = tpu.memref_slice %arg10[%dma_wait3A_93, %dma_wait3A_94] : memref<160x128xi32, #tpu.memory_space<vmem>> -> memref<1x128xi32, #tpu.memory_space<vmem>>
    %dma_wait3A_96 = tpu.memref_squeeze %dma_wait3A_95 : memref<1x128xi32, #tpu.memory_space<vmem>> -> memref<128xi32, #tpu.memory_space<vmem>>
    %dma_wait3A_97 = arith.constant 0 : i32
    %dma_wait3A_98 = arith.constant 0 : i32
    %dma_wait3A_99 = tpu.memref_slice %arg11[%dma_wait3A_97, %dma_wait3A_98] : memref<10016x64xbf16, #tpu.memory_space<vmem_shared>> -> memref<10016x64xbf16, #tpu.memory_space<vmem_shared>>
    tpu.wait_indirect_dma semaphore(%arg32 : memref<!tpu.dma_semaphore, #tpu.memory_space<semaphore_mem>>) src(%arg16 : memref<128x64xbf16, #tpu.memory_space<vmem>>) dst(%dma_wait3A_99 : memref<10016x64xbf16, #tpu.memory_space<vmem_shared>>)
    %dma_wait3A_100 = arith.constant 157 : i32
    %dma_wait3A_101 = arith.constant 0 : i32
    %dma_wait3A_102 = tpu.memref_slice %arg10[%dma_wait3A_100, %dma_wait3A_101] : memref<160x128xi32, #tpu.memory_space<vmem>> -> memref<1x128xi32, #tpu.memory_space<vmem>>
    %dma_wait3A_103 = tpu.memref_squeeze %dma_wait3A_102 : memref<1x128xi32, #tpu.memory_space<vmem>> -> memref<128xi32, #tpu.memory_space<vmem>>
    %dma_wait3A_104 = arith.constant 0 : i32
    %dma_wait3A_105 = arith.constant 0 : i32
    %dma_wait3A_106 = tpu.memref_slice %arg11[%dma_wait3A_104, %dma_wait3A_105] : memref<10016x64xbf16, #tpu.memory_space<vmem_shared>> -> memref<10016x64xbf16, #tpu.memory_space<vmem_shared>>
    tpu.wait_indirect_dma semaphore(%arg33 : memref<!tpu.dma_semaphore, #tpu.memory_space<semaphore_mem>>) src(%arg17 : memref<128x64xbf16, #tpu.memory_space<vmem>>) dst(%dma_wait3A_106 : memref<10016x64xbf16, #tpu.memory_space<vmem_shared>>)
    %dma_wait3A_107 = arith.constant 158 : i32
    %dma_wait3A_108 = arith.constant 0 : i32
    %dma_wait3A_109 = tpu.memref_slice %arg10[%dma_wait3A_107, %dma_wait3A_108] : memref<160x128xi32, #tpu.memory_space<vmem>> -> memref<1x128xi32, #tpu.memory_space<vmem>>
    %dma_wait3A_110 = tpu.memref_squeeze %dma_wait3A_109 : memref<1x128xi32, #tpu.memory_space<vmem>> -> memref<128xi32, #tpu.memory_space<vmem>>
    %dma_wait3A_111 = arith.constant 0 : i32
    %dma_wait3A_112 = arith.constant 0 : i32
    %dma_wait3A_113 = tpu.memref_slice %arg11[%dma_wait3A_111, %dma_wait3A_112] : memref<10016x64xbf16, #tpu.memory_space<vmem_shared>> -> memref<10016x64xbf16, #tpu.memory_space<vmem_shared>>
    tpu.wait_indirect_dma semaphore(%arg34 : memref<!tpu.dma_semaphore, #tpu.memory_space<semaphore_mem>>) src(%arg18 : memref<128x64xbf16, #tpu.memory_space<vmem>>) dst(%dma_wait3A_113 : memref<10016x64xbf16, #tpu.memory_space<vmem_shared>>)
    %dma_wait3A_114 = arith.constant 159 : i32
    %dma_wait3A_115 = arith.constant 0 : i32
    %dma_wait3A_116 = tpu.memref_slice %arg10[%dma_wait3A_114, %dma_wait3A_115] : memref<160x128xi32, #tpu.memory_space<vmem>> -> memref<1x128xi32, #tpu.memory_space<vmem>>
    %dma_wait3A_117 = tpu.memref_squeeze %dma_wait3A_116 : memref<1x128xi32, #tpu.memory_space<vmem>> -> memref<128xi32, #tpu.memory_space<vmem>>
    %dma_wait3A_118 = arith.constant 0 : i32
    %dma_wait3A_119 = arith.constant 0 : i32
    %dma_wait3A_120 = tpu.memref_slice %arg11[%dma_wait3A_118, %dma_wait3A_119] : memref<10016x64xbf16, #tpu.memory_space<vmem_shared>> -> memref<10016x64xbf16, #tpu.memory_space<vmem_shared>>
    tpu.wait_indirect_dma semaphore(%arg35 : memref<!tpu.dma_semaphore, #tpu.memory_space<semaphore_mem>>) src(%arg19 : memref<128x64xbf16, #tpu.memory_space<vmem>>) dst(%dma_wait3A_120 : memref<10016x64xbf16, #tpu.memory_space<vmem_shared>>)
    "tpu.region"() ({
      %run_scoped3A = tpu.sem_alloc : memref<!tpu.dma_semaphore, #tpu.memory_space<semaphore_mem>>
      %dma_start3A_134 = arith.constant 0 : i32
      %dma_start3A_135 = tpu.memref_slice %arg8[%add3A, %dma_start3A_134] : memref<32x10016xf32, #tpu.memory_space<hbm>> -> memref<1x10016xf32, #tpu.memory_space<hbm>>
      %dma_start3A_136 = tpu.memref_squeeze %dma_start3A_135 : memref<1x10016xf32, #tpu.memory_space<hbm>> -> memref<10016xf32, #tpu.memory_space<hbm>>
      %dma_start3A_137 = arith.constant 0 : i32
      %dma_start3A_138 = tpu.memref_slice %arg8[%add3A, %dma_start3A_137] : memref<32x10016xf32, #tpu.memory_space<hbm>> -> memref<1x10016xf32, #tpu.memory_space<hbm>>
      %dma_start3A_139 = tpu.memref_squeeze %dma_start3A_138 : memref<1x10016xf32, #tpu.memory_space<hbm>> -> memref<10016xf32, #tpu.memory_space<hbm>>
      tpu.enqueue_dma source(%arg36 : memref<10016xf32, #tpu.memory_space<vmem>>) target(%dma_start3A_139 : memref<10016xf32, #tpu.memory_space<hbm>>) target_semaphore(%run_scoped3A : memref<!tpu.dma_semaphore, #tpu.memory_space<semaphore_mem>>)
      %dma_wait3A_140 = arith.constant 0 : i32
      %dma_wait3A_141 = tpu.memref_slice %arg8[%add3A, %dma_wait3A_140] : memref<32x10016xf32, #tpu.memory_space<hbm>> -> memref<1x10016xf32, #tpu.memory_space<hbm>>
      %dma_wait3A_142 = tpu.memref_squeeze %dma_wait3A_141 : memref<1x10016xf32, #tpu.memory_space<hbm>> -> memref<10016xf32, #tpu.memory_space<hbm>>
      %dma_wait3A_143 = arith.constant 0 : i32
      %dma_wait3A_144 = tpu.memref_slice %arg8[%add3A, %dma_wait3A_143] : memref<32x10016xf32, #tpu.memory_space<hbm>> -> memref<1x10016xf32, #tpu.memory_space<hbm>>
      %dma_wait3A_145 = tpu.memref_squeeze %dma_wait3A_144 : memref<1x10016xf32, #tpu.memory_space<hbm>> -> memref<10016xf32, #tpu.memory_space<hbm>>
      tpu.wait_dma2 semaphore(%run_scoped3A : memref<!tpu.dma_semaphore, #tpu.memory_space<semaphore_mem>>) src(%arg36 : memref<10016xf32, #tpu.memory_space<vmem>>) dst(%dma_wait3A_145 : memref<10016xf32, #tpu.memory_space<hbm>>)
      tpu.yield
    }) : () -> ()
    %barrier3A_121 = arith.constant 0 : index
    tpu.barrier barrier_id(%barrier3A_121)
    %mul3A_122 = arith.constant 624 : i32
    %mul3A_123 = arith.muli %arg1, %mul3A_122 : i32
    %mul3A_124 = arith.constant 10016 : i32
    %mul3A_125 = arith.muli %arg0, %mul3A_124 : i32
    %mul3A_126 = arith.constant 624 : i32
    %mul3A_127 = arith.muli %arg1, %mul3A_126 : i32
    %add3A_128 = arith.addi %mul3A_125, %mul3A_127 : i32
    "tpu.region"() ({
      %run_scoped3A = tpu.sem_alloc : memref<!tpu.dma_semaphore, #tpu.memory_space<semaphore_mem>>
      %dma_start3A_134 = arith.constant 0 : i32
      %dma_start3A_135 = tpu.memref_slice %arg7[%add3A_128, %dma_start3A_134] : memref<20032x64xbf16, #tpu.memory_space<hbm>> -> memref<624x64xbf16, #tpu.memory_space<hbm>>
      %dma_start3A_136 = arith.constant 0 : i32
      %dma_start3A_137 = tpu.memref_slice %arg11[%mul3A_123, %dma_start3A_136] : memref<10016x64xbf16, #tpu.memory_space<vmem_shared>> -> memref<624x64xbf16, #tpu.memory_space<vmem_shared>>
      tpu.enqueue_dma source(%dma_start3A_137 : memref<624x64xbf16, #tpu.memory_space<vmem_shared>>) target(%dma_start3A_135 : memref<624x64xbf16, #tpu.memory_space<hbm>>) target_semaphore(%run_scoped3A : memref<!tpu.dma_semaphore, #tpu.memory_space<semaphore_mem>>)
      %dma_wait3A_138 = arith.constant 0 : i32
      %dma_wait3A_139 = tpu.memref_slice %arg7[%add3A_128, %dma_wait3A_138] : memref<20032x64xbf16, #tpu.memory_space<hbm>> -> memref<624x64xbf16, #tpu.memory_space<hbm>>
      %dma_wait3A_140 = arith.constant 0 : i32
      %dma_wait3A_141 = tpu.memref_slice %arg11[%mul3A_123, %dma_wait3A_140] : memref<10016x64xbf16, #tpu.memory_space<vmem_shared>> -> memref<624x64xbf16, #tpu.memory_space<vmem_shared>>
      tpu.wait_dma2 semaphore(%run_scoped3A : memref<!tpu.dma_semaphore, #tpu.memory_space<semaphore_mem>>) src(%dma_wait3A_141 : memref<624x64xbf16, #tpu.memory_space<vmem_shared>>) dst(%dma_wait3A_139 : memref<624x64xbf16, #tpu.memory_space<hbm>>)
      tpu.yield
    }) : () -> ()
    %eq3A_129 = arith.constant 0 : i32
    %eq3A_130 = arith.cmpi eq, %arg1, %eq3A_129 : i32
    %convert_element_type3A_131 = arith.extui %eq3A_130 : i1 to i32
    %cond3A_132 = arith.constant 0 : i32
    %cond3A_133 = arith.cmpi ne, %convert_element_type3A_131, %cond3A_132 : i32
    scf.if %cond3A_133 {
      %mul3A_134 = arith.constant 10016 : i32
      %mul3A_135 = arith.muli %arg0, %mul3A_134 : i32
      %add3A_136 = arith.constant 9984 : i32
      %add3A_137 = arith.addi %mul3A_135, %add3A_136 : i32
      "tpu.region"() ({
        %run_scoped3A = tpu.sem_alloc : memref<!tpu.dma_semaphore, #tpu.memory_space<semaphore_mem>>
        %dma_start3A_138 = arith.constant 0 : i32
        %dma_start3A_139 = tpu.memref_slice %arg7[%add3A_137, %dma_start3A_138] : memref<20032x64xbf16, #tpu.memory_space<hbm>> -> memref<32x64xbf16, #tpu.memory_space<hbm>>
        %dma_start3A_140 = arith.constant 9984 : i32
        %dma_start3A_141 = arith.constant 0 : i32
        %dma_start3A_142 = tpu.memref_slice %arg11[%dma_start3A_140, %dma_start3A_141] : memref<10016x64xbf16, #tpu.memory_space<vmem_shared>> -> memref<32x64xbf16, #tpu.memory_space<vmem_shared>>
        tpu.enqueue_dma source(%dma_start3A_142 : memref<32x64xbf16, #tpu.memory_space<vmem_shared>>) target(%dma_start3A_139 : memref<32x64xbf16, #tpu.memory_space<hbm>>) target_semaphore(%run_scoped3A : memref<!tpu.dma_semaphore, #tpu.memory_space<semaphore_mem>>)
        %dma_wait3A_143 = arith.constant 0 : i32
        %dma_wait3A_144 = tpu.memref_slice %arg7[%add3A_137, %dma_wait3A_143] : memref<20032x64xbf16, #tpu.memory_space<hbm>> -> memref<32x64xbf16, #tpu.memory_space<hbm>>
        %dma_wait3A_145 = arith.constant 9984 : i32
        %dma_wait3A_146 = arith.constant 0 : i32
        %dma_wait3A_147 = tpu.memref_slice %arg11[%dma_wait3A_145, %dma_wait3A_146] : memref<10016x64xbf16, #tpu.memory_space<vmem_shared>> -> memref<32x64xbf16, #tpu.memory_space<vmem_shared>>
        tpu.wait_dma2 semaphore(%run_scoped3A : memref<!tpu.dma_semaphore, #tpu.memory_space<semaphore_mem>>) src(%dma_wait3A_147 : memref<32x64xbf16, #tpu.memory_space<vmem_shared>>) dst(%dma_wait3A_144 : memref<32x64xbf16, #tpu.memory_space<hbm>>)
        tpu.yield
      }) : () -> ()
    } else {
    }
    return
  }
}

module attributes {stable_mosaic.version = 14 : i64} {
  func.func @_tc1_body(%arg0: i32, %arg1: memref<1000x128xf32, #tpu.memory_space<vmem>>, %arg2: memref<2x1000x64xbf16, #tpu.memory_space<vmem>>, %arg3: memref<1000x32xf32, #tpu.memory_space<vmem>>, %arg4: memref<128x128xf32, #tpu.memory_space<vmem>>, %arg5: memref<128x128xf32, #tpu.memory_space<vmem>>, %arg6: memref<1x128xf32, #tpu.memory_space<vmem>>, %arg7: memref<1000x128xf32, #tpu.memory_space<vmem>>, %arg8: memref<2x1000x64xbf16, #tpu.memory_space<vmem>>, %arg9: memref<1000x1xf32, #tpu.memory_space<vmem>>) attributes {dimension_semantics = [#tpu.dimension_semantics<arbitrary>], iteration_bounds = array<i64: 10>, scalar_prefetch = 0 : i64, scratch_operands = 0 : i64, tpu.core_type = #tpu.core_type<tc>, window_params = [{transform_indices = @transform_0, window_bounds = array<i64: 1000, 128>}, {transform_indices = @transform_1, window_bounds = array<i64: 2, 1000, 64>}, {transform_indices = @transform_2, window_bounds = array<i64: 1000, 32>}, {pipeline_mode = #tpu.pipeline_mode<synchronous>, transform_indices = @transform_3, window_bounds = array<i64: 128, 128>}, {pipeline_mode = #tpu.pipeline_mode<synchronous>, transform_indices = @transform_4, window_bounds = array<i64: 128, 128>}, {pipeline_mode = #tpu.pipeline_mode<synchronous>, transform_indices = @transform_5, window_bounds = array<i64: 1, 128>}, {transform_indices = @transform_6, window_bounds = array<i64: 1000, 128>}, {transform_indices = @transform_7, window_bounds = array<i64: 2, 1000, 64>}, {transform_indices = @transform_8, window_bounds = array<i64: 1000, 1>}]} {
    %get3A = arith.constant 0 : index
    %get3A_0 = arith.constant 0 : index
    %get3A_1 = vector.load %arg3[%get3A, %get3A_0] : memref<1000x32xf32, #tpu.memory_space<vmem>>, vector<1000x32xf32>
    %reduce_sum3A = arith.constant dense<0.000000e+00> : vector<1000xf32>
    %reduce_sum3A_2 = vector.multi_reduction <add>, %get3A_1, %reduce_sum3A [1] : vector<1000x32xf32> to vector<1000xf32>
    %mul3A = arith.constant 5.000000e-01 : f32
    %mul3A_3 = vector.broadcast %mul3A : f32 to vector<1000xf32>
    %mul3A_4 = arith.mulf %mul3A_3, %reduce_sum3A_2 : vector<1000xf32>
    %max3A = arith.constant 1.000000e+00 : f32
    %max3A_5 = vector.broadcast %max3A : f32 to vector<1000xf32>
    %max3A_6 = arith.maximumf %mul3A_4, %max3A_5 : vector<1000xf32>
    %div3A = arith.constant 1.000000e+00 : f32
    %div3A_7 = vector.broadcast %div3A : f32 to vector<1000xf32>
    %div3A_8 = arith.divf %div3A_7, %max3A_6 : vector<1000xf32>
    %get3A_9 = arith.constant 0 : index
    %get3A_10 = arith.constant 0 : index
    %get3A_11 = arith.constant 0 : index
    %get3A_12 = vector.load %arg2[%get3A_9, %get3A_10, %get3A_11] : memref<2x1000x64xbf16, #tpu.memory_space<vmem>>, vector<1x1000x64xbf16>
    %get3A_13 = vector.shape_cast %get3A_12 : vector<1x1000x64xbf16> to vector<1000x64xbf16>
    %get3A_14 = arith.constant 1 : index
    %get3A_15 = arith.constant 0 : index
    %get3A_16 = arith.constant 0 : index
    %get3A_17 = vector.load %arg2[%get3A_14, %get3A_15, %get3A_16] : memref<2x1000x64xbf16, #tpu.memory_space<vmem>>, vector<1x1000x64xbf16>
    %get3A_18 = vector.shape_cast %get3A_17 : vector<1x1000x64xbf16> to vector<1000x64xbf16>
    %concatenate3A = tpu.concatenate %get3A_13, %get3A_18 in 1 : vector<1000x64xbf16>, vector<1000x64xbf16> -> vector<1000x128xbf16>
    %convert_element_type3A = arith.extf %concatenate3A : vector<1000x128xbf16> to vector<1000x128xf32>
    %broadcast_in_dim3A = vector.shape_cast %div3A_8 : vector<1000xf32> to vector<1000x1xf32>
    %mul3A_19 = vector.broadcast %broadcast_in_dim3A : vector<1000x1xf32> to vector<1000x128xf32>
    %mul3A_20 = arith.mulf %convert_element_type3A, %mul3A_19 : vector<1000x128xf32>
    %get3A_21 = arith.constant 0 : index
    %get3A_22 = arith.constant 0 : index
    %get3A_23 = vector.load %arg1[%get3A_21, %get3A_22] : memref<1000x128xf32, #tpu.memory_space<vmem>>, vector<1000x128xf32>
    %get3A_24 = arith.constant 0 : index
    %get3A_25 = arith.constant 0 : index
    %get3A_26 = vector.load %arg4[%get3A_24, %get3A_25] : memref<128x128xf32, #tpu.memory_space<vmem>>, vector<128x128xf32>
    %dot_general3A = arith.constant dense<0.000000e+00> : vector<1000x128xf32>
    %dot_general3A_27 = tpu.matmul %get3A_23, %get3A_26, %dot_general3A {dimension_numbers = #tpu.dot_dimension_numbers<[1], [0], [0], [1], [0, 0, 1, 1], [], []>, transpose_lhs_hint = false} : vector<1000x128xf32>, vector<128x128xf32>, vector<1000x128xf32> -> vector<1000x128xf32>
    %get3A_28 = arith.constant 0 : index
    %get3A_29 = arith.constant 0 : index
    %get3A_30 = vector.load %arg5[%get3A_28, %get3A_29] : memref<128x128xf32, #tpu.memory_space<vmem>>, vector<128x128xf32>
    %dot_general3A_31 = arith.constant dense<0.000000e+00> : vector<1000x128xf32>
    %dot_general3A_32 = tpu.matmul %mul3A_20, %get3A_30, %dot_general3A_31 {dimension_numbers = #tpu.dot_dimension_numbers<[1], [0], [0], [1], [0, 0, 1, 1], [], []>, transpose_lhs_hint = false} : vector<1000x128xf32>, vector<128x128xf32>, vector<1000x128xf32> -> vector<1000x128xf32>
    %add3A = arith.addf %dot_general3A_27, %dot_general3A_32 : vector<1000x128xf32>
    %get3A_33 = arith.constant 0 : index
    %get3A_34 = arith.constant 0 : index
    %get3A_35 = vector.load %arg6[%get3A_33, %get3A_34] : memref<1x128xf32, #tpu.memory_space<vmem>>, vector<1x128xf32>
    %add3A_36 = vector.broadcast %get3A_35 : vector<1x128xf32> to vector<1000x128xf32>
    %add3A_37 = arith.addf %add3A, %add3A_36 : vector<1000x128xf32>
    %max3A_38 = arith.constant 0.000000e+00 : f32
    %max3A_39 = vector.broadcast %max3A_38 : f32 to vector<1000x128xf32>
    %max3A_40 = arith.maximumf %add3A_37, %max3A_39 : vector<1000x128xf32>
    %swap3A = arith.constant 0 : index
    %swap3A_41 = arith.constant 0 : index
    %swap3A_42 = vector.load %arg7[%swap3A, %swap3A_41] : memref<1000x128xf32, #tpu.memory_space<vmem>>, vector<1000x128xf32>
    tpu.vector_store %arg7[%swap3A, %swap3A_41], %max3A_40 {strides = array<i32>} : memref<1000x128xf32, #tpu.memory_space<vmem>>, vector<1000x128xf32>,
    %convert_element_type3A_43 = arith.truncf %max3A_40 : vector<1000x128xf32> to vector<1000x128xbf16>
    %slice3A = vector.extract_strided_slice %convert_element_type3A_43 {offsets = [0, 0], sizes = [1000, 64], strides = [1, 1]} : vector<1000x128xbf16> to vector<1000x64xbf16>
    %swap3A_44 = arith.constant 0 : index
    %swap3A_45 = arith.constant 0 : index
    %swap3A_46 = arith.constant 0 : index
    %swap3A_47 = vector.load %arg8[%swap3A_44, %swap3A_45, %swap3A_46] : memref<2x1000x64xbf16, #tpu.memory_space<vmem>>, vector<1x1000x64xbf16>
    %swap3A_48 = vector.shape_cast %swap3A_47 : vector<1x1000x64xbf16> to vector<1000x64xbf16>
    %swap3A_49 = vector.shape_cast %slice3A : vector<1000x64xbf16> to vector<1x1000x64xbf16>
    tpu.vector_store %arg8[%swap3A_44, %swap3A_45, %swap3A_46], %swap3A_49 {strides = array<i32>} : memref<2x1000x64xbf16, #tpu.memory_space<vmem>>, vector<1x1000x64xbf16>,
    %slice3A_50 = vector.extract_strided_slice %convert_element_type3A_43 {offsets = [0, 64], sizes = [1000, 64], strides = [1, 1]} : vector<1000x128xbf16> to vector<1000x64xbf16>
    %swap3A_51 = arith.constant 1 : index
    %swap3A_52 = arith.constant 0 : index
    %swap3A_53 = arith.constant 0 : index
    %swap3A_54 = vector.load %arg8[%swap3A_51, %swap3A_52, %swap3A_53] : memref<2x1000x64xbf16, #tpu.memory_space<vmem>>, vector<1x1000x64xbf16>
    %swap3A_55 = vector.shape_cast %swap3A_54 : vector<1x1000x64xbf16> to vector<1000x64xbf16>
    %swap3A_56 = vector.shape_cast %slice3A_50 : vector<1000x64xbf16> to vector<1x1000x64xbf16>
    tpu.vector_store %arg8[%swap3A_51, %swap3A_52, %swap3A_53], %swap3A_56 {strides = array<i32>} : memref<2x1000x64xbf16, #tpu.memory_space<vmem>>, vector<1x1000x64xbf16>,
    %broadcast_in_dim3A_57 = vector.shape_cast %div3A_8 : vector<1000xf32> to vector<1000x1xf32>
    %swap3A_58 = arith.constant 0 : index
    %swap3A_59 = arith.constant 0 : index
    %swap3A_60 = vector.load %arg9[%swap3A_58, %swap3A_59] : memref<1000x1xf32, #tpu.memory_space<vmem>>, vector<1000x1xf32>
    tpu.vector_store %arg9[%swap3A_58, %swap3A_59], %broadcast_in_dim3A_57 {strides = array<i32>} : memref<1000x1xf32, #tpu.memory_space<vmem>>, vector<1000x1xf32>,
    return
  }
  func.func @transform_0(%arg0: i32) -> (i32, i32) {
    %c0_i32 = arith.constant 0 : i32
    %c0_i32_0 = arith.constant 0 : i32
    return %arg0, %c0_i32 : i32, i32
  }
  func.func @transform_1(%arg0: i32) -> (i32, i32, i32) {
    %c0_i32 = arith.constant 0 : i32
    %c0_i32_0 = arith.constant 0 : i32
    %c0_i32_1 = arith.constant 0 : i32
    return %c0_i32, %arg0, %c0_i32_0 : i32, i32, i32
  }
  func.func @transform_2(%arg0: i32) -> (i32, i32) {
    %c0_i32 = arith.constant 0 : i32
    %c0_i32_0 = arith.constant 0 : i32
    return %arg0, %c0_i32 : i32, i32
  }
  func.func @transform_3(%arg0: i32) -> (i32, i32) {
    %c0_i32 = arith.constant 0 : i32
    %c0_i32_0 = arith.constant 0 : i32
    %c0_i32_1 = arith.constant 0 : i32
    return %c0_i32, %c0_i32_0 : i32, i32
  }
  func.func @transform_4(%arg0: i32) -> (i32, i32) {
    %c0_i32 = arith.constant 0 : i32
    %c0_i32_0 = arith.constant 0 : i32
    %c0_i32_1 = arith.constant 0 : i32
    return %c0_i32, %c0_i32_0 : i32, i32
  }
  func.func @transform_5(%arg0: i32) -> (i32, i32) {
    %c0_i32 = arith.constant 0 : i32
    %c0_i32_0 = arith.constant 0 : i32
    %c0_i32_1 = arith.constant 0 : i32
    return %c0_i32, %c0_i32_0 : i32, i32
  }
  func.func @transform_6(%arg0: i32) -> (i32, i32) {
    %c0_i32 = arith.constant 0 : i32
    %c0_i32_0 = arith.constant 0 : i32
    return %arg0, %c0_i32 : i32, i32
  }
  func.func @transform_7(%arg0: i32) -> (i32, i32, i32) {
    %c0_i32 = arith.constant 0 : i32
    %c0_i32_0 = arith.constant 0 : i32
    %c0_i32_1 = arith.constant 0 : i32
    return %c0_i32, %arg0, %c0_i32_0 : i32, i32, i32
  }
  func.func @transform_8(%arg0: i32) -> (i32, i32) {
    %c0_i32 = arith.constant 0 : i32
    %c0_i32_0 = arith.constant 0 : i32
    return %arg0, %c0_i32 : i32, i32
  }
}

module attributes {stable_mosaic.version = 14 : i64} {
  func.func @_tc2_body(%arg0: i32, %arg1: memref<1000x128xf32, #tpu.memory_space<vmem>>, %arg2: memref<2x1000x64xbf16, #tpu.memory_space<vmem>>, %arg3: memref<1000x1xf32, #tpu.memory_space<vmem>>, %arg4: memref<128x128xf32, #tpu.memory_space<vmem>>, %arg5: memref<128x128xf32, #tpu.memory_space<vmem>>, %arg6: memref<1x128xf32, #tpu.memory_space<vmem>>, %arg7: memref<1000x128xf32, #tpu.memory_space<vmem>>) attributes {dimension_semantics = [#tpu.dimension_semantics<arbitrary>], iteration_bounds = array<i64: 10>, scalar_prefetch = 0 : i64, scratch_operands = 0 : i64, tpu.core_type = #tpu.core_type<tc>, window_params = [{transform_indices = @transform_0, window_bounds = array<i64: 1000, 128>}, {transform_indices = @transform_1, window_bounds = array<i64: 2, 1000, 64>}, {transform_indices = @transform_2, window_bounds = array<i64: 1000, 1>}, {pipeline_mode = #tpu.pipeline_mode<synchronous>, transform_indices = @transform_3, window_bounds = array<i64: 128, 128>}, {pipeline_mode = #tpu.pipeline_mode<synchronous>, transform_indices = @transform_4, window_bounds = array<i64: 128, 128>}, {pipeline_mode = #tpu.pipeline_mode<synchronous>, transform_indices = @transform_5, window_bounds = array<i64: 1, 128>}, {transform_indices = @transform_6, window_bounds = array<i64: 1000, 128>}]} {
    %get3A = arith.constant 0 : index
    %get3A_0 = arith.constant 0 : index
    %get3A_1 = arith.constant 0 : index
    %get3A_2 = vector.load %arg2[%get3A, %get3A_0, %get3A_1] : memref<2x1000x64xbf16, #tpu.memory_space<vmem>>, vector<1x1000x64xbf16>
    %get3A_3 = vector.shape_cast %get3A_2 : vector<1x1000x64xbf16> to vector<1000x64xbf16>
    %get3A_4 = arith.constant 1 : index
    %get3A_5 = arith.constant 0 : index
    %get3A_6 = arith.constant 0 : index
    %get3A_7 = vector.load %arg2[%get3A_4, %get3A_5, %get3A_6] : memref<2x1000x64xbf16, #tpu.memory_space<vmem>>, vector<1x1000x64xbf16>
    %get3A_8 = vector.shape_cast %get3A_7 : vector<1x1000x64xbf16> to vector<1000x64xbf16>
    %concatenate3A = tpu.concatenate %get3A_3, %get3A_8 in 1 : vector<1000x64xbf16>, vector<1000x64xbf16> -> vector<1000x128xbf16>
    %convert_element_type3A = arith.extf %concatenate3A : vector<1000x128xbf16> to vector<1000x128xf32>
    %get3A_9 = arith.constant 0 : index
    %get3A_10 = arith.constant 0 : index
    %get3A_11 = vector.load %arg3[%get3A_9, %get3A_10] : memref<1000x1xf32, #tpu.memory_space<vmem>>, vector<1000x1xf32>
    %mul3A = vector.broadcast %get3A_11 : vector<1000x1xf32> to vector<1000x128xf32>
    %mul3A_12 = arith.mulf %convert_element_type3A, %mul3A : vector<1000x128xf32>
    %get3A_13 = arith.constant 0 : index
    %get3A_14 = arith.constant 0 : index
    %get3A_15 = vector.load %arg1[%get3A_13, %get3A_14] : memref<1000x128xf32, #tpu.memory_space<vmem>>, vector<1000x128xf32>
    %get3A_16 = arith.constant 0 : index
    %get3A_17 = arith.constant 0 : index
    %get3A_18 = vector.load %arg4[%get3A_16, %get3A_17] : memref<128x128xf32, #tpu.memory_space<vmem>>, vector<128x128xf32>
    %dot_general3A = arith.constant dense<0.000000e+00> : vector<1000x128xf32>
    %dot_general3A_19 = tpu.matmul %get3A_15, %get3A_18, %dot_general3A {dimension_numbers = #tpu.dot_dimension_numbers<[1], [0], [0], [1], [0, 0, 1, 1], [], []>, transpose_lhs_hint = false} : vector<1000x128xf32>, vector<128x128xf32>, vector<1000x128xf32> -> vector<1000x128xf32>
    %get3A_20 = arith.constant 0 : index
    %get3A_21 = arith.constant 0 : index
    %get3A_22 = vector.load %arg5[%get3A_20, %get3A_21] : memref<128x128xf32, #tpu.memory_space<vmem>>, vector<128x128xf32>
    %dot_general3A_23 = arith.constant dense<0.000000e+00> : vector<1000x128xf32>
    %dot_general3A_24 = tpu.matmul %mul3A_12, %get3A_22, %dot_general3A_23 {dimension_numbers = #tpu.dot_dimension_numbers<[1], [0], [0], [1], [0, 0, 1, 1], [], []>, transpose_lhs_hint = false} : vector<1000x128xf32>, vector<128x128xf32>, vector<1000x128xf32> -> vector<1000x128xf32>
    %add3A = arith.addf %dot_general3A_19, %dot_general3A_24 : vector<1000x128xf32>
    %get3A_25 = arith.constant 0 : index
    %get3A_26 = arith.constant 0 : index
    %get3A_27 = vector.load %arg6[%get3A_25, %get3A_26] : memref<1x128xf32, #tpu.memory_space<vmem>>, vector<1x128xf32>
    %add3A_28 = vector.broadcast %get3A_27 : vector<1x128xf32> to vector<1000x128xf32>
    %add3A_29 = arith.addf %add3A, %add3A_28 : vector<1000x128xf32>
    %swap3A = arith.constant 0 : index
    %swap3A_30 = arith.constant 0 : index
    %swap3A_31 = vector.load %arg7[%swap3A, %swap3A_30] : memref<1000x128xf32, #tpu.memory_space<vmem>>, vector<1000x128xf32>
    tpu.vector_store %arg7[%swap3A, %swap3A_30], %add3A_29 {strides = array<i32>} : memref<1000x128xf32, #tpu.memory_space<vmem>>, vector<1000x128xf32>,
    return
  }
  func.func @transform_0(%arg0: i32) -> (i32, i32) {
    %c0_i32 = arith.constant 0 : i32
    %c0_i32_0 = arith.constant 0 : i32
    return %arg0, %c0_i32 : i32, i32
  }
  func.func @transform_1(%arg0: i32) -> (i32, i32, i32) {
    %c0_i32 = arith.constant 0 : i32
    %c0_i32_0 = arith.constant 0 : i32
    %c0_i32_1 = arith.constant 0 : i32
    return %c0_i32, %arg0, %c0_i32_0 : i32, i32, i32
  }
  func.func @transform_2(%arg0: i32) -> (i32, i32) {
    %c0_i32 = arith.constant 0 : i32
    %c0_i32_0 = arith.constant 0 : i32
    return %arg0, %c0_i32 : i32, i32
  }
  func.func @transform_3(%arg0: i32) -> (i32, i32) {
    %c0_i32 = arith.constant 0 : i32
    %c0_i32_0 = arith.constant 0 : i32
    %c0_i32_1 = arith.constant 0 : i32
    return %c0_i32, %c0_i32_0 : i32, i32
  }
  func.func @transform_4(%arg0: i32) -> (i32, i32) {
    %c0_i32 = arith.constant 0 : i32
    %c0_i32_0 = arith.constant 0 : i32
    %c0_i32_1 = arith.constant 0 : i32
    return %c0_i32, %c0_i32_0 : i32, i32
  }
  func.func @transform_5(%arg0: i32) -> (i32, i32) {
    %c0_i32 = arith.constant 0 : i32
    %c0_i32_0 = arith.constant 0 : i32
    %c0_i32_1 = arith.constant 0 : i32
    return %c0_i32, %c0_i32_0 : i32, i32
  }
  func.func @transform_6(%arg0: i32) -> (i32, i32) {
    %c0_i32 = arith.constant 0 : i32
    %c0_i32_0 = arith.constant 0 : i32
    return %arg0, %c0_i32 : i32, i32
  }
}

</mosaic_0001>

<sc_bundles>
// kernel: kernel.6.cloned.1.call-start
scs
__scs_entry_jumppad:
0x0: {  	(pc) =	sbr.rel $0x88, $3  }
0x1: {  	(tag) =	ssettag $0x0;
	lr =	simm.s32 $0x1  }
0x2: {  	[smem:$0x3F99] =	sst lr;
	_ =	strace $0xD0000000  }
0x3: {  	_ = 	snop  }
0x4: {  	_ = 	snop  }
0x5: {  	_ = 	snop  }
0x6: {  	_ = 	snop  }
0x7: {  	_ = 	snop  }
__scs_overlays_trampoline_lowered:
0x8: {  	[smem:$0x3FA8] =	sst s0  }
0x9: {  	[smem:$0x3FA9] =	sst s1  }
0xa: {  	[smem:$0x3FAA] =	sst s2  }
0xb: {  	[smem:$0x3FAB] =	sst s3  }
0xc: {  	[smem:$0x3FAC] =	sst s4  }
0xd: {  	[smem:$0x3FAD] =	sst s5  }
0xe: {  	[smem:$0x3FAE] =	sst s6  }
0xf: {  	[smem:$0x3FAF] =	sst s7  }
0x10: {  	[smem:$0x3FB0] =	sst s8  }
0x11: {  	[smem:$0x3FB1] =	sst s9;
	s0 =	simm.s32 @!p0 $0x0  }
0x12: {  	s1 =	sld [smem:$0x3F97];
	s0 =	simm.s32 @p0 $0x1  }
0x13: {  	[smem:$0x3FB2] =	sst s0;
	s0 =	simm.s32 @!p1 $0x0  }
0x14: {  	s2 =	sld [smem:$0x3F96];
	s0 =	simm.s32 @p1 $0x1  }
0x15: {  	[smem:$0x3FB3] =	sst s0;
	s0 =	simm.s32 @!p2 $0x0  }
0x16: {  	s3 =	sld [smem:$0x3FDB];
	s0 =	simm.s32 @p2 $0x1  }
0x17: {  	s4 =	simm.s32 $0x1BF5;
	[smem:$0x3FB5] =	sst s0  }
0x18: {  	s0 =	sld [smem:$0x3F98];
	_ =	swait.ge [sflag:s4], $0x0  }
0x19: {  	s7 =	sld [smem:$0x3F99]  }
0x1a: {  	s8 =	sadd.s32 $0xFFFFE003, lr  }
0x1b: {  	s9 =	sadd.s32 $0xFFFFFEF7, lr;
	s5 =	simm.s32 $0xFFFFFFFF;
	p2 =	slt.u32 s8, $0xFFFFF086  }
0x1c: {  	p1 =	slt.u32 s9, $0xF7A;
	s5 =	simm.s32 @!p2 $0x0  }
0x1d: {  	s5 =	simm.s32 @p1 $0x1;
	p0 =	seq.s32 s7, s2  }
0x1e: {  	s7 =	smul.u32 @!p0 $0xF7A, s2;
	p2 =	seq.s32 @!p0 s5, $0x0  }
0x1f: {  	s9 =	smul.u32 $0xF7A, s1;
	s8 =	simm.s32 @!p0 $0x1BF5;
	p2 =	por !p2, p0  }
0x20: {  	[sflag:s8] =	ssyncset.s32 @!p0 $0xFFFFF086;
	s6 =	sadd.s32 @!p0 s3, s7;
	s7 =	simm.s32 @!p0 $0x108  }
0x21: {  	s3 =	sadd.s32 s3, s9;
	s6 =	sadd.s32 @!p0 $0x88, s6;
	s7 =	simm.s32 @p2 $0x1082  }
0x22: {  	[simem:s7], [sflag:s8] =	dma.local @!p0 [hbm:s6], $0xF7A  }
0x23: {  	s9 =	sor.u32 $0xD0000000, s2;
	s6 =	simm.s32 $0x108;
	_ =	swait.ge @!p0 [sflag:s8], $0x0  }
0x24: {  	s3 =	sadd.s32 $0x88, s3;
	s6 =	simm.s32 @!p1 $0x1082;
	[sflag:s4] =	ssyncset.s32 $0xFFFFF086  }
0x25: {  	[simem:s6], [sflag:s4] =	dma.local [hbm:s3], $0xF7A  }
0x26: {  	[smem:$0x3F99] =	sst s1;
	(tag) =	ssettag s2;
	_ =	strace s9  }
0x27: {  	s1 =	sld [smem:$0x3FA9]  }
0x28: {  	s2 =	sld [smem:$0x3FAA]  }
0x29: {  	s4 =	sld [smem:$0x3FAC]  }
0x2a: {  	p0 =	seq.s32 s5, $0x0;
	s5 =	sld [smem:$0x3FAD]  }
0x2b: {  	s6 =	sld [smem:$0x3FAE]  }
0x2c: {  	s7 =	sld [smem:$0x3FAF]  }
0x2d: {  	s3 =	simm.s32 $0x108;
	s8 =	sld [smem:$0x3FB0]  }
0x2e: {  	s3 =	simm.s32 @!p0 $0x1082;
	s9 =	sld [smem:$0x3FB1]  }
0x2f: {  	lr =	sadd.s32 s0, s3;
	s0 =	sld [smem:$0x3FA8]  }
0x30: {  	s3 =	sld [smem:$0x3FAB]  }
0x31: {  	[smem:$0x3FB4] =	sst s10  }
0x32: {  	s10 =	sld [smem:$0x3FB2];
	_ =	sdelay $0x3  }
0x33: {  	p0 =	seq.s32 s10, $0x1;
	s10 =	sld [smem:$0x3FB4];
	_ =	sdelay $0x3  }
0x34: {  	[smem:$0x3FB4] =	sst s10  }
0x35: {  	s10 =	sld [smem:$0x3FB3];
	_ =	sdelay $0x3  }
0x36: {  	p1 =	seq.s32 s10, $0x1;
	s10 =	sld [smem:$0x3FB4];
	_ =	sdelay $0x3  }
0x37: {  	[smem:$0x3FB4] =	sst s10  }
0x38: {  	s10 =	sld [smem:$0x3FB5]  }
0x39: {  	_ = 	snop;
	(pc) =	sbr.ind lr, $3  }
0x3a: {  	_ = 	snop  }
0x3b: {  	_ = 	snop  }
0x3c: {  	p2 =	seq.s32 s10, $0x1;
	s10 =	sld [smem:$0x3FB4]  }
0x3d: {  	_ =	shalt  }
0x3e: {  	_ =	shalt  }
0x3f: {  	_ =	shalt  }
0x40: {  	_ =	shalt  }
0x41: {  	_ =	shalt  }
0x42: {  	_ =	shalt  }
0x43: {  	_ =	shalt  }
0x44: {  	_ =	shalt  }
0x45: {  	_ =	shalt  }
0x46: {  	_ =	shalt  }
0x47: {  	_ =	shalt  }
0x48: {  	_ =	shalt  }
0x49: {  	_ =	shalt  }
0x4a: {  	_ =	shalt  }
0x4b: {  	_ =	shalt  }
0x4c: {  	_ =	shalt  }
0x4d: {  	_ =	shalt  }
0x4e: {  	_ =	shalt  }
0x4f: {  	_ =	shalt  }
0x50: {  	_ =	shalt  }
0x51: {  	_ =	shalt  }
0x52: {  	_ =	shalt  }
0x53: {  	_ =	shalt  }
0x54: {  	_ =	shalt  }
0x55: {  	_ =	shalt  }
0x56: {  	_ =	shalt  }
0x57: {  	_ =	shalt  }
0x58: {  	_ =	shalt  }
0x59: {  	_ =	shalt  }
0x5a: {  	_ =	shalt  }
0x5b: {  	_ =	shalt  }
0x5c: {  	_ =	shalt  }
0x5d: {  	_ =	shalt  }
0x5e: {  	_ =	shalt  }
0x5f: {  	_ =	shalt  }
0x60: {  	_ =	shalt  }
0x61: {  	_ =	shalt  }
0x62: {  	_ =	shalt  }
0x63: {  	_ =	shalt  }
0x64: {  	_ =	shalt  }
0x65: {  	_ =	shalt  }
0x66: {  	_ =	shalt  }
0x67: {  	_ =	shalt  }
0x68: {  	_ =	shalt  }
0x69: {  	_ =	shalt  }
0x6a: {  	_ =	shalt  }
0x6b: {  	_ =	shalt  }
0x6c: {  	_ =	shalt  }
0x6d: {  	_ =	shalt  }
0x6e: {  	_ =	shalt  }
0x6f: {  	_ =	shalt  }
0x70: {  	_ =	shalt  }
0x71: {  	_ =	shalt  }
0x72: {  	_ =	shalt  }
0x73: {  	_ =	shalt  }
0x74: {  	_ =	shalt  }
0x75: {  	_ =	shalt  }
0x76: {  	_ =	shalt  }
0x77: {  	_ =	shalt  }
0x78: {  	_ =	shalt  }
0x79: {  	_ =	shalt  }
0x7a: {  	_ =	shalt  }
0x7b: {  	_ =	shalt  }
0x7c: {  	_ =	shalt  }
0x7d: {  	_ =	shalt  }
0x7e: {  	_ =	shalt  }
0x7f: {  	_ =	shalt  }
0x80: {  	_ =	shalt  }
0x81: {  	_ =	shalt  }
0x82: {  	_ =	shalt  }
0x83: {  	_ =	shalt  }
0x84: {  	_ =	shalt  }
0x85: {  	_ =	shalt  }
0x86: {  	_ =	shalt  }
0x87: {  	_ =	shalt  }
.Lfunc_end0:
.L_simem_size_0:
called_computation_lowered:
.L_overlay_start_0:
0x88: {  	s2 =	sld [smem:$0x3FD9]  }
0x89: {  	s3 =	sld [smem:$0x3FFE];
	_ =	sdelay $0x1  }
0x8a: {  	s1 =	srdreg.scid  }
0x8b: {  	s0 =	sand.u32 $0x1, s1  }
0x8c: {  	s17 =	sshll.u32 s0, $0xA;
	s2 =	sadd.s32 s3, s2  }
0x8d: {  	s2 =	sadd.s32 s2, s17  }
0x8e: {  	[smem:$0x3FC0] =	sst s2  }
0x8f: {  	_ = 	snop  }
0x90: {  	s2 =	sld [smem:$0x3FD0];
	(tm) =	ssettm $0x1  }
0x91: {  	s18 =	sld [smem:$0x3FFB];
	_ =	sdelay $0x3  }
0x92: {  	_ =	strace s18  }
0x93: {  	s3 =	sld [smem:$0x3FFC];
	_ =	sdelay $0x3  }
0x94: {  	_ =	strace s3  }
0x95: {  	s3 =	sld [smem:$0x3FFD];
	_ =	sdelay $0x3  }
0x96: {  	_ =	strace s3  }
0x97: {  	_ =	strace $0x8FFFFFFF  }
0x98: {  	s19 =	sld [smem:$0x3FDB];
	_ =	sdelay $0x1  }
0x99: {  	s4 =	simm.s32 $_scs_section_size  }
0x9a: {  	s5 =	simm.s32 $_size__tile_overlayer_lowered;
	s6 =	simm.s32 $_tile_overlayer_lowered  }
0x9b: {  	s22 =	simm.s32 $0x1BFF;
	s21 =	sshll.u32 s6, $0x1;
	s3 =	sadd.s32 s4, s19  }
0x9c: {  	s7 =	simm.s32 $0x0;
	s20 =	sshll.u32 s5, $0x1;
	s5 =	sadd.s32 s21, s3  }
0x9d: {  	[timem:s7], [sflag:s22] =	dma.local [hbm:s5], s20  }
0x9e: {  	_ =	swait.ge [sflag:s22], s20  }
0x9f: {  	s4 =	ssub.s32 $0x0, s20;
	[sflag:s22] =	ssyncset.done $0x0  }
0xa0: {  	[sflag:s22] =	ssyncadd.s32 s4;
	_ =	sdelay $0x1  }
0xa1: {  	s23 =	simm.s32 $0x1B8B  }
0xa2: {  	_ =	swait.ge [sflag:s23], $0x1  }
0xa3: {  	[sflag:s23] =	ssyncset.done $0x0  }
0xa4: {  	s25 =	simm.s32 $0x1B8E;
	s24 =	sld [smem:$0x3FFE];
	[sflag:s23] =	ssyncadd.s32 $0xFFFFFFFF  }
0xa5: {  	s26 =	simm.s32 $execute0_lowered;
	[smem:$0x3FD2] =	sst s25  }
0xa6: {  	s5 =	sshll.u32 s26, $0x1;
	_ =	strace $0x80000046;
	[dreg:$0x1] =	wrdreg $0xFFFFFFFF  }
0xa7: {  	s28 =	simm.s32 $_size_execute0_lowered;
	s3 =	sadd.s32 s3, s5;
	[dreg:$0x0] =	wrdreg $0x0  }
0xa8: {  	s5 =	sshll.u32 s28, $0x1;
	[dreg:$0x2] =	wrdreg s3  }
0xa9: {  	[dreg:$0x3] =	wrdreg s5  }
0xaa: {  	[dreg:$0x4] =	wrdreg $0xC0  }
0xab: {  	_ =	task [dreg:s7], $0x5FFFF  }
0xac: {  	[dreg:$0x1] =	wrdreg $0xFFFFFFFF  }
0xad: {  	[dreg:$0x0] =	wrdreg $0x60  }
0xae: {  	[dreg:$0x2] =	wrdreg s24  }
0xaf: {  	[dreg:$0x3] =	wrdreg s2  }
0xb0: {  	[dreg:$0x4] =	wrdreg $0xA0000  }
0xb1: {  	[dreg:$0x5] =	wrdreg $0x9  }
0xb2: {  	_ =	task.clear_ibuf [dreg:s7], $0x6FFFF;
	_ =	strace $0x90000046  }
0xb3: {  	s29 =	simm.s32 $0x9;
	_ =	strace $0x80000048  }
0xb4: {  	_ =	swait.ge [sflag:s29], $0x1  }
0xb5: {  	[sflag:s29] =	ssyncadd.s32 $0xFFFFFFFF  }
0xb6: {  	_ =	strace $0x90000048  }
0xb7: {  	_ =	sfence  }
0xb8: {  	s30 =	sld [smem:$0x0];
	_ =	sdelay $0x2  }
0xb9: {  	s31 =	sshll.u32 s1, $0xD;
	s1 =	sshrl.u32 s1, $0x2  }
0xba: {  	s3 =	sand.u32 $0x4000, s31;
	s1 =	sadd.s32 s1, s30  }
0xbb: {  	s0 =	sor.u32 s3, s0;
	s1 =	sshll.u32 s1, $0x11  }
0xbc: {  	s0 =	sor.u32 s1, s0  }
0xbd: {  	s0 =	sadd.s32 $0x8F2B, s0  }
0xbe: {  	[sflag:s0] =	ssyncadd.remote.s32 $0x1  }
0xbf: {  	_ =	sfence.sel $0xFFFF  }
0xc0: {  	[dreg:$0x0] =	wrdreg $0xFFFFFFFF;
	(pc) =	sbr.abs _section_cstart, $3  }
0xc1: {  	[dreg:$0x1] =	wrdreg $0xFFFFFFFF  }
0xc2: {  	_ =	task.clear_ibuf [dreg:s7], $0x2FFFF;
	_ =	strace $0x9FFFFFFF  }
0xc3: {  	(tm) =	ssettm $0x7FFFFFFF  }
tec
execute0_lowered:
.L_overlay_start_1:
0x0: {  	(tag) =	ssettag $0x1  }
0x1: {  	s0 =	rddreg [dreg:$0x0]  }
0x2: {  	s5 =	rddreg [dreg:$0x1];
	s2 =	srdreg.scid  }
0x3: {  	s7 =	stileid.u32;
	s1 =	rddreg [dreg:$0x2];
	s29 =	simm.s32 $0x13E40  }
0x4: {  	s31 =	simm.s32 $0x14E40;
	s28 =	simm.s32 $0x4;
	s30 =	simm.s32 $0x5  }
0x5: {  	s8 =	sand.u32 $0x1, s2;
	s4 =	smul.u32 $0x5000, s7;
	s2 =	simm.s32 $0x0  }
0x6: {  	s3 =	sadd.s32 $0x16800, s0;
	s15 =	sadd.s32 $0x2A200, s0;
	s13 =	smul.u32 $0x13800, s7  }
0x7: {  	s17 =	sadd.s32 $0x34C00, s0;
	s18 =	smul.u32 $0x9C0, s7;
	s20 =	sshll.u32 s7, $0x6  }
0x8: {  	p0 =	sne.s32 s7, $0x0;
	s6 =	smul.u32 $0x50000, s8;
	[smem:$0x7FF] =	sst s2  }
0x9: {  	s9 =	sshll.u32 s8, $0x4;
	_ =	strace $0x80000047;
	[dreg:$0x4] =	wrdreg s15  }
0xa: {  	s16 =	ssub.s32 $0x2, s8;
	s14 =	sor.u32 s7, s9;
	[dreg:$0x5] =	wrdreg s17  }
0xb: {  	s12 =	sshrl.u32 s16, $0x1;
	s19 =	sshrl.u32 s13, $0x2;
	s17 =	simm.s32 $0x16E40  }
0xc: {  	s7 =	simm.s32 $0x8;
	s6 =	sadd.s32 s4, s6;
	s4 =	sshrl.u32 s4, $0x3  }
0xd: {  	s9 =	ssub.s32 s16, s12;
	s15 =	sadd.s32 s19, s1;
	s16 =	sadd.s32 $0x4E000, s1  }
0xe: {  	s19 =	simm.s32 $0xEE40;
	s6 =	sshrl.u32 s6, $0x3;
	s11 =	sadd.s32 s4, s0  }
0xf: {  	s26 =	smax.u32 s9, $0x1;
	s10 =	sadd.s32 s6, s0;
	s6 =	smul.u32 $0x4E4, s14  }
0x10: {  	s13 =	sshrl.u32 s15, $0x3;
	s15 =	sshrl.u32 @!p0 s16, $0x3;
	s14 =	smul.u32 $0x9C800, s8  }
0x11: {  	s16 =	simm.s32 $0x15E40;
	s8 =	smul.u32 $0x9C80, s8;
	s23 =	sadd.s32 $0x2AC00, s11  }
0x12: {  	[dreg:$0xb] =	wrdreg s26;
	s26 =	simm.s32 $0x12E40;
	s11 =	simm.s32 $0x0  }
0x13: {  	s21 =	sadd.s32 $0x2800, s10;
	[dreg:$0x7] =	wrdreg s23;
	s23 =	simm.s32 $0x2  }
0x14: {  	s0 =	sadd.s32 s6, s0;
	s6 =	sor.u32 $0x1C11, s20;
	[dreg:$0x6] =	wrdreg s21  }
0x15: {  	s22 =	sshrl.u32 s14, $0x4;
	s8 =	sadd.s32 s18, s8;
	s14 =	simm.s32 $0x11  }
0x16: {  	s18 =	simm.s32 $0x80;
	s20 =	simm.s32 $0xFE40;
	s21 =	simm.s32 $0x1  }
0x17: {  	s10 =	sadd.s32 s5, s22;
	s0 =	sadd.s32 $0x35200, s0;
	s24 =	sadd.s32 s5, s8  }
0x18: {  	s22 =	simm.s32 $0x10E40;
	s5 =	simm.s32 $0x7;
	[dreg:$0x8] =	wrdreg s0  }
0x19: {  	[dreg:$0x9] =	wrdreg s24;
	s25 =	sadd.s32 $0x9C00, s10;
	s24 =	simm.s32 $0x11E40  }
0x1a: {  	v0 =	vimm.f32 $1.000000000e+00;
	s0 =	simm.s32 $0x6;
	[dreg:$0xa] =	wrdreg s25;
	s25 =	simm.s32 $0x3  }
.LBB2_1:
0x1b: {  	s4 =	rddreg [dreg:$0x4]  }
0x1c: {  	[spmem:s13], [sflag:s6] =	dma.local [hbm:s4], $0x9C0  }
0x1d: {  	_ =	swait.ge [sflag:s14], $0x9C0  }
0x1e: {  	[sflag:s14] =	ssyncset.done $0x0  }
0x1f: {  	s8 =	simm.s32 @!p0 $0x11;
	[sflag:s14] =	ssyncadd.s32 $0xFFFFF640  }
0x20: {  	[spmem:s15], [sflag:s6] =	dma.local @!p0 [hbm:s4], $0x80  }
0x21: {  	_ =	swait.ge @!p0 [sflag:s8], $0x80  }
0x22: {  	[sflag:s8] =	ssyncset.done @!p0 $0x0  }
0x23: {  	s9 =	rddreg [dreg:$0x6];
	[sflag:s8] =	ssyncadd.s32 @!p0 $0xFFFFFF80  }
0x24: {  	[tilespmem:s2], [sflag:$0x11] =	stream.linear.gather [hbm4b:s9+s2], $0x5000, $0x38;
	[tilespmem:$0x19560] =	vst v63  }
0x25: {  	_ =	swait.ge [sflag:s14], $0x5000  }
0x26: {  	[sflag:s14] =	ssyncset.done $0x0  }
0x27: {  	s12 =	simm.s32 $0x5000;
	s10 =	rddreg [dreg:$0x7];
	[sflag:s14] =	ssyncadd.s32 $0xFFFFB000  }
0x28: {  	[tilespmem:s12], [sflag:$0x11] =	stream.linear.gather [hbm4b:s10+s2], $0x5000, $0x38;
	[tilespmem:$0x19560] =	vst v63  }
0x29: {  	_ =	swait.ge [sflag:s14], $0x5000  }
0x2a: {  	[sflag:s14] =	ssyncset.done $0x0  }
0x2b: {  	s9 =	rddreg [dreg:$0x5];
	[sflag:s14] =	ssyncadd.s32 $0xFFFFB000  }
0x2c: {  	[tilespmem:s17], [sflag:$0x11] =	stream.linear.gather [hbm4b:s9+s2], $0x2720, $0x38;
	[tilespmem:$0x19560] =	vst v63  }
0x2d: {  	_ =	swait.ge [sflag:s14], $0x2720  }
0x2e: {  	[sflag:s14] =	ssyncset.done $0x0  }
0x2f: {  	[sflag:s14] =	ssyncadd.s32 $0xFFFFD8E0  }
0x30: {  	[tilespmem:s19], [sflag:$0x1] =	stream.indirect.gather [hbm4b:s3+s18], $0x20, s2, s18, $0xb8;
	[tilespmem:$0x19560] =	vst v63  }
0x31: {  	_ = 	snop  }
0x32: {  	[tilespmem:s20], [sflag:$0x2] =	stream.indirect.gather [hbm4b:s3+s18], $0x20, s18, s18, $0xb8;
	[tilespmem:$0x19560] =	vst v63  }
0x33: {  	s10 =	simm.s32 $0x100  }
0x34: {  	[tilespmem:s22], [sflag:$0x3] =	stream.indirect.gather [hbm4b:s3+s18], $0x20, s10, s18, $0xb8;
	[tilespmem:$0x19560] =	vst v63  }
0x35: {  	s12 =	simm.s32 $0x180  }
0x36: {  	[tilespmem:s24], [sflag:$0x4] =	stream.indirect.gather [hbm4b:s3+s18], $0x20, s12, s18, $0xb8;
	[tilespmem:$0x19560] =	vst v63  }
0x37: {  	s8 =	simm.s32 $0x200  }
0x38: {  	[tilespmem:s26], [sflag:$0x5] =	stream.indirect.gather [hbm4b:s3+s18], $0x20, s8, s18, $0xb8;
	[tilespmem:$0x19560] =	vst v63  }
0x39: {  	s9 =	simm.s32 $0x280  }
0x3a: {  	[tilespmem:s29], [sflag:$0x6] =	stream.indirect.gather [hbm4b:s3+s18], $0x20, s9, s18, $0xb8;
	[tilespmem:$0x19560] =	vst v63  }
0x3b: {  	s10 =	simm.s32 $0x300  }
0x3c: {  	[tilespmem:s31], [sflag:$0x7] =	stream.indirect.gather [hbm4b:s3+s18], $0x20, s10, s18, $0xb8;
	[tilespmem:$0x19560] =	vst v63  }
0x3d: {  	s12 =	simm.s32 $0x380  }
0x3e: {  	[tilespmem:s16], [sflag:$0x8] =	stream.indirect.gather [hbm4b:s3+s18], $0x20, s12, s18, $0xb8;
	[tilespmem:$0x19560] =	vst v63  }
0x3f: {  	s12 =	simm.s32 $0x0;
	[bflag:$0x0] =	sbarrier.arrive $0xFFFF  }
.LBB2_2:
0x40: {  	_ =	swait.ge [sflag:s21], $0x1000  }
0x41: {  	[sflag:s21] =	ssyncset.done $0x0  }
0x42: {  	s8 =	sshra.s32 s12, $0x2;
	[sflag:s21] =	ssyncadd.s32 $0xFFFFF000  }
0x43: {  	v1 =	vld [tilespmem:s8+$0x5000];
	_ =	sdelay $0x7  }
0x44: {  	[tilespmem:v1+s17+$0x0] =	vst.idx.add.f32.msk $0xffff, v0  }
0x45: {  	v1 =	vld [tilespmem:s8+$0x5010];
	_ =	sdelay $0x7  }
0x46: {  	[tilespmem:v1+s17+$0x0] =	vst.idx.add.f32.msk $0xffff, v0  }
0x47: {  	v1 =	vld [tilespmem:s8+$0x5020];
	_ =	sdelay $0x7  }
0x48: {  	[tilespmem:v1+s17+$0x0] =	vst.idx.add.f32.msk $0xffff, v0  }
0x49: {  	v1 =	vld [tilespmem:s8+$0x5030];
	_ =	sdelay $0x7  }
0x4a: {  	[tilespmem:v1+s17+$0x0] =	vst.idx.add.f32.msk $0xffff, v0  }
0x4b: {  	v1 =	vld [tilespmem:s8+$0x5040];
	_ =	sdelay $0x7  }
0x4c: {  	[tilespmem:v1+s17+$0x0] =	vst.idx.add.f32.msk $0xffff, v0  }
0x4d: {  	v1 =	vld [tilespmem:s8+$0x5050];
	_ =	sdelay $0x7  }
0x4e: {  	[tilespmem:v1+s17+$0x0] =	vst.idx.add.f32.msk $0xffff, v0  }
0x4f: {  	v1 =	vld [tilespmem:s8+$0x5060];
	_ =	sdelay $0x7  }
0x50: {  	[tilespmem:v1+s17+$0x0] =	vst.idx.add.f32.msk $0xffff, v0  }
0x51: {  	v1 =	vld [tilespmem:s8+$0x5070];
	_ =	sdelay $0x7  }
0x52: {  	s9 =	sadd.s32 $0x5000, s8;
	[tilespmem:v1+s17+$0x0] =	vst.idx.add.f32.msk $0xffff, v0  }
0x53: {  	[spmem:s1] =	stream.indirect.scatter.add.bf16 [tilespmem:s19], [sflag:$0x9], $0x20, s9, s18, $0xb8;
	[tilespmem:$0x19560] =	vst v63  }
0x54: {  	_ =	swait.ge [sflag:s23], $0x1000  }
0x55: {  	[sflag:s23] =	ssyncset.done $0x0  }
0x56: {  	[sflag:s23] =	ssyncadd.s32 $0xFFFFF000  }
0x57: {  	v1 =	vld [tilespmem:s8+$0x5080];
	_ =	sdelay $0x7  }
0x58: {  	[tilespmem:v1+s17+$0x0] =	vst.idx.add.f32.msk $0xffff, v0  }
0x59: {  	v1 =	vld [tilespmem:s8+$0x5090];
	_ =	sdelay $0x7  }
0x5a: {  	[tilespmem:v1+s17+$0x0] =	vst.idx.add.f32.msk $0xffff, v0  }
0x5b: {  	v1 =	vld [tilespmem:s8+$0x50A0];
	_ =	sdelay $0x7  }
0x5c: {  	[tilespmem:v1+s17+$0x0] =	vst.idx.add.f32.msk $0xffff, v0  }
0x5d: {  	v1 =	vld [tilespmem:s8+$0x50B0];
	_ =	sdelay $0x7  }
0x5e: {  	[tilespmem:v1+s17+$0x0] =	vst.idx.add.f32.msk $0xffff, v0  }
0x5f: {  	v1 =	vld [tilespmem:s8+$0x50C0];
	_ =	sdelay $0x7  }
0x60: {  	[tilespmem:v1+s17+$0x0] =	vst.idx.add.f32.msk $0xffff, v0  }
0x61: {  	v1 =	vld [tilespmem:s8+$0x50D0];
	_ =	sdelay $0x7  }
0x62: {  	[tilespmem:v1+s17+$0x0] =	vst.idx.add.f32.msk $0xffff, v0  }
0x63: {  	v1 =	vld [tilespmem:s8+$0x50E0];
	_ =	sdelay $0x7  }
0x64: {  	[tilespmem:v1+s17+$0x0] =	vst.idx.add.f32.msk $0xffff, v0  }
0x65: {  	v1 =	vld [tilespmem:s8+$0x50F0];
	_ =	sdelay $0x7  }
0x66: {  	s4 =	sadd.s32 $0x5080, s8;
	[tilespmem:v1+s17+$0x0] =	vst.idx.add.f32.msk $0xffff, v0  }
0x67: {  	[spmem:s1] =	stream.indirect.scatter.add.bf16 [tilespmem:s20], [sflag:$0xA], $0x20, s4, s18, $0xb8;
	[tilespmem:$0x19560] =	vst v63  }
0x68: {  	_ =	swait.ge [sflag:s25], $0x1000  }
0x69: {  	[sflag:s25] =	ssyncset.done $0x0  }
0x6a: {  	[sflag:s25] =	ssyncadd.s32 $0xFFFFF000  }
0x6b: {  	v1 =	vld [tilespmem:s8+$0x5100];
	_ =	sdelay $0x7  }
0x6c: {  	[tilespmem:v1+s17+$0x0] =	vst.idx.add.f32.msk $0xffff, v0  }
0x6d: {  	v1 =	vld [tilespmem:s8+$0x5110];
	_ =	sdelay $0x7  }
0x6e: {  	[tilespmem:v1+s17+$0x0] =	vst.idx.add.f32.msk $0xffff, v0  }
0x6f: {  	v1 =	vld [tilespmem:s8+$0x5120];
	_ =	sdelay $0x7  }
0x70: {  	[tilespmem:v1+s17+$0x0] =	vst.idx.add.f32.msk $0xffff, v0  }
0x71: {  	v1 =	vld [tilespmem:s8+$0x5130];
	_ =	sdelay $0x7  }
0x72: {  	[tilespmem:v1+s17+$0x0] =	vst.idx.add.f32.msk $0xffff, v0  }
0x73: {  	v1 =	vld [tilespmem:s8+$0x5140];
	_ =	sdelay $0x7  }
0x74: {  	[tilespmem:v1+s17+$0x0] =	vst.idx.add.f32.msk $0xffff, v0  }
0x75: {  	v1 =	vld [tilespmem:s8+$0x5150];
	_ =	sdelay $0x7  }
0x76: {  	[tilespmem:v1+s17+$0x0] =	vst.idx.add.f32.msk $0xffff, v0  }
0x77: {  	v1 =	vld [tilespmem:s8+$0x5160];
	_ =	sdelay $0x7  }
0x78: {  	[tilespmem:v1+s17+$0x0] =	vst.idx.add.f32.msk $0xffff, v0  }
0x79: {  	v1 =	vld [tilespmem:s8+$0x5170];
	_ =	sdelay $0x7  }
0x7a: {  	s10 =	sadd.s32 $0x5100, s8;
	[tilespmem:v1+s17+$0x0] =	vst.idx.add.f32.msk $0xffff, v0  }
0x7b: {  	[spmem:s1] =	stream.indirect.scatter.add.bf16 [tilespmem:s22], [sflag:$0xB], $0x20, s10, s18, $0xb8;
	[tilespmem:$0x19560] =	vst v63  }
0x7c: {  	_ =	swait.ge [sflag:s28], $0x1000  }
0x7d: {  	[sflag:s28] =	ssyncset.done $0x0  }
0x7e: {  	[sflag:s28] =	ssyncadd.s32 $0xFFFFF000  }
0x7f: {  	v1 =	vld [tilespmem:s8+$0x5180];
	_ =	sdelay $0x7  }
0x80: {  	[tilespmem:v1+s17+$0x0] =	vst.idx.add.f32.msk $0xffff, v0  }
0x81: {  	v1 =	vld [tilespmem:s8+$0x5190];
	_ =	sdelay $0x7  }
0x82: {  	[tilespmem:v1+s17+$0x0] =	vst.idx.add.f32.msk $0xffff, v0  }
0x83: {  	v1 =	vld [tilespmem:s8+$0x51A0];
	_ =	sdelay $0x7  }
0x84: {  	[tilespmem:v1+s17+$0x0] =	vst.idx.add.f32.msk $0xffff, v0  }
0x85: {  	v1 =	vld [tilespmem:s8+$0x51B0];
	_ =	sdelay $0x7  }
0x86: {  	[tilespmem:v1+s17+$0x0] =	vst.idx.add.f32.msk $0xffff, v0  }
0x87: {  	v1 =	vld [tilespmem:s8+$0x51C0];
	_ =	sdelay $0x7  }
0x88: {  	[tilespmem:v1+s17+$0x0] =	vst.idx.add.f32.msk $0xffff, v0  }
0x89: {  	v1 =	vld [tilespmem:s8+$0x51D0];
	_ =	sdelay $0x7  }
0x8a: {  	[tilespmem:v1+s17+$0x0] =	vst.idx.add.f32.msk $0xffff, v0  }
0x8b: {  	v1 =	vld [tilespmem:s8+$0x51E0];
	_ =	sdelay $0x7  }
0x8c: {  	[tilespmem:v1+s17+$0x0] =	vst.idx.add.f32.msk $0xffff, v0  }
0x8d: {  	v1 =	vld [tilespmem:s8+$0x51F0];
	_ =	sdelay $0x7  }
0x8e: {  	s4 =	sadd.s32 $0x5180, s8;
	[tilespmem:v1+s17+$0x0] =	vst.idx.add.f32.msk $0xffff, v0  }
0x8f: {  	[spmem:s1] =	stream.indirect.scatter.add.bf16 [tilespmem:s24], [sflag:$0xC], $0x20, s4, s18, $0xb8;
	[tilespmem:$0x19560] =	vst v63  }
0x90: {  	_ =	swait.ge [sflag:s30], $0x1000  }
0x91: {  	[sflag:s30] =	ssyncset.done $0x0  }
0x92: {  	[sflag:s30] =	ssyncadd.s32 $0xFFFFF000  }
0x93: {  	v1 =	vld [tilespmem:s8+$0x5200];
	_ =	sdelay $0x7  }
0x94: {  	[tilespmem:v1+s17+$0x0] =	vst.idx.add.f32.msk $0xffff, v0  }
0x95: {  	v1 =	vld [tilespmem:s8+$0x5210];
	_ =	sdelay $0x7  }
0x96: {  	[tilespmem:v1+s17+$0x0] =	vst.idx.add.f32.msk $0xffff, v0  }
0x97: {  	v1 =	vld [tilespmem:s8+$0x5220];
	_ =	sdelay $0x7  }
0x98: {  	[tilespmem:v1+s17+$0x0] =	vst.idx.add.f32.msk $0xffff, v0  }
0x99: {  	v1 =	vld [tilespmem:s8+$0x5230];
	_ =	sdelay $0x7  }
0x9a: {  	[tilespmem:v1+s17+$0x0] =	vst.idx.add.f32.msk $0xffff, v0  }
0x9b: {  	v1 =	vld [tilespmem:s8+$0x5240];
	_ =	sdelay $0x7  }
0x9c: {  	[tilespmem:v1+s17+$0x0] =	vst.idx.add.f32.msk $0xffff, v0  }
0x9d: {  	v1 =	vld [tilespmem:s8+$0x5250];
	_ =	sdelay $0x7  }
0x9e: {  	[tilespmem:v1+s17+$0x0] =	vst.idx.add.f32.msk $0xffff, v0  }
0x9f: {  	v1 =	vld [tilespmem:s8+$0x5260];
	_ =	sdelay $0x7  }
0xa0: {  	[tilespmem:v1+s17+$0x0] =	vst.idx.add.f32.msk $0xffff, v0  }
0xa1: {  	v1 =	vld [tilespmem:s8+$0x5270];
	_ =	sdelay $0x7  }
0xa2: {  	s10 =	sadd.s32 $0x5200, s8;
	[tilespmem:v1+s17+$0x0] =	vst.idx.add.f32.msk $0xffff, v0  }
0xa3: {  	[spmem:s1] =	stream.indirect.scatter.add.bf16 [tilespmem:s26], [sflag:$0xD], $0x20, s10, s18, $0xb8;
	[tilespmem:$0x19560] =	vst v63  }
0xa4: {  	_ =	swait.ge [sflag:s0], $0x1000  }
0xa5: {  	[sflag:s0] =	ssyncset.done $0x0  }
0xa6: {  	[sflag:s0] =	ssyncadd.s32 $0xFFFFF000  }
0xa7: {  	v1 =	vld [tilespmem:s8+$0x5280];
	_ =	sdelay $0x7  }
0xa8: {  	[tilespmem:v1+s17+$0x0] =	vst.idx.add.f32.msk $0xffff, v0  }
0xa9: {  	v1 =	vld [tilespmem:s8+$0x5290];
	_ =	sdelay $0x7  }
0xaa: {  	[tilespmem:v1+s17+$0x0] =	vst.idx.add.f32.msk $0xffff, v0  }
0xab: {  	v1 =	vld [tilespmem:s8+$0x52A0];
	_ =	sdelay $0x7  }
0xac: {  	[tilespmem:v1+s17+$0x0] =	vst.idx.add.f32.msk $0xffff, v0  }
0xad: {  	v1 =	vld [tilespmem:s8+$0x52B0];
	_ =	sdelay $0x7  }
0xae: {  	[tilespmem:v1+s17+$0x0] =	vst.idx.add.f32.msk $0xffff, v0  }
0xaf: {  	v1 =	vld [tilespmem:s8+$0x52C0];
	_ =	sdelay $0x7  }
0xb0: {  	[tilespmem:v1+s17+$0x0] =	vst.idx.add.f32.msk $0xffff, v0  }
0xb1: {  	v1 =	vld [tilespmem:s8+$0x52D0];
	_ =	sdelay $0x7  }
0xb2: {  	[tilespmem:v1+s17+$0x0] =	vst.idx.add.f32.msk $0xffff, v0  }
0xb3: {  	v1 =	vld [tilespmem:s8+$0x52E0];
	_ =	sdelay $0x7  }
0xb4: {  	[tilespmem:v1+s17+$0x0] =	vst.idx.add.f32.msk $0xffff, v0  }
0xb5: {  	v1 =	vld [tilespmem:s8+$0x52F0];
	_ =	sdelay $0x7  }
0xb6: {  	s4 =	sadd.s32 $0x5280, s8;
	[tilespmem:v1+s17+$0x0] =	vst.idx.add.f32.msk $0xffff, v0  }
0xb7: {  	[spmem:s1] =	stream.indirect.scatter.add.bf16 [tilespmem:s29], [sflag:$0xE], $0x20, s4, s18, $0xb8;
	[tilespmem:$0x19560] =	vst v63  }
0xb8: {  	_ =	swait.ge [sflag:s5], $0x1000  }
0xb9: {  	[sflag:s5] =	ssyncset.done $0x0  }
0xba: {  	[sflag:s5] =	ssyncadd.s32 $0xFFFFF000  }
0xbb: {  	v1 =	vld [tilespmem:s8+$0x5300];
	_ =	sdelay $0x7  }
0xbc: {  	[tilespmem:v1+s17+$0x0] =	vst.idx.add.f32.msk $0xffff, v0  }
0xbd: {  	v1 =	vld [tilespmem:s8+$0x5310];
	_ =	sdelay $0x7  }
0xbe: {  	[tilespmem:v1+s17+$0x0] =	vst.idx.add.f32.msk $0xffff, v0  }
0xbf: {  	v1 =	vld [tilespmem:s8+$0x5320];
	_ =	sdelay $0x7  }
0xc0: {  	[tilespmem:v1+s17+$0x0] =	vst.idx.add.f32.msk $0xffff, v0  }
0xc1: {  	v1 =	vld [tilespmem:s8+$0x5330];
	_ =	sdelay $0x7  }
0xc2: {  	[tilespmem:v1+s17+$0x0] =	vst.idx.add.f32.msk $0xffff, v0  }
0xc3: {  	v1 =	vld [tilespmem:s8+$0x5340];
	_ =	sdelay $0x7  }
0xc4: {  	[tilespmem:v1+s17+$0x0] =	vst.idx.add.f32.msk $0xffff, v0  }
0xc5: {  	v1 =	vld [tilespmem:s8+$0x5350];
	_ =	sdelay $0x7  }
0xc6: {  	[tilespmem:v1+s17+$0x0] =	vst.idx.add.f32.msk $0xffff, v0  }
0xc7: {  	v1 =	vld [tilespmem:s8+$0x5360];
	_ =	sdelay $0x7  }
0xc8: {  	[tilespmem:v1+s17+$0x0] =	vst.idx.add.f32.msk $0xffff, v0  }
0xc9: {  	v1 =	vld [tilespmem:s8+$0x5370];
	_ =	sdelay $0x7  }
0xca: {  	s10 =	sadd.s32 $0x5300, s8;
	[tilespmem:v1+s17+$0x0] =	vst.idx.add.f32.msk $0xffff, v0  }
0xcb: {  	[spmem:s1] =	stream.indirect.scatter.add.bf16 [tilespmem:s31], [sflag:$0xF], $0x20, s10, s18, $0xb8;
	[tilespmem:$0x19560] =	vst v63  }
0xcc: {  	_ =	swait.ge [sflag:s7], $0x1000  }
0xcd: {  	[sflag:s7] =	ssyncset.done $0x0  }
0xce: {  	[sflag:s7] =	ssyncadd.s32 $0xFFFFF000  }
0xcf: {  	v1 =	vld [tilespmem:s8+$0x5380];
	_ =	sdelay $0x7  }
0xd0: {  	[tilespmem:v1+s17+$0x0] =	vst.idx.add.f32.msk $0xffff, v0  }
0xd1: {  	v1 =	vld [tilespmem:s8+$0x5390];
	_ =	sdelay $0x7  }
0xd2: {  	[tilespmem:v1+s17+$0x0] =	vst.idx.add.f32.msk $0xffff, v0  }
0xd3: {  	v1 =	vld [tilespmem:s8+$0x53A0];
	_ =	sdelay $0x7  }
0xd4: {  	[tilespmem:v1+s17+$0x0] =	vst.idx.add.f32.msk $0xffff, v0  }
0xd5: {  	v1 =	vld [tilespmem:s8+$0x53B0];
	_ =	sdelay $0x7  }
0xd6: {  	[tilespmem:v1+s17+$0x0] =	vst.idx.add.f32.msk $0xffff, v0  }
0xd7: {  	v1 =	vld [tilespmem:s8+$0x53C0];
	_ =	sdelay $0x7  }
0xd8: {  	[tilespmem:v1+s17+$0x0] =	vst.idx.add.f32.msk $0xffff, v0  }
0xd9: {  	v1 =	vld [tilespmem:s8+$0x53D0];
	_ =	sdelay $0x7  }
0xda: {  	[tilespmem:v1+s17+$0x0] =	vst.idx.add.f32.msk $0xffff, v0  }
0xdb: {  	v1 =	vld [tilespmem:s8+$0x53E0];
	_ =	sdelay $0x7  }
0xdc: {  	[tilespmem:v1+s17+$0x0] =	vst.idx.add.f32.msk $0xffff, v0  }
0xdd: {  	v1 =	vld [tilespmem:s8+$0x53F0];
	_ =	sdelay $0x7  }
0xde: {  	p1 =	seq.s32 s12, $0x13000;
	s8 =	sadd.s32 $0x5380, s8;
	[tilespmem:v1+s17+$0x0] =	vst.idx.add.f32.msk $0xffff, v0  }
0xdf: {  	[spmem:s1] =	stream.indirect.scatter.add.bf16 [tilespmem:s16], [sflag:$0x10], $0x20, s8, s18, $0xb8;
	[tilespmem:$0x19560] =	vst v63  }
0xe0: {  	s8 =	simm.s32 @!p1 $0x9  }
0xe1: {  	_ =	swait.ge @!p1 [sflag:s8], $0x1000  }
0xe2: {  	[sflag:s8] =	ssyncset.done @!p1 $0x0  }
0xe3: {  	[sflag:s8] =	ssyncadd.s32 @!p1 $0xFFFFF000;
	s8 =	sshra.s32 @!p1 s12, $0x2  }
0xe4: {  	s4 =	simm.s32 @!p1 $0xEE40;
	s10 =	simm.s32 @!p1 $0x80;
	s9 =	sadd.s32 @!p1 $0x400, s8  }
0xe5: {  	[tilespmem:s4], [sflag:$0x1] =	stream.indirect.gather @!p1 [hbm4b:s3+s10], $0x20, s9, s10, $0xb8;
	[tilespmem:$0x19560] =	vst v63  }
0xe6: {  	s4 =	simm.s32 @!p1 $0xA  }
0xe7: {  	_ =	swait.ge @!p1 [sflag:s4], $0x1000  }
0xe8: {  	[sflag:s4] =	ssyncset.done @!p1 $0x0  }
0xe9: {  	s9 =	simm.s32 @!p1 $0xFE40;
	[sflag:s4] =	ssyncadd.s32 @!p1 $0xFFFFF000;
	s4 =	sadd.s32 @!p1 $0x480, s8  }
0xea: {  	[tilespmem:s9], [sflag:$0x2] =	stream.indirect.gather @!p1 [hbm4b:s3+s10], $0x20, s4, s10, $0xb8;
	[tilespmem:$0x19560] =	vst v63  }
0xeb: {  	s4 =	simm.s32 @!p1 $0xB  }
0xec: {  	_ =	swait.ge @!p1 [sflag:s4], $0x1000  }
0xed: {  	[sflag:s4] =	ssyncset.done @!p1 $0x0  }
0xee: {  	s9 =	simm.s32 @!p1 $0x10E40;
	[sflag:s4] =	ssyncadd.s32 @!p1 $0xFFFFF000;
	s4 =	sadd.s32 @!p1 $0x500, s8  }
0xef: {  	[tilespmem:s9], [sflag:$0x3] =	stream.indirect.gather @!p1 [hbm4b:s3+s10], $0x20, s4, s10, $0xb8;
	[tilespmem:$0x19560] =	vst v63  }
0xf0: {  	s4 =	simm.s32 @!p1 $0xC  }
0xf1: {  	_ =	swait.ge @!p1 [sflag:s4], $0x1000  }
0xf2: {  	[sflag:s4] =	ssyncset.done @!p1 $0x0  }
0xf3: {  	s9 =	simm.s32 @!p1 $0x11E40;
	[sflag:s4] =	ssyncadd.s32 @!p1 $0xFFFFF000;
	s4 =	sadd.s32 @!p1 $0x580, s8  }
0xf4: {  	[tilespmem:s9], [sflag:$0x4] =	stream.indirect.gather @!p1 [hbm4b:s3+s10], $0x20, s4, s10, $0xb8;
	[tilespmem:$0x19560] =	vst v63  }
0xf5: {  	s4 =	simm.s32 @!p1 $0xD  }
0xf6: {  	_ =	swait.ge @!p1 [sflag:s4], $0x1000  }
0xf7: {  	[sflag:s4] =	ssyncset.done @!p1 $0x0  }
0xf8: {  	s9 =	simm.s32 @!p1 $0x12E40;
	[sflag:s4] =	ssyncadd.s32 @!p1 $0xFFFFF000;
	s4 =	sadd.s32 @!p1 $0x600, s8  }
0xf9: {  	[tilespmem:s9], [sflag:$0x5] =	stream.indirect.gather @!p1 [hbm4b:s3+s10], $0x20, s4, s10, $0xb8;
	[tilespmem:$0x19560] =	vst v63  }
0xfa: {  	s4 =	simm.s32 @!p1 $0xE  }
0xfb: {  	_ =	swait.ge @!p1 [sflag:s4], $0x1000  }
0xfc: {  	[sflag:s4] =	ssyncset.done @!p1 $0x0  }
0xfd: {  	s9 =	simm.s32 @!p1 $0x13E40;
	[sflag:s4] =	ssyncadd.s32 @!p1 $0xFFFFF000;
	s4 =	sadd.s32 @!p1 $0x680, s8  }
0xfe: {  	[tilespmem:s9], [sflag:$0x6] =	stream.indirect.gather @!p1 [hbm4b:s3+s10], $0x20, s4, s10, $0xb8;
	[tilespmem:$0x19560] =	vst v63  }
0xff: {  	s4 =	simm.s32 @!p1 $0xF  }
0x100: {  	_ =	swait.ge @!p1 [sflag:s4], $0x1000  }
0x101: {  	[sflag:s4] =	ssyncset.done @!p1 $0x0  }
0x102: {  	s9 =	simm.s32 @!p1 $0x14E40;
	[sflag:s4] =	ssyncadd.s32 @!p1 $0xFFFFF000;
	s4 =	sadd.s32 @!p1 $0x700, s8  }
0x103: {  	[tilespmem:s9], [sflag:$0x7] =	stream.indirect.gather @!p1 [hbm4b:s3+s10], $0x20, s4, s10, $0xb8;
	[tilespmem:$0x19560] =	vst v63  }
0x104: {  	s4 =	simm.s32 @!p1 $0x10  }
0x105: {  	s12 =	sadd.s32 @!p1 $0x1000, s12;
	_ =	swait.ge @!p1 [sflag:s4], $0x1000  }
0x106: {  	p2 =	sne.s32 @!p1 s12, $0x14000;
	[sflag:s4] =	ssyncset.done @!p1 $0x0  }
0x107: {  	[sflag:s4] =	ssyncadd.s32 @!p1 $0xFFFFF000;
	s4 =	sadd.s32 @!p1 $0x780, s8;
	s8 =	simm.s32 @!p1 $0x15E40  }
0x108: {  	[tilespmem:s8], [sflag:$0x8] =	stream.indirect.gather @!p1 [hbm4b:s3+s10], $0x20, s4, s10, $0xb8;
	[tilespmem:$0x19560] =	vst v63  }
0x109: {  	p1 =	por p1, !p2  }
.Ltmp0:
0x10a: {  	_ = 	snop;
	(pc) =	sbr.rel @!p1 .LBB2_2-.Ltmp0, $1  }
0x10b: {  	_ =	sdelay $0x3  }
0x10c: {  	s4 =	simm.s32 $0x9  }
0x10d: {  	_ =	swait.ge [sflag:s4], $0x1000  }
0x10e: {  	[sflag:s4] =	ssyncset.done $0x0  }
0x10f: {  	s12 =	simm.s32 $0xA;
	[sflag:s4] =	ssyncadd.s32 $0xFFFFF000  }
0x110: {  	_ =	swait.ge [sflag:s12], $0x1000  }
0x111: {  	[sflag:s12] =	ssyncset.done $0x0  }
0x112: {  	s8 =	simm.s32 $0xB;
	[sflag:s12] =	ssyncadd.s32 $0xFFFFF000  }
0x113: {  	_ =	swait.ge [sflag:s8], $0x1000  }
0x114: {  	[sflag:s8] =	ssyncset.done $0x0  }
0x115: {  	s9 =	simm.s32 $0xC;
	[sflag:s8] =	ssyncadd.s32 $0xFFFFF000  }
0x116: {  	_ =	swait.ge [sflag:s9], $0x1000  }
0x117: {  	[sflag:s9] =	ssyncset.done $0x0  }
0x118: {  	s10 =	simm.s32 $0xD;
	[sflag:s9] =	ssyncadd.s32 $0xFFFFF000  }
0x119: {  	_ =	swait.ge [sflag:s10], $0x1000  }
0x11a: {  	[sflag:s10] =	ssyncset.done $0x0  }
0x11b: {  	s12 =	simm.s32 $0xE;
	[sflag:s10] =	ssyncadd.s32 $0xFFFFF000  }
0x11c: {  	_ =	swait.ge [sflag:s12], $0x1000  }
0x11d: {  	[sflag:s12] =	ssyncset.done $0x0  }
0x11e: {  	s8 =	simm.s32 $0xF;
	[sflag:s12] =	ssyncadd.s32 $0xFFFFF000  }
0x11f: {  	_ =	swait.ge [sflag:s8], $0x1000  }
0x120: {  	[sflag:s8] =	ssyncset.done $0x0  }
0x121: {  	s9 =	simm.s32 $0x10;
	[sflag:s8] =	ssyncadd.s32 $0xFFFFF000  }
0x122: {  	_ =	swait.ge [sflag:s9], $0x1000  }
0x123: {  	[sflag:s9] =	ssyncset.done $0x0  }
0x124: {  	s10 =	rddreg [dreg:$0x8];
	[sflag:s9] =	ssyncadd.s32 $0xFFFFF000  }
0x125: {  	[hbm4b:s10+s2] =	stream.linear.scatter [tilespmem:s17], [sflag:$0x11], $0x2720, $0x38;
	[tilespmem:$0x19560] =	vst v63  }
0x126: {  	_ =	swait.ge [sflag:s14], $0x2720  }
0x127: {  	[sflag:s14] =	ssyncset.done $0x0  }
0x128: {  	[sflag:s14] =	ssyncadd.s32 $0xFFFFD8E0  }
0x129: {  	[bflag:$0x0] =	sbarrier.arrive $0xFFFF  }
0x12a: {  	s12 =	rddreg [dreg:$0x9]  }
0x12b: {  	[hbm:s12], [sflag:s6] =	dma.local [spmem:s13], $0x9C0  }
0x12c: {  	_ =	swait.ge [sflag:s14], $0x9C0  }
0x12d: {  	[sflag:s14] =	ssyncset.done $0x0  }
0x12e: {  	s4 =	rddreg [dreg:$0xa];
	[sflag:s14] =	ssyncadd.s32 $0xFFFFF640  }
0x12f: {  	[hbm:s4], [sflag:s6] =	dma.local @!p0 [spmem:s15], $0x80  }
0x130: {  	s4 =	simm.s32 @!p0 $0x11  }
0x131: {  	_ =	swait.ge @!p0 [sflag:s4], $0x80  }
0x132: {  	s11 =	sadd.s32 $0x1, s11;
	s8 =	rddreg [dreg:$0xb]  }
0x133: {  	p1 =	sne.s32 s11, s8  }
.Ltmp1:
0x134: {  	_ = 	snop;
	(pc) =	sbr.rel @p1 .LBB2_1-.Ltmp1, $3  }
0x135: {  	_ =	sdelay $0x1  }
0x136: {  	[sflag:s4] =	ssyncset.done @!p0 $0x0  }
0x137: {  	[sflag:s4] =	ssyncadd.s32 @!p0 $0xFFFFFF80  }
0x138: {  	_ =	sfence.sel $0x180000  }
0x139: {  	[bflag:$0x0] =	sbarrier.arrive $0xFFFF  }
0x13a: {  	_ =	strace $0x90000047  }
0x13b: {  	[bflag:$0x2] =	sbarrier.arrive $0xFFFF  }
0x13c: {  	s0 =	rddreg [dreg:$0x3]  }
0x13d: {  	s0 =	sadd.s32 @!p0 $0x100000, s0  }
0x13e: {  	[sflag:s0] =	ssyncadd.tile.s32 @!p0 $0x1;
	_ =	shalt  }
.Lfunc_end2:
_tile_overlayer_lowered:
.L_overlay_start_2:
0x13f: {  	(tag) =	ssettag $0x2  }
0x140: {  	s0 =	rddreg [dreg:$0x0];
	s2 =	stileid.u32  }
0x141: {  	s1 =	rddreg [dreg:$0x1];
	p0 =	sne.s32 s2, $0x0  }
0x142: {  	s3 =	rddreg [dreg:$0x2];
	[bflag:$0x3] =	sbarrier.arrive $0xFFFF;
	s2 =	simm.s32 @!p0 $0x1C11  }
0x143: {  	[timem:s3], [sflag:s2] =	dma.local @!p0 [hbm:s0], s1  }
0x144: {  	s0 =	simm.s32 @!p0 $0x11  }
0x145: {  	_ =	swait.ge @!p0 [sflag:s0], s1  }
0x146: {  	s1 =	ssub.s32 @!p0 $0x0, s1;
	[sflag:s0] =	ssyncset.done @!p0 $0x0  }
0x147: {  	[sflag:s0] =	ssyncadd.s32 @!p0 s1  }
0x148: {  	[bflag:$0x3] =	sbarrier.arrive $0xFFFF  }
0x149: {  	_ =	shalt  }

// kernel: kernel.9.cloned.1.call-start
scs
__scs_entry_jumppad:
0x0: {  	(pc) =	sbr.rel $0x88, $3  }
0x1: {  	(tag) =	ssettag $0x0;
	lr =	simm.s32 $0x1  }
0x2: {  	[smem:$0x3F99] =	sst lr;
	_ =	strace $0xD0000000  }
0x3: {  	_ = 	snop  }
0x4: {  	_ = 	snop  }
0x5: {  	_ = 	snop  }
0x6: {  	_ = 	snop  }
0x7: {  	_ = 	snop  }
__scs_overlays_trampoline_lowered:
0x8: {  	[smem:$0x3FA8] =	sst s0  }
0x9: {  	[smem:$0x3FA9] =	sst s1  }
0xa: {  	[smem:$0x3FAA] =	sst s2  }
0xb: {  	[smem:$0x3FAB] =	sst s3  }
0xc: {  	[smem:$0x3FAC] =	sst s4  }
0xd: {  	[smem:$0x3FAD] =	sst s5  }
0xe: {  	[smem:$0x3FAE] =	sst s6  }
0xf: {  	[smem:$0x3FAF] =	sst s7  }
0x10: {  	[smem:$0x3FB0] =	sst s8  }
0x11: {  	[smem:$0x3FB1] =	sst s9;
	s0 =	simm.s32 @!p0 $0x0  }
0x12: {  	s1 =	sld [smem:$0x3F97];
	s0 =	simm.s32 @p0 $0x1  }
0x13: {  	[smem:$0x3FB2] =	sst s0;
	s0 =	simm.s32 @!p1 $0x0  }
0x14: {  	s2 =	sld [smem:$0x3F96];
	s0 =	simm.s32 @p1 $0x1  }
0x15: {  	[smem:$0x3FB3] =	sst s0;
	s0 =	simm.s32 @!p2 $0x0  }
0x16: {  	s3 =	sld [smem:$0x3FDB];
	s0 =	simm.s32 @p2 $0x1  }
0x17: {  	s4 =	simm.s32 $0x1BF5;
	[smem:$0x3FB5] =	sst s0  }
0x18: {  	s0 =	sld [smem:$0x3F98];
	_ =	swait.ge [sflag:s4], $0x0  }
0x19: {  	s7 =	sld [smem:$0x3F99]  }
0x1a: {  	s8 =	sadd.s32 $0xFFFFE003, lr  }
0x1b: {  	s9 =	sadd.s32 $0xFFFFFEF7, lr;
	s5 =	simm.s32 $0xFFFFFFFF;
	p2 =	slt.u32 s8, $0xFFFFF086  }
0x1c: {  	p1 =	slt.u32 s9, $0xF7A;
	s5 =	simm.s32 @!p2 $0x0  }
0x1d: {  	s5 =	simm.s32 @p1 $0x1;
	p0 =	seq.s32 s7, s2  }
0x1e: {  	s7 =	smul.u32 @!p0 $0xF7A, s2;
	p2 =	seq.s32 @!p0 s5, $0x0  }
0x1f: {  	s9 =	smul.u32 $0xF7A, s1;
	s8 =	simm.s32 @!p0 $0x1BF5;
	p2 =	por !p2, p0  }
0x20: {  	[sflag:s8] =	ssyncset.s32 @!p0 $0xFFFFF086;
	s6 =	sadd.s32 @!p0 s3, s7;
	s7 =	simm.s32 @!p0 $0x108  }
0x21: {  	s3 =	sadd.s32 s3, s9;
	s6 =	sadd.s32 @!p0 $0x88, s6;
	s7 =	simm.s32 @p2 $0x1082  }
0x22: {  	[simem:s7], [sflag:s8] =	dma.local @!p0 [hbm:s6], $0xF7A  }
0x23: {  	s9 =	sor.u32 $0xD0000000, s2;
	s6 =	simm.s32 $0x108;
	_ =	swait.ge @!p0 [sflag:s8], $0x0  }
0x24: {  	s3 =	sadd.s32 $0x88, s3;
	s6 =	simm.s32 @!p1 $0x1082;
	[sflag:s4] =	ssyncset.s32 $0xFFFFF086  }
0x25: {  	[simem:s6], [sflag:s4] =	dma.local [hbm:s3], $0xF7A  }
0x26: {  	[smem:$0x3F99] =	sst s1;
	(tag) =	ssettag s2;
	_ =	strace s9  }
0x27: {  	s1 =	sld [smem:$0x3FA9]  }
0x28: {  	s2 =	sld [smem:$0x3FAA]  }
0x29: {  	s4 =	sld [smem:$0x3FAC]  }
0x2a: {  	p0 =	seq.s32 s5, $0x0;
	s5 =	sld [smem:$0x3FAD]  }
0x2b: {  	s6 =	sld [smem:$0x3FAE]  }
0x2c: {  	s7 =	sld [smem:$0x3FAF]  }
0x2d: {  	s3 =	simm.s32 $0x108;
	s8 =	sld [smem:$0x3FB0]  }
0x2e: {  	s3 =	simm.s32 @!p0 $0x1082;
	s9 =	sld [smem:$0x3FB1]  }
0x2f: {  	lr =	sadd.s32 s0, s3;
	s0 =	sld [smem:$0x3FA8]  }
0x30: {  	s3 =	sld [smem:$0x3FAB]  }
0x31: {  	[smem:$0x3FB4] =	sst s10  }
0x32: {  	s10 =	sld [smem:$0x3FB2];
	_ =	sdelay $0x3  }
0x33: {  	p0 =	seq.s32 s10, $0x1;
	s10 =	sld [smem:$0x3FB4];
	_ =	sdelay $0x3  }
0x34: {  	[smem:$0x3FB4] =	sst s10  }
0x35: {  	s10 =	sld [smem:$0x3FB3];
	_ =	sdelay $0x3  }
0x36: {  	p1 =	seq.s32 s10, $0x1;
	s10 =	sld [smem:$0x3FB4];
	_ =	sdelay $0x3  }
0x37: {  	[smem:$0x3FB4] =	sst s10  }
0x38: {  	s10 =	sld [smem:$0x3FB5]  }
0x39: {  	_ = 	snop;
	(pc) =	sbr.ind lr, $3  }
0x3a: {  	_ = 	snop  }
0x3b: {  	_ = 	snop  }
0x3c: {  	p2 =	seq.s32 s10, $0x1;
	s10 =	sld [smem:$0x3FB4]  }
0x3d: {  	_ =	shalt  }
0x3e: {  	_ =	shalt  }
0x3f: {  	_ =	shalt  }
0x40: {  	_ =	shalt  }
0x41: {  	_ =	shalt  }
0x42: {  	_ =	shalt  }
0x43: {  	_ =	shalt  }
0x44: {  	_ =	shalt  }
0x45: {  	_ =	shalt  }
0x46: {  	_ =	shalt  }
0x47: {  	_ =	shalt  }
0x48: {  	_ =	shalt  }
0x49: {  	_ =	shalt  }
0x4a: {  	_ =	shalt  }
0x4b: {  	_ =	shalt  }
0x4c: {  	_ =	shalt  }
0x4d: {  	_ =	shalt  }
0x4e: {  	_ =	shalt  }
0x4f: {  	_ =	shalt  }
0x50: {  	_ =	shalt  }
0x51: {  	_ =	shalt  }
0x52: {  	_ =	shalt  }
0x53: {  	_ =	shalt  }
0x54: {  	_ =	shalt  }
0x55: {  	_ =	shalt  }
0x56: {  	_ =	shalt  }
0x57: {  	_ =	shalt  }
0x58: {  	_ =	shalt  }
0x59: {  	_ =	shalt  }
0x5a: {  	_ =	shalt  }
0x5b: {  	_ =	shalt  }
0x5c: {  	_ =	shalt  }
0x5d: {  	_ =	shalt  }
0x5e: {  	_ =	shalt  }
0x5f: {  	_ =	shalt  }
0x60: {  	_ =	shalt  }
0x61: {  	_ =	shalt  }
0x62: {  	_ =	shalt  }
0x63: {  	_ =	shalt  }
0x64: {  	_ =	shalt  }
0x65: {  	_ =	shalt  }
0x66: {  	_ =	shalt  }
0x67: {  	_ =	shalt  }
0x68: {  	_ =	shalt  }
0x69: {  	_ =	shalt  }
0x6a: {  	_ =	shalt  }
0x6b: {  	_ =	shalt  }
0x6c: {  	_ =	shalt  }
0x6d: {  	_ =	shalt  }
0x6e: {  	_ =	shalt  }
0x6f: {  	_ =	shalt  }
0x70: {  	_ =	shalt  }
0x71: {  	_ =	shalt  }
0x72: {  	_ =	shalt  }
0x73: {  	_ =	shalt  }
0x74: {  	_ =	shalt  }
0x75: {  	_ =	shalt  }
0x76: {  	_ =	shalt  }
0x77: {  	_ =	shalt  }
0x78: {  	_ =	shalt  }
0x79: {  	_ =	shalt  }
0x7a: {  	_ =	shalt  }
0x7b: {  	_ =	shalt  }
0x7c: {  	_ =	shalt  }
0x7d: {  	_ =	shalt  }
0x7e: {  	_ =	shalt  }
0x7f: {  	_ =	shalt  }
0x80: {  	_ =	shalt  }
0x81: {  	_ =	shalt  }
0x82: {  	_ =	shalt  }
0x83: {  	_ =	shalt  }
0x84: {  	_ =	shalt  }
0x85: {  	_ =	shalt  }
0x86: {  	_ =	shalt  }
0x87: {  	_ =	shalt  }
.Lfunc_end0:
.L_simem_size_0:
called_computation.1_lowered:
.L_overlay_start_0:
0x88: {  	s2 =	sld [smem:$0x3FD9]  }
0x89: {  	s3 =	sld [smem:$0x3FFE];
	_ =	sdelay $0x1  }
0x8a: {  	s1 =	srdreg.scid  }
0x8b: {  	s0 =	sand.u32 $0x1, s1  }
0x8c: {  	s16 =	sshll.u32 s0, $0xA;
	s2 =	sadd.s32 s3, s2  }
0x8d: {  	s2 =	sadd.s32 s2, s16  }
0x8e: {  	[smem:$0x3FC0] =	sst s2  }
0x8f: {  	_ = 	snop  }
0x90: {  	(tm) =	ssettm $0x1  }
0x91: {  	s17 =	sld [smem:$0x3FFB];
	_ =	sdelay $0x3  }
0x92: {  	_ =	strace s17  }
0x93: {  	s2 =	sld [smem:$0x3FFC];
	_ =	sdelay $0x3  }
0x94: {  	_ =	strace s2  }
0x95: {  	s2 =	sld [smem:$0x3FFD];
	_ =	sdelay $0x3  }
0x96: {  	_ =	strace s2  }
0x97: {  	_ =	strace $0x8FFFFFFF  }
0x98: {  	s18 =	sld [smem:$0x3FDB];
	_ =	sdelay $0x1  }
0x99: {  	s19 =	simm.s32 $_scs_section_size  }
0x9a: {  	s4 =	simm.s32 $_size__tile_overlayer_lowered;
	s5 =	simm.s32 $_tile_overlayer_lowered  }
0x9b: {  	s22 =	simm.s32 $0x1BFF;
	s21 =	sshll.u32 s5, $0x1;
	s2 =	sadd.s32 s19, s18  }
0x9c: {  	s6 =	simm.s32 $0x0;
	s20 =	sshll.u32 s4, $0x1;
	s4 =	sadd.s32 s21, s2  }
0x9d: {  	[timem:s6], [sflag:s22] =	dma.local [hbm:s4], s20  }
0x9e: {  	_ =	swait.ge [sflag:s22], s20  }
0x9f: {  	s3 =	ssub.s32 $0x0, s20;
	[sflag:s22] =	ssyncset.done $0x0  }
0xa0: {  	[sflag:s22] =	ssyncadd.s32 s3;
	_ =	sdelay $0x1  }
0xa1: {  	s23 =	simm.s32 $0x1B8B  }
0xa2: {  	_ =	swait.ge [sflag:s23], $0x1  }
0xa3: {  	[sflag:s23] =	ssyncset.done $0x0  }
0xa4: {  	s25 =	simm.s32 $0x1B8E;
	s24 =	sld [smem:$0x3FFE];
	[sflag:s23] =	ssyncadd.s32 $0xFFFFFFFF  }
0xa5: {  	s26 =	simm.s32 $execute0_lowered;
	[smem:$0x3FD2] =	sst s25  }
0xa6: {  	s4 =	sshll.u32 s26, $0x1;
	_ =	strace $0x80000049;
	[dreg:$0x1] =	wrdreg $0xFFFFFFFF  }
0xa7: {  	s28 =	simm.s32 $_size_execute0_lowered;
	s2 =	sadd.s32 s2, s4;
	[dreg:$0x0] =	wrdreg $0x0  }
0xa8: {  	s4 =	sshll.u32 s28, $0x1;
	[dreg:$0x2] =	wrdreg s2  }
0xa9: {  	[dreg:$0x3] =	wrdreg s4  }
0xaa: {  	[dreg:$0x4] =	wrdreg $0xC0  }
0xab: {  	_ =	task [dreg:s6], $0x5FFFF  }
0xac: {  	[dreg:$0x1] =	wrdreg $0xFFFFFFFF  }
0xad: {  	[dreg:$0x0] =	wrdreg $0x60  }
0xae: {  	[dreg:$0x2] =	wrdreg s24  }
0xaf: {  	[dreg:$0x3] =	wrdreg $0xA0000  }
0xb0: {  	[dreg:$0x4] =	wrdreg $0x9  }
0xb1: {  	_ =	task.clear_ibuf [dreg:s6], $0x5FFFF;
	_ =	strace $0x90000049  }
0xb2: {  	s29 =	simm.s32 $0x9;
	_ =	strace $0x8000004B  }
0xb3: {  	_ =	swait.ge [sflag:s29], $0x1  }
0xb4: {  	[sflag:s29] =	ssyncadd.s32 $0xFFFFFFFF  }
0xb5: {  	_ =	strace $0x9000004B  }
0xb6: {  	_ =	sfence  }
0xb7: {  	s30 =	sld [smem:$0x0];
	_ =	sdelay $0x2  }
0xb8: {  	s31 =	sshll.u32 s1, $0xD;
	s1 =	sshrl.u32 s1, $0x2  }
0xb9: {  	s3 =	sand.u32 $0x4000, s31;
	s1 =	sadd.s32 s1, s30  }
0xba: {  	s0 =	sor.u32 s3, s0;
	s1 =	sshll.u32 s1, $0x11  }
0xbb: {  	s0 =	sor.u32 s1, s0  }
0xbc: {  	s0 =	sadd.s32 $0x8F2B, s0  }
0xbd: {  	[sflag:s0] =	ssyncadd.remote.s32 $0x1  }
0xbe: {  	_ =	sfence.sel $0xFFFF  }
0xbf: {  	[dreg:$0x0] =	wrdreg $0xFFFFFFFF;
	(pc) =	sbr.abs _section_cstart, $3  }
0xc0: {  	[dreg:$0x1] =	wrdreg $0xFFFFFFFF  }
0xc1: {  	_ =	task.clear_ibuf [dreg:s6], $0x2FFFF;
	_ =	strace $0x9FFFFFFF  }
0xc2: {  	(tm) =	ssettm $0x7FFFFFFF  }
0xc3: {  	_ =	shalt  }
tec
execute0_lowered:
.L_overlay_start_1:
0x0: {  	(tag) =	ssettag $0x1  }
0x1: {  	s0 =	rddreg [dreg:$0x0]  }
0x2: {  	s2 =	srdreg.scid;
	s4 =	stileid.u32  }
0x3: {  	s1 =	rddreg [dreg:$0x1];
	s6 =	simm.s32 $0x0;
	s15 =	simm.s32 $0x80  }
0x4: {  	s16 =	simm.s32 $0xEE40;
	s17 =	simm.s32 $0xFE40;
	s19 =	simm.s32 $0x10E40  }
0x5: {  	s28 =	simm.s32 $0x14E40;
	s30 =	simm.s32 $0x15E40;
	s31 =	simm.s32 $0x1  }
0x6: {  	s14 =	simm.s32 $0x3;
	s18 =	simm.s32 $0x4;
	s5 =	smul.u32 $0x5000, s4  }
0x7: {  	s29 =	simm.s32 $0x9;
	s2 =	sand.u32 $0x1, s2;
	s9 =	smul.u32 $0x13800, s4  }
0x8: {  	[smem:$0x7FF] =	sst s6;
	s8 =	sadd.s32 $0x2A200, s0;
	s22 =	smul.u32 $0x9C0, s4  }
0x9: {  	s10 =	sshll.u32 s4, $0x6;
	p0 =	sne.s32 s4, $0x0;
	s4 =	simm.s32 $0x10  }
0xa: {  	s3 =	smul.u32 $0x50000, s2;
	_ =	strace $0x8000004A;
	s7 =	ssub.s32 $0x2, s2  }
0xb: {  	[dreg:$0x3] =	wrdreg s8;
	s11 =	smul.u32 $0x9C800, s2;
	s12 =	sor.u32 $0x1C11, s10  }
0xc: {  	s2 =	smul.u32 $0x9C80, s2;
	s10 =	sadd.s32 $0x4E000, s1;
	s8 =	simm.s32 $0xC  }
0xd: {  	s21 =	sshrl.u32 s7, $0x1;
	s9 =	sshrl.u32 s9, $0x2;
	[dreg:$0x4] =	wrdreg s12  }
0xe: {  	s20 =	sadd.s32 s5, s3;
	s3 =	sadd.s32 $0x16800, s0;
	s5 =	sshrl.u32 s5, $0x3  }
0xf: {  	s7 =	ssub.s32 s7, s21;
	s9 =	sadd.s32 s9, s1;
	s23 =	sshrl.u32 s11, $0x4  }
0x10: {  	s2 =	sadd.s32 s22, s2;
	s11 =	simm.s32 $0x11;
	s21 =	simm.s32 $0x11E40  }
0x11: {  	s22 =	simm.s32 $0x6;
	s6 =	sshrl.u32 s20, $0x3;
	s5 =	sadd.s32 s5, s0  }
0x12: {  	s26 =	smax.u32 s7, $0x1;
	s13 =	sshrl.u32 s9, $0x3;
	s20 =	simm.s32 $0x5  }
0x13: {  	s7 =	simm.s32 $0xB;
	s9 =	simm.s32 $0xD;
	s6 =	sadd.s32 s6, s0  }
0x14: {  	s0 =	sadd.s32 $0x34C00, s0;
	s5 =	sadd.s32 $0x2AC00, s5;
	[dreg:$0x9] =	wrdreg s26  }
0x15: {  	s26 =	simm.s32 $0x8;
	[dreg:$0xa] =	wrdreg s13;
	s6 =	sadd.s32 $0x2800, s6  }
0x16: {  	[dreg:$0x6] =	wrdreg s5;
	s24 =	sadd.s32 s0, s23;
	s0 =	sadd.s32 s0, s2  }
0x17: {  	s23 =	simm.s32 $0x12E40;
	s2 =	simm.s32 $0xF;
	[dreg:$0x5] =	wrdreg s6  }
0x18: {  	s5 =	simm.s32 $0x0;
	[dreg:$0x7] =	wrdreg s0;
	s25 =	sadd.s32 $0x9C00, s24  }
0x19: {  	s0 =	sshrl.u32 @!p0 s10, $0x3;
	s24 =	simm.s32 $0x7;
	[dreg:$0xc] =	wrdreg s5  }
0x1a: {  	s6 =	simm.s32 $0xA;
	s10 =	simm.s32 $0xE;
	[dreg:$0x8] =	wrdreg s25  }
0x1b: {  	[dreg:$0xb] =	wrdreg s0;
	s25 =	simm.s32 $0x13E40;
	s0 =	simm.s32 $0x2  }
.LBB2_1:
0x1c: {  	s5 =	rddreg [dreg:$0x3]  }
0x1d: {  	[spmem:s13], [sflag:s12] =	dma.local [hbm:s5], $0x9C0  }
0x1e: {  	_ =	swait.ge [sflag:s11], $0x9C0  }
0x1f: {  	[sflag:s11] =	ssyncset.done $0x0  }
0x20: {  	s13 =	rddreg [dreg:$0xb];
	[sflag:s11] =	ssyncadd.s32 $0xFFFFF640  }
0x21: {  	[spmem:s13], [sflag:s12] =	dma.local @!p0 [hbm:s5], $0x80  }
0x22: {  	s5 =	simm.s32 @!p0 $0x11  }
0x23: {  	_ =	swait.ge @!p0 [sflag:s5], $0x80  }
0x24: {  	[sflag:s5] =	ssyncset.done @!p0 $0x0  }
0x25: {  	s13 =	rddreg [dreg:$0x5];
	[sflag:s5] =	ssyncadd.s32 @!p0 $0xFFFFFF80;
	s5 =	simm.s32 $0x0  }
0x26: {  	[tilespmem:s5], [sflag:$0x11] =	stream.linear.gather [hbm4b:s13+s5], $0x5000, $0x38;
	[tilespmem:$0x16E40] =	vst v63  }
0x27: {  	_ =	swait.ge [sflag:s11], $0x5000  }
0x28: {  	[sflag:s11] =	ssyncset.done $0x0  }
0x29: {  	s13 =	simm.s32 $0x5000;
	s12 =	rddreg [dreg:$0x6];
	[sflag:s11] =	ssyncadd.s32 $0xFFFFB000  }
0x2a: {  	[tilespmem:s13], [sflag:$0x11] =	stream.linear.gather [hbm4b:s12+s5], $0x5000, $0x38;
	[tilespmem:$0x16E40] =	vst v63  }
0x2b: {  	_ =	swait.ge [sflag:s11], $0x5000  }
0x2c: {  	[sflag:s11] =	ssyncset.done $0x0  }
0x2d: {  	[sflag:s11] =	ssyncadd.s32 $0xFFFFB000  }
0x2e: {  	[tilespmem:s16], [sflag:$0x1] =	stream.indirect.gather [hbm4b:s3+s15], $0x20, s5, s15, $0xb8;
	[tilespmem:$0x16E40] =	vst v63  }
0x2f: {  	_ = 	snop  }
0x30: {  	[tilespmem:s17], [sflag:$0x2] =	stream.indirect.gather [hbm4b:s3+s15], $0x20, s15, s15, $0xb8;
	[tilespmem:$0x16E40] =	vst v63  }
0x31: {  	s11 =	simm.s32 $0x100  }
0x32: {  	[tilespmem:s19], [sflag:$0x3] =	stream.indirect.gather [hbm4b:s3+s15], $0x20, s11, s15, $0xb8;
	[tilespmem:$0x16E40] =	vst v63  }
0x33: {  	s12 =	simm.s32 $0x180  }
0x34: {  	[tilespmem:s21], [sflag:$0x4] =	stream.indirect.gather [hbm4b:s3+s15], $0x20, s12, s15, $0xb8;
	[tilespmem:$0x16E40] =	vst v63  }
0x35: {  	s13 =	simm.s32 $0x200  }
0x36: {  	[tilespmem:s23], [sflag:$0x5] =	stream.indirect.gather [hbm4b:s3+s15], $0x20, s13, s15, $0xb8;
	[tilespmem:$0x16E40] =	vst v63  }
0x37: {  	s11 =	simm.s32 $0x280  }
0x38: {  	[tilespmem:s25], [sflag:$0x6] =	stream.indirect.gather [hbm4b:s3+s15], $0x20, s11, s15, $0xb8;
	[tilespmem:$0x16E40] =	vst v63  }
0x39: {  	s12 =	simm.s32 $0x300  }
0x3a: {  	[tilespmem:s28], [sflag:$0x7] =	stream.indirect.gather [hbm4b:s3+s15], $0x20, s12, s15, $0xb8;
	[tilespmem:$0x16E40] =	vst v63  }
0x3b: {  	s13 =	simm.s32 $0x380  }
0x3c: {  	[tilespmem:s30], [sflag:$0x8] =	stream.indirect.gather [hbm4b:s3+s15], $0x20, s13, s15, $0xb8;
	[tilespmem:$0x16E40] =	vst v63  }
0x3d: {  	[bflag:$0x0] =	sbarrier.arrive $0xFFFF  }
0x3e: {  	_ =	swait.ge [sflag:s31], $0x1000  }
0x3f: {  	[sflag:s31] =	ssyncset.done $0x0  }
0x40: {  	s11 =	simm.s32 $0x5000;
	[sflag:s31] =	ssyncadd.s32 $0xFFFFF000  }
0x41: {  	[spmem:s1] =	stream.indirect.scatter.add.bf16 [tilespmem:s16], [sflag:$0x9], $0x20, s11, s15, $0xb8;
	[tilespmem:$0x16E40] =	vst v63  }
0x42: {  	_ =	swait.ge [sflag:s0], $0x1000  }
0x43: {  	[sflag:s0] =	ssyncset.done $0x0  }
0x44: {  	s12 =	simm.s32 $0x5080;
	[sflag:s0] =	ssyncadd.s32 $0xFFFFF000  }
0x45: {  	[spmem:s1] =	stream.indirect.scatter.add.bf16 [tilespmem:s17], [sflag:$0xA], $0x20, s12, s15, $0xb8;
	[tilespmem:$0x16E40] =	vst v63  }
0x46: {  	_ =	swait.ge [sflag:s14], $0x1000  }
0x47: {  	[sflag:s14] =	ssyncset.done $0x0  }
0x48: {  	s13 =	simm.s32 $0x5100;
	[sflag:s14] =	ssyncadd.s32 $0xFFFFF000  }
0x49: {  	[spmem:s1] =	stream.indirect.scatter.add.bf16 [tilespmem:s19], [sflag:$0xB], $0x20, s13, s15, $0xb8;
	[tilespmem:$0x16E40] =	vst v63  }
0x4a: {  	_ =	swait.ge [sflag:s18], $0x1000  }
0x4b: {  	[sflag:s18] =	ssyncset.done $0x0  }
0x4c: {  	s11 =	simm.s32 $0x5180;
	[sflag:s18] =	ssyncadd.s32 $0xFFFFF000  }
0x4d: {  	[spmem:s1] =	stream.indirect.scatter.add.bf16 [tilespmem:s21], [sflag:$0xC], $0x20, s11, s15, $0xb8;
	[tilespmem:$0x16E40] =	vst v63  }
0x4e: {  	_ =	swait.ge [sflag:s20], $0x1000  }
0x4f: {  	[sflag:s20] =	ssyncset.done $0x0  }
0x50: {  	s12 =	simm.s32 $0x5200;
	[sflag:s20] =	ssyncadd.s32 $0xFFFFF000  }
0x51: {  	[spmem:s1] =	stream.indirect.scatter.add.bf16 [tilespmem:s23], [sflag:$0xD], $0x20, s12, s15, $0xb8;
	[tilespmem:$0x16E40] =	vst v63  }
0x52: {  	_ =	swait.ge [sflag:s22], $0x1000  }
0x53: {  	[sflag:s22] =	ssyncset.done $0x0  }
0x54: {  	s13 =	simm.s32 $0x5280;
	[sflag:s22] =	ssyncadd.s32 $0xFFFFF000  }
0x55: {  	[spmem:s1] =	stream.indirect.scatter.add.bf16 [tilespmem:s25], [sflag:$0xE], $0x20, s13, s15, $0xb8;
	[tilespmem:$0x16E40] =	vst v63  }
0x56: {  	_ =	swait.ge [sflag:s24], $0x1000  }
0x57: {  	[sflag:s24] =	ssyncset.done $0x0  }
0x58: {  	s11 =	simm.s32 $0x5300;
	[sflag:s24] =	ssyncadd.s32 $0xFFFFF000  }
0x59: {  	[spmem:s1] =	stream.indirect.scatter.add.bf16 [tilespmem:s28], [sflag:$0xF], $0x20, s11, s15, $0xb8;
	[tilespmem:$0x16E40] =	vst v63  }
0x5a: {  	_ =	swait.ge [sflag:s26], $0x1000  }
0x5b: {  	[sflag:s26] =	ssyncset.done $0x0  }
0x5c: {  	s12 =	simm.s32 $0x5380;
	[sflag:s26] =	ssyncadd.s32 $0xFFFFF000  }
0x5d: {  	[spmem:s1] =	stream.indirect.scatter.add.bf16 [tilespmem:s30], [sflag:$0x10], $0x20, s12, s15, $0xb8;
	[tilespmem:$0x16E40] =	vst v63  }
0x5e: {  	_ =	swait.ge [sflag:s29], $0x1000  }
0x5f: {  	[sflag:s29] =	ssyncset.done $0x0  }
0x60: {  	s13 =	simm.s32 $0x400;
	[sflag:s29] =	ssyncadd.s32 $0xFFFFF000  }
0x61: {  	[tilespmem:s16], [sflag:$0x1] =	stream.indirect.gather [hbm4b:s3+s15], $0x20, s13, s15, $0xb8;
	[tilespmem:$0x16E40] =	vst v63  }
0x62: {  	_ =	swait.ge [sflag:s6], $0x1000  }
0x63: {  	[sflag:s6] =	ssyncset.done $0x0  }
0x64: {  	s11 =	simm.s32 $0x480;
	[sflag:s6] =	ssyncadd.s32 $0xFFFFF000  }
0x65: {  	[tilespmem:s17], [sflag:$0x2] =	stream.indirect.gather [hbm4b:s3+s15], $0x20, s11, s15, $0xb8;
	[tilespmem:$0x16E40] =	vst v63  }
0x66: {  	_ =	swait.ge [sflag:s7], $0x1000  }
0x67: {  	[sflag:s7] =	ssyncset.done $0x0  }
0x68: {  	s12 =	simm.s32 $0x500;
	[sflag:s7] =	ssyncadd.s32 $0xFFFFF000  }
0x69: {  	[tilespmem:s19], [sflag:$0x3] =	stream.indirect.gather [hbm4b:s3+s15], $0x20, s12, s15, $0xb8;
	[tilespmem:$0x16E40] =	vst v63  }
0x6a: {  	_ =	swait.ge [sflag:s8], $0x1000  }
0x6b: {  	[sflag:s8] =	ssyncset.done $0x0  }
0x6c: {  	s13 =	simm.s32 $0x580;
	[sflag:s8] =	ssyncadd.s32 $0xFFFFF000  }
0x6d: {  	[tilespmem:s21], [sflag:$0x4] =	stream.indirect.gather [hbm4b:s3+s15], $0x20, s13, s15, $0xb8;
	[tilespmem:$0x16E40] =	vst v63  }
0x6e: {  	_ =	swait.ge [sflag:s9], $0x1000  }
0x6f: {  	[sflag:s9] =	ssyncset.done $0x0  }
0x70: {  	s11 =	simm.s32 $0x600;
	[sflag:s9] =	ssyncadd.s32 $0xFFFFF000  }
0x71: {  	[tilespmem:s23], [sflag:$0x5] =	stream.indirect.gather [hbm4b:s3+s15], $0x20, s11, s15, $0xb8;
	[tilespmem:$0x16E40] =	vst v63  }
0x72: {  	_ =	swait.ge [sflag:s10], $0x1000  }
0x73: {  	[sflag:s10] =	ssyncset.done $0x0  }
0x74: {  	s12 =	simm.s32 $0x680;
	[sflag:s10] =	ssyncadd.s32 $0xFFFFF000  }
0x75: {  	[tilespmem:s25], [sflag:$0x6] =	stream.indirect.gather [hbm4b:s3+s15], $0x20, s12, s15, $0xb8;
	[tilespmem:$0x16E40] =	vst v63  }
0x76: {  	_ =	swait.ge [sflag:s2], $0x1000  }
0x77: {  	[sflag:s2] =	ssyncset.done $0x0  }
0x78: {  	s13 =	simm.s32 $0x700;
	[sflag:s2] =	ssyncadd.s32 $0xFFFFF000  }
0x79: {  	[tilespmem:s28], [sflag:$0x7] =	stream.indirect.gather [hbm4b:s3+s15], $0x20, s13, s15, $0xb8;
	[tilespmem:$0x16E40] =	vst v63  }
0x7a: {  	_ =	swait.ge [sflag:s4], $0x1000  }
0x7b: {  	[sflag:s4] =	ssyncset.done $0x0  }
0x7c: {  	s5 =	simm.s32 $0x780;
	s13 =	simm.s32 $0x1000;
	[sflag:s4] =	ssyncadd.s32 $0xFFFFF000  }
.LBB2_2:
0x7d: {  	[tilespmem:s30], [sflag:$0x8] =	stream.indirect.gather [hbm4b:s3+s15], $0x20, s5, s15, $0xb8;
	[tilespmem:$0x16E40] =	vst v63  }
0x7e: {  	s5 =	smov.u32 s13  }
0x7f: {  	p1 =	sne.s32 s13, $0x12000;
	s13 =	sadd.s32 $0x1000, s13;
	_ =	swait.ge [sflag:s31], $0x1000  }
0x80: {  	s5 =	sshra.s32 s5, $0x2;
	[sflag:s31] =	ssyncset.done $0x0  }
0x81: {  	s12 =	sadd.s32 $0x5000, s5;
	[sflag:s31] =	ssyncadd.s32 $0xFFFFF000  }
0x82: {  	[spmem:s1] =	stream.indirect.scatter.add.bf16 [tilespmem:s16], [sflag:$0x9], $0x20, s12, s15, $0xb8;
	[tilespmem:$0x16E40] =	vst v63  }
0x83: {  	_ =	swait.ge [sflag:s0], $0x1000  }
0x84: {  	[sflag:s0] =	ssyncset.done $0x0  }
0x85: {  	s12 =	sadd.s32 $0x5080, s5;
	[sflag:s0] =	ssyncadd.s32 $0xFFFFF000  }
0x86: {  	[spmem:s1] =	stream.indirect.scatter.add.bf16 [tilespmem:s17], [sflag:$0xA], $0x20, s12, s15, $0xb8;
	[tilespmem:$0x16E40] =	vst v63  }
0x87: {  	_ =	swait.ge [sflag:s14], $0x1000  }
0x88: {  	[sflag:s14] =	ssyncset.done $0x0  }
0x89: {  	s12 =	sadd.s32 $0x5100, s5;
	[sflag:s14] =	ssyncadd.s32 $0xFFFFF000  }
0x8a: {  	[spmem:s1] =	stream.indirect.scatter.add.bf16 [tilespmem:s19], [sflag:$0xB], $0x20, s12, s15, $0xb8;
	[tilespmem:$0x16E40] =	vst v63  }
0x8b: {  	_ =	swait.ge [sflag:s18], $0x1000  }
0x8c: {  	[sflag:s18] =	ssyncset.done $0x0  }
0x8d: {  	s12 =	sadd.s32 $0x5180, s5;
	[sflag:s18] =	ssyncadd.s32 $0xFFFFF000  }
0x8e: {  	[spmem:s1] =	stream.indirect.scatter.add.bf16 [tilespmem:s21], [sflag:$0xC], $0x20, s12, s15, $0xb8;
	[tilespmem:$0x16E40] =	vst v63  }
0x8f: {  	_ =	swait.ge [sflag:s20], $0x1000  }
0x90: {  	[sflag:s20] =	ssyncset.done $0x0  }
0x91: {  	s12 =	sadd.s32 $0x5200, s5;
	[sflag:s20] =	ssyncadd.s32 $0xFFFFF000  }
0x92: {  	[spmem:s1] =	stream.indirect.scatter.add.bf16 [tilespmem:s23], [sflag:$0xD], $0x20, s12, s15, $0xb8;
	[tilespmem:$0x16E40] =	vst v63  }
0x93: {  	_ =	swait.ge [sflag:s22], $0x1000  }
0x94: {  	[sflag:s22] =	ssyncset.done $0x0  }
0x95: {  	s12 =	sadd.s32 $0x5280, s5;
	[sflag:s22] =	ssyncadd.s32 $0xFFFFF000  }
0x96: {  	[spmem:s1] =	stream.indirect.scatter.add.bf16 [tilespmem:s25], [sflag:$0xE], $0x20, s12, s15, $0xb8;
	[tilespmem:$0x16E40] =	vst v63  }
0x97: {  	_ =	swait.ge [sflag:s24], $0x1000  }
0x98: {  	[sflag:s24] =	ssyncset.done $0x0  }
0x99: {  	s12 =	sadd.s32 $0x5300, s5;
	[sflag:s24] =	ssyncadd.s32 $0xFFFFF000  }
0x9a: {  	[spmem:s1] =	stream.indirect.scatter.add.bf16 [tilespmem:s28], [sflag:$0xF], $0x20, s12, s15, $0xb8;
	[tilespmem:$0x16E40] =	vst v63  }
0x9b: {  	_ =	swait.ge [sflag:s26], $0x1000  }
0x9c: {  	[sflag:s26] =	ssyncset.done $0x0  }
0x9d: {  	s12 =	sadd.s32 $0x5380, s5;
	[sflag:s26] =	ssyncadd.s32 $0xFFFFF000  }
0x9e: {  	[spmem:s1] =	stream.indirect.scatter.add.bf16 [tilespmem:s30], [sflag:$0x10], $0x20, s12, s15, $0xb8;
	[tilespmem:$0x16E40] =	vst v63  }
0x9f: {  	_ =	swait.ge [sflag:s29], $0x1000  }
0xa0: {  	[sflag:s29] =	ssyncset.done $0x0  }
0xa1: {  	s12 =	sadd.s32 $0x400, s5;
	[sflag:s29] =	ssyncadd.s32 $0xFFFFF000  }
0xa2: {  	[tilespmem:s16], [sflag:$0x1] =	stream.indirect.gather [hbm4b:s3+s15], $0x20, s12, s15, $0xb8;
	[tilespmem:$0x16E40] =	vst v63  }
0xa3: {  	_ =	swait.ge [sflag:s6], $0x1000  }
0xa4: {  	[sflag:s6] =	ssyncset.done $0x0  }
0xa5: {  	s12 =	sadd.s32 $0x480, s5;
	[sflag:s6] =	ssyncadd.s32 $0xFFFFF000  }
0xa6: {  	[tilespmem:s17], [sflag:$0x2] =	stream.indirect.gather [hbm4b:s3+s15], $0x20, s12, s15, $0xb8;
	[tilespmem:$0x16E40] =	vst v63  }
0xa7: {  	_ =	swait.ge [sflag:s7], $0x1000  }
0xa8: {  	[sflag:s7] =	ssyncset.done $0x0  }
0xa9: {  	s12 =	sadd.s32 $0x500, s5;
	[sflag:s7] =	ssyncadd.s32 $0xFFFFF000  }
0xaa: {  	[tilespmem:s19], [sflag:$0x3] =	stream.indirect.gather [hbm4b:s3+s15], $0x20, s12, s15, $0xb8;
	[tilespmem:$0x16E40] =	vst v63  }
0xab: {  	_ =	swait.ge [sflag:s8], $0x1000  }
0xac: {  	[sflag:s8] =	ssyncset.done $0x0  }
0xad: {  	s12 =	sadd.s32 $0x580, s5;
	[sflag:s8] =	ssyncadd.s32 $0xFFFFF000  }
0xae: {  	[tilespmem:s21], [sflag:$0x4] =	stream.indirect.gather [hbm4b:s3+s15], $0x20, s12, s15, $0xb8;
	[tilespmem:$0x16E40] =	vst v63  }
0xaf: {  	_ =	swait.ge [sflag:s9], $0x1000  }
0xb0: {  	[sflag:s9] =	ssyncset.done $0x0  }
0xb1: {  	s12 =	sadd.s32 $0x600, s5;
	[sflag:s9] =	ssyncadd.s32 $0xFFFFF000  }
0xb2: {  	[tilespmem:s23], [sflag:$0x5] =	stream.indirect.gather [hbm4b:s3+s15], $0x20, s12, s15, $0xb8;
	[tilespmem:$0x16E40] =	vst v63  }
0xb3: {  	_ =	swait.ge [sflag:s10], $0x1000  }
0xb4: {  	[sflag:s10] =	ssyncset.done $0x0  }
0xb5: {  	s12 =	sadd.s32 $0x680, s5;
	[sflag:s10] =	ssyncadd.s32 $0xFFFFF000  }
0xb6: {  	[tilespmem:s25], [sflag:$0x6] =	stream.indirect.gather [hbm4b:s3+s15], $0x20, s12, s15, $0xb8;
	[tilespmem:$0x16E40] =	vst v63  }
0xb7: {  	_ =	swait.ge [sflag:s2], $0x1000  }
0xb8: {  	[sflag:s2] =	ssyncset.done $0x0  }
.Ltmp0:
0xb9: {  	s12 =	sadd.s32 $0x700, s5;
	[sflag:s2] =	ssyncadd.s32 $0xFFFFF000;
	(pc) =	sbr.rel @p1 .LBB2_2-.Ltmp0, $4  }
0xba: {  	[tilespmem:s28], [sflag:$0x7] =	stream.indirect.gather [hbm4b:s3+s15], $0x20, s12, s15, $0xb8;
	[tilespmem:$0x16E40] =	vst v63  }
0xbb: {  	_ =	swait.ge [sflag:s4], $0x1000  }
0xbc: {  	[sflag:s4] =	ssyncset.done $0x0  }
0xbd: {  	s5 =	sadd.s32 $0x780, s5;
	[sflag:s4] =	ssyncadd.s32 $0xFFFFF000  }
0xbe: {  	[tilespmem:s30], [sflag:$0x8] =	stream.indirect.gather [hbm4b:s3+s15], $0x20, s5, s15, $0xb8;
	[tilespmem:$0x16E40] =	vst v63  }
0xbf: {  	_ =	swait.ge [sflag:s31], $0x1000  }
0xc0: {  	[sflag:s31] =	ssyncset.done $0x0  }
0xc1: {  	s11 =	simm.s32 $0x9C00;
	[sflag:s31] =	ssyncadd.s32 $0xFFFFF000  }
0xc2: {  	[spmem:s1] =	stream.indirect.scatter.add.bf16 [tilespmem:s16], [sflag:$0x9], $0x20, s11, s15, $0xb8;
	[tilespmem:$0x16E40] =	vst v63  }
0xc3: {  	_ =	swait.ge [sflag:s0], $0x1000  }
0xc4: {  	[sflag:s0] =	ssyncset.done $0x0  }
0xc5: {  	s12 =	simm.s32 $0x9C80;
	[sflag:s0] =	ssyncadd.s32 $0xFFFFF000  }
0xc6: {  	[spmem:s1] =	stream.indirect.scatter.add.bf16 [tilespmem:s17], [sflag:$0xA], $0x20, s12, s15, $0xb8;
	[tilespmem:$0x16E40] =	vst v63  }
0xc7: {  	_ =	swait.ge [sflag:s14], $0x1000  }
0xc8: {  	[sflag:s14] =	ssyncset.done $0x0  }
0xc9: {  	s13 =	simm.s32 $0x9D00;
	[sflag:s14] =	ssyncadd.s32 $0xFFFFF000  }
0xca: {  	[spmem:s1] =	stream.indirect.scatter.add.bf16 [tilespmem:s19], [sflag:$0xB], $0x20, s13, s15, $0xb8;
	[tilespmem:$0x16E40] =	vst v63  }
0xcb: {  	_ =	swait.ge [sflag:s18], $0x1000  }
0xcc: {  	[sflag:s18] =	ssyncset.done $0x0  }
0xcd: {  	s11 =	simm.s32 $0x9D80;
	[sflag:s18] =	ssyncadd.s32 $0xFFFFF000  }
0xce: {  	[spmem:s1] =	stream.indirect.scatter.add.bf16 [tilespmem:s21], [sflag:$0xC], $0x20, s11, s15, $0xb8;
	[tilespmem:$0x16E40] =	vst v63  }
0xcf: {  	_ =	swait.ge [sflag:s20], $0x1000  }
0xd0: {  	[sflag:s20] =	ssyncset.done $0x0  }
0xd1: {  	s12 =	simm.s32 $0x9E00;
	[sflag:s20] =	ssyncadd.s32 $0xFFFFF000  }
0xd2: {  	[spmem:s1] =	stream.indirect.scatter.add.bf16 [tilespmem:s23], [sflag:$0xD], $0x20, s12, s15, $0xb8;
	[tilespmem:$0x16E40] =	vst v63  }
0xd3: {  	_ =	swait.ge [sflag:s22], $0x1000  }
0xd4: {  	[sflag:s22] =	ssyncset.done $0x0  }
0xd5: {  	s13 =	simm.s32 $0x9E80;
	[sflag:s22] =	ssyncadd.s32 $0xFFFFF000  }
0xd6: {  	[spmem:s1] =	stream.indirect.scatter.add.bf16 [tilespmem:s25], [sflag:$0xE], $0x20, s13, s15, $0xb8;
	[tilespmem:$0x16E40] =	vst v63  }
0xd7: {  	_ =	swait.ge [sflag:s24], $0x1000  }
0xd8: {  	[sflag:s24] =	ssyncset.done $0x0  }
0xd9: {  	s11 =	simm.s32 $0x9F00;
	[sflag:s24] =	ssyncadd.s32 $0xFFFFF000  }
0xda: {  	[spmem:s1] =	stream.indirect.scatter.add.bf16 [tilespmem:s28], [sflag:$0xF], $0x20, s11, s15, $0xb8;
	[tilespmem:$0x16E40] =	vst v63  }
0xdb: {  	_ =	swait.ge [sflag:s26], $0x1000  }
0xdc: {  	[sflag:s26] =	ssyncset.done $0x0  }
0xdd: {  	s12 =	simm.s32 $0x9F80;
	[sflag:s26] =	ssyncadd.s32 $0xFFFFF000  }
0xde: {  	[spmem:s1] =	stream.indirect.scatter.add.bf16 [tilespmem:s30], [sflag:$0x10], $0x20, s12, s15, $0xb8;
	[tilespmem:$0x16E40] =	vst v63  }
0xdf: {  	_ =	swait.ge [sflag:s29], $0x1000  }
0xe0: {  	[sflag:s29] =	ssyncset.done $0x0  }
0xe1: {  	[sflag:s29] =	ssyncadd.s32 $0xFFFFF000  }
0xe2: {  	_ =	swait.ge [sflag:s6], $0x1000  }
0xe3: {  	[sflag:s6] =	ssyncset.done $0x0  }
0xe4: {  	[sflag:s6] =	ssyncadd.s32 $0xFFFFF000  }
0xe5: {  	_ =	swait.ge [sflag:s7], $0x1000  }
0xe6: {  	[sflag:s7] =	ssyncset.done $0x0  }
0xe7: {  	[sflag:s7] =	ssyncadd.s32 $0xFFFFF000  }
0xe8: {  	_ =	swait.ge [sflag:s8], $0x1000  }
0xe9: {  	[sflag:s8] =	ssyncset.done $0x0  }
0xea: {  	[sflag:s8] =	ssyncadd.s32 $0xFFFFF000  }
0xeb: {  	_ =	swait.ge [sflag:s9], $0x1000  }
0xec: {  	[sflag:s9] =	ssyncset.done $0x0  }
0xed: {  	[sflag:s9] =	ssyncadd.s32 $0xFFFFF000  }
0xee: {  	_ =	swait.ge [sflag:s10], $0x1000  }
0xef: {  	[sflag:s10] =	ssyncset.done $0x0  }
0xf0: {  	[sflag:s10] =	ssyncadd.s32 $0xFFFFF000  }
0xf1: {  	_ =	swait.ge [sflag:s2], $0x1000  }
0xf2: {  	[sflag:s2] =	ssyncset.done $0x0  }
0xf3: {  	[sflag:s2] =	ssyncadd.s32 $0xFFFFF000  }
0xf4: {  	_ =	swait.ge [sflag:s4], $0x1000  }
0xf5: {  	[sflag:s4] =	ssyncset.done $0x0  }
0xf6: {  	[sflag:s4] =	ssyncadd.s32 $0xFFFFF000  }
0xf7: {  	[bflag:$0x0] =	sbarrier.arrive $0xFFFF  }
0xf8: {  	s12 =	rddreg [dreg:$0x4]  }
0xf9: {  	s13 =	rddreg [dreg:$0x7]  }
0xfa: {  	s11 =	rddreg [dreg:$0xa]  }
0xfb: {  	[hbm:s13], [sflag:s12] =	dma.local [spmem:s11], $0x9C0  }
0xfc: {  	s13 =	simm.s32 $0x11  }
0xfd: {  	_ =	swait.ge [sflag:s13], $0x9C0  }
0xfe: {  	[sflag:s13] =	ssyncset.done $0x0;
	s5 =	rddreg [dreg:$0x8]  }
0xff: {  	[sflag:s13] =	ssyncadd.s32 $0xFFFFF640;
	s13 =	rddreg [dreg:$0xb]  }
0x100: {  	[hbm:s5], [sflag:s12] =	dma.local @!p0 [spmem:s13], $0x80  }
0x101: {  	s13 =	simm.s32 @!p0 $0x11  }
0x102: {  	_ =	swait.ge @!p0 [sflag:s13], $0x80  }
0x103: {  	s5 =	rddreg [dreg:$0xc]  }
0x104: {  	[sflag:s13] =	ssyncset.done @!p0 $0x0;
	s13 =	rddreg [dreg:$0x9];
	s5 =	sadd.s32 $0x1, s5  }
0x105: {  	p1 =	sne.s32 s5, s13  }
.Ltmp1:
0x106: {  	_ = 	snop;
	(pc) =	sbr.rel @p1 .LBB2_1-.Ltmp1, $3  }
0x107: {  	_ =	sdelay $0x1  }
0x108: {  	[dreg:$0xc] =	wrdreg s5;
	s5 =	simm.s32 @!p0 $0x11  }
0x109: {  	s13 =	smov.u32 s11;
	s11 =	simm.s32 $0x11;
	[sflag:s5] =	ssyncadd.s32 @!p0 $0xFFFFFF80  }
0x10a: {  	_ =	sfence.sel $0x180000  }
0x10b: {  	[bflag:$0x0] =	sbarrier.arrive $0xFFFF  }
0x10c: {  	_ =	strace $0x9000004A  }
0x10d: {  	[bflag:$0x2] =	sbarrier.arrive $0xFFFF  }
0x10e: {  	s0 =	rddreg [dreg:$0x2]  }
0x10f: {  	s0 =	sadd.s32 @!p0 $0x100000, s0  }
0x110: {  	[sflag:s0] =	ssyncadd.tile.s32 @!p0 $0x1;
	_ =	shalt  }
.Lfunc_end2:
_tile_overlayer_lowered:
.L_overlay_start_2:
0x111: {  	(tag) =	ssettag $0x2  }
0x112: {  	s0 =	rddreg [dreg:$0x0];
	s2 =	stileid.u32  }
0x113: {  	s1 =	rddreg [dreg:$0x1];
	p0 =	sne.s32 s2, $0x0  }
0x114: {  	s3 =	rddreg [dreg:$0x2];
	[bflag:$0x3] =	sbarrier.arrive $0xFFFF;
	s2 =	simm.s32 @!p0 $0x1C11  }
0x115: {  	[timem:s3], [sflag:s2] =	dma.local @!p0 [hbm:s0], s1  }
0x116: {  	s0 =	simm.s32 @!p0 $0x11  }
0x117: {  	_ =	swait.ge @!p0 [sflag:s0], s1  }
0x118: {  	s1 =	ssub.s32 @!p0 $0x0, s1;
	[sflag:s0] =	ssyncset.done @!p0 $0x0  }
0x119: {  	[sflag:s0] =	ssyncadd.s32 @!p0 s1  }
0x11a: {  	[bflag:$0x3] =	sbarrier.arrive $0xFFFF  }
0x11b: {  	_ =	shalt  }

</sc_bundles>
